<compile_context>
chip_gen: v7x
topology: tpu7x:2x2x1
jax: 0.10.2.dev20260603
libtpu: 0.0.44.dev20260713+nightly
codegen_flags: <defaults>
</compile_context>

<pallas_src>
import jax
import jax.numpy as jnp
from jax import lax
from jax.experimental import pallas as pl
from jax.experimental.pallas import tpu as pltpu
from jax.experimental.pallas import tpu_sc as plsc

NC = 2
NS = 16
NW = NC * NS
LANES = 16
CH = 128


def _largest_div(n, limit, mult):
    best = mult
    for d in range(mult, limit + 1, mult):
        if n % d == 0:
            best = d
    return best


def _make_sc_agg(N, E, D, with_counts):
    NCHT = E // CH
    Q, R_ = divmod(NCHT, NW)
    PQ = Q // 2
    EXTRA = (Q - 2 * PQ) + (1 if R_ else 0)
    RSTEP = (N // NS) // 8 * 8
    RLEN = N - (NS - 1) * RSTEP
    ZR = _largest_div(RLEN, 16, 8)
    NZ = RLEN // ZR
    PB = _largest_div(RLEN, CH, 8)
    NPUB = RLEN // PB

    mesh = plsc.VectorSubcoreMesh(core_axis_name="c", subcore_axis_name="s",
                                  num_cores=NC, num_subcores=NS)

    out_type = [jax.ShapeDtypeStruct((NC, N, D), jnp.float32)]
    if with_counts:
        out_type.append(jax.ShapeDtypeStruct((NC * N,), jnp.float32))

    scratch = [
        pltpu.VMEM((2, CH), jnp.int32),
        pltpu.VMEM((2, CH), jnp.int32),
        pltpu.VMEM((CH,), jnp.int32),
        pltpu.VMEM((CH,), jnp.int32),
        pltpu.VMEM((CH, D), jnp.float32),
        pltpu.VMEM((CH, D), jnp.float32),
        pltpu.VMEM((ZR, D), jnp.float32),
        pltpu.VMEM_SHARED((N, D), jnp.float32),
        pltpu.SemaphoreType.DMA,
        pltpu.SemaphoreType.DMA,
        pltpu.SemaphoreType.DMA,
        pltpu.SemaphoreType.DMA,
        pltpu.SemaphoreType.DMA,
        pltpu.SemaphoreType.DMA,
        pltpu.SemaphoreType.DMA,
    ]
    if with_counts:
        scratch += [
            pltpu.VMEM((CH,), jnp.float32),
            pltpu.VMEM((RLEN,), jnp.float32),
            pltpu.VMEM_SHARED((N,), jnp.float32),
        ]

    def body(table_hbm, ei_hbm, *refs):
        refs = list(refs)
        acc_out = refs.pop(0)
        if with_counts:
            cnt_out = refs.pop(0)
        (eib0, eib1, dstb0, dstb1, rows0, rows1, z2d, acc_sh,
         semg0, semg1, sems0, sems1, semi0, semi1, semz) = refs[:15]
        refs = refs[15:]
        if with_counts:
            ones_v, zrow, cnt_sh = refs
        c = lax.axis_index("c")
        s = lax.axis_index("s")
        wid = c * NS + s
        nf = Q + jnp.where(wid < R_, 1, 0)
        ch0 = wid * Q + jnp.minimum(wid, R_)

        def start_eib(i, eib, semi):
            pltpu.async_copy(ei_hbm.at[:, pl.ds((ch0 + i) * CH, CH)], eib,
                             semi)

        def wait_eib(eib, semi):
            pltpu.make_async_copy(ei_hbm.at[:, pl.ds(0, CH)], eib,
                                  semi).wait()

        def copy_idx(eib, dstb):
            for j in range(CH // LANES):
                sl = pl.ds(j * LANES, LANES)
                dstb[sl] = eib[1, sl]

        def start_gather(eib, rows, semg):
            pltpu.async_copy(table_hbm.at[eib.at[0]], rows, semg)

        def wait_gather(rows, semg):
            pltpu.make_async_copy(table_hbm.at[pl.ds(0, CH)], rows,
                                  semg).wait()

        def start_scatter(rows, dstb, sems):
            pltpu.async_copy(rows, acc_sh.at[dstb], sems, add=True)
            if with_counts:
                pltpu.async_copy(ones_v, cnt_sh.at[dstb], sems, add=True)

        def wait_scatter(rows, dstb, sems):
            pltpu.make_async_copy(rows, acc_sh.at[dstb], sems).wait()
            if with_counts:
                pltpu.make_async_copy(ones_v, cnt_sh.at[dstb], sems).wait()

        if PQ > 0:
            pltpu.sync_copy(ei_hbm.at[:, pl.ds(ch0 * CH, CH)], eib0)
            copy_idx(eib0, dstb0)
            start_gather(eib0, rows0, semg0)
            start_eib(1, eib1, semi1)

        @pl.loop(0, ZR)
        def _(r):
            for j in range(D // LANES):
                z2d[r, pl.ds(j * LANES, LANES)] = jnp.zeros(
                    (LANES,), jnp.float32)

        row0 = s * RSTEP

        @pl.loop(0, NZ)
        def _(k):
            pltpu.async_copy(z2d, acc_sh.at[pl.ds(row0 + k * ZR, ZR)],
                             semz)

        @pl.loop(0, NZ)
        def _(k):
            pltpu.make_async_copy(z2d, acc_sh.at[pl.ds(row0 + k * ZR, ZR)],
                                  semz).wait()

        if with_counts:
            @pl.loop(0, RLEN // LANES)
            def _(i):
                zrow[pl.ds(i * LANES, LANES)] = jnp.zeros(
                    (LANES,), jnp.float32)

            @pl.loop(0, CH // LANES)
            def _(i):
                ones_v[pl.ds(i * LANES, LANES)] = jnp.ones(
                    (LANES,), jnp.float32)
            pltpu.sync_copy(zrow, cnt_sh.at[pl.ds(row0, RLEN)])

        plsc.subcore_barrier()

        if PQ > 0:
            @pl.loop(0, PQ)
            def _(k):
                a = k * 2
                wait_gather(rows0, semg0)

                @pl.when(k > 0)
                def _():
                    wait_scatter(rows1, dstb1, sems1)

                wait_eib(eib1, semi1)
                copy_idx(eib1, dstb1)
                start_gather(eib1, rows1, semg1)

                @pl.when(a + 2 < 2 * PQ)
                def _():
                    start_eib(a + 2, eib0, semi0)

                start_scatter(rows0, dstb0, sems0)

                wait_gather(rows1, semg1)
                wait_scatter(rows0, dstb0, sems0)

                @pl.when(a + 2 < 2 * PQ)
                def _():
                    wait_eib(eib0, semi0)
                    copy_idx(eib0, dstb0)
                    start_gather(eib0, rows0, semg0)

                @pl.when(a + 3 < 2 * PQ)
                def _():
                    start_eib(a + 3, eib1, semi1)

                start_scatter(rows1, dstb1, sems1)

            wait_scatter(rows1, dstb1, sems1)

        for t in range(EXTRA):
            @pl.when(2 * PQ + t < nf)
            def _():
                i = 2 * PQ + t
                pltpu.sync_copy(ei_hbm.at[:, pl.ds((ch0 + i) * CH, CH)],
                                eib0)
                copy_idx(eib0, dstb0)
                start_gather(eib0, rows0, semg0)
                wait_gather(rows0, semg0)
                pltpu.sync_copy(rows0, acc_sh.at[dstb0], add=True)
                if with_counts:
                    pltpu.sync_copy(ones_v, cnt_sh.at[dstb0], add=True)

        plsc.subcore_barrier()

        pub = [(rows0, semg0), (rows1, semg1)]
        for k in range(NPUB):
            buf, sem = pub[k % 2]
            lo = row0 + k * PB
            if k >= 2:
                pltpu.make_async_copy(
                    buf.at[pl.ds(0, PB)],
                    acc_out.at[c, pl.ds(row0 + (k - 2) * PB, PB)],
                    sem).wait()
            pltpu.sync_copy(acc_sh.at[pl.ds(lo, PB)], buf.at[pl.ds(0, PB)])
            pltpu.async_copy(buf.at[pl.ds(0, PB)],
                             acc_out.at[c, pl.ds(lo, PB)], sem)
        for k in range(max(0, NPUB - 2), NPUB):
            buf, sem = pub[k % 2]
            pltpu.make_async_copy(buf.at[pl.ds(0, PB)],
                                  acc_out.at[c, pl.ds(row0 + k * PB, PB)],
                                  sem).wait()

        if with_counts:
            pltpu.sync_copy(cnt_sh.at[pl.ds(row0, RLEN)], zrow)
            pltpu.sync_copy(zrow, cnt_out.at[pl.ds(c * N + row0, RLEN)])

    return pl.kernel(body, out_type=tuple(out_type), mesh=mesh,
                     scratch_types=scratch)


def _make_tc_layer1(N, D, H):
    R = _largest_div(N, 1024, 8)

    def body(acc, invb, x, Wl, Wr, b1, gamma, beta, mu, var, out):
        mean = (acc[0] + acc[1]) * invb[...]
        dn = (((1,), (1,)), ((), ()))
        t = lax.dot_general(mean, Wl[...], dn,
                            preferred_element_type=jnp.float32)
        t = t + lax.dot_general(x[...], Wr[...], dn,
                                preferred_element_type=jnp.float32)
        sc = gamma[...] * lax.rsqrt(var[...] + 1e-5)
        t = (t + b1[...] - mu[...]) * sc + beta[...]
        out[...] = jnp.maximum(t, 0.0)

    vec = pl.BlockSpec((1, H), lambda i: (0, 0))
    return pl.pallas_call(
        body,
        grid=(N // R,),
        in_specs=[
            pl.BlockSpec((2, R, D), lambda i: (0, i, 0)),
            pl.BlockSpec((R, D), lambda i: (i, 0)),
            pl.BlockSpec((R, D), lambda i: (i, 0)),
            pl.BlockSpec((H, D), lambda i: (0, 0)),
            pl.BlockSpec((H, D), lambda i: (0, 0)),
            vec, vec, vec, vec, vec,
        ],
        out_specs=pl.BlockSpec((R, H), lambda i: (i, 0)),
        out_shape=jax.ShapeDtypeStruct((N, H), jnp.float32),
    )


def _make_tc_layer2(N, H, Z):
    R = _largest_div(N, 1024, 8)

    def body(acc, invb, h, Wl, Wr, bb, out):
        mean = (acc[0] + acc[1]) * invb[...]
        dn = (((1,), (1,)), ((), ()))
        t = lax.dot_general(mean, Wl[...], dn,
                            preferred_element_type=jnp.float32)
        t = t + lax.dot_general(h[...], Wr[...], dn,
                                preferred_element_type=jnp.float32)
        out[...] = t + bb[...]

    return pl.pallas_call(
        body,
        grid=(N // R,),
        in_specs=[
            pl.BlockSpec((2, R, H), lambda i: (0, i, 0)),
            pl.BlockSpec((R, H), lambda i: (i, 0)),
            pl.BlockSpec((R, H), lambda i: (i, 0)),
            pl.BlockSpec((Z, H), lambda i: (0, 0)),
            pl.BlockSpec((Z, H), lambda i: (0, 0)),
            pl.BlockSpec((1, Z), lambda i: (0, 0)),
        ],
        out_specs=pl.BlockSpec((R, Z), lambda i: (i, 0)),
        out_shape=jax.ShapeDtypeStruct((N, Z), jnp.float32),
    )


def kernel(x, x_edge_index, W1l, b1, W1r, bn_gamma, bn_beta, bn_mean, bn_var,
           W2l, b2, W2r):
    N, D = x.shape
    E = x_edge_index.shape[1]
    H = W1l.shape[0]
    Z = W2l.shape[0]

    sc_agg1 = _make_sc_agg(N, E, D, with_counts=True)
    sc_agg2 = _make_sc_agg(N, E, H, with_counts=False)
    tc1 = _make_tc_layer1(N, D, H)
    tc2 = _make_tc_layer2(N, H, Z)

    acc1, cntp = sc_agg1(x, x_edge_index)
    cnt2 = cntp.reshape(NC, N)
    invb = jnp.broadcast_to(
        (1.0 / jnp.maximum(cnt2[0] + cnt2[1], 1.0))[:, None], (N, D))

    h = tc1(acc1, invb, x, W1l, W1r, b1.reshape(1, H),
            bn_gamma.reshape(1, H), bn_beta.reshape(1, H),
            bn_mean.reshape(1, H), bn_var.reshape(1, H))

    (acc2,) = sc_agg2(h, x_edge_index)
    z = tc2(acc2, invb, h, W2l, W2r, b2.reshape(1, Z))
    return z

# --- scband reference (transcript-rebuilt; emitter-appended) ---
"""Pipeline reference for scband-graph-sageencoder-40303973105857 (READ-ONLY COPY).

The authoritative reference and input builder live on the scoring server;
editing this copy changes nothing except your own understanding.
"""

import jax, jax.numpy as jnp
import numpy as np

N = 10000
E = 320000
D = 128
H = 128
Z = 128


def setup_inputs(seed: int = 0) -> dict:
    key = jax.random.key(seed)
    ks = jax.random.split(key, 12)
    s1 = 1.0 / np.sqrt(D)
    s2 = 1.0 / np.sqrt(H)
    return {
        "x": jax.random.normal(ks[0], (N, D), dtype=jnp.float32),
        "x_edge_index": jax.random.randint(ks[1], (2, E), 0, N, dtype=jnp.int32),
        "W1l": jax.random.normal(ks[2], (H, D), dtype=jnp.float32) * s1,
        "b1": jnp.zeros((H,), dtype=jnp.float32),
        "W1r": jax.random.normal(ks[3], (H, D), dtype=jnp.float32) * s1,
        "bn_gamma": jnp.ones((H,), dtype=jnp.float32),
        "bn_beta": jnp.zeros((H,), dtype=jnp.float32),
        "bn_mean": jnp.zeros((H,), dtype=jnp.float32),
        "bn_var": jnp.ones((H,), dtype=jnp.float32),
        "W2l": jax.random.normal(ks[4], (Z, H), dtype=jnp.float32) * s2,
        "b2": jnp.zeros((Z,), dtype=jnp.float32),
        "W2r": jax.random.normal(ks[5], (Z, H), dtype=jnp.float32) * s2,
    }


def reference(x, x_edge_index, W1l, b1, W1r, bn_gamma, bn_beta, bn_mean, bn_var, W2l, b2, W2r):
    src = x_edge_index[0]
    dst = x_edge_index[1]

    def sage_conv(h, Wl, bl, Wr):
        # PyG SAGEConv with mean aggregation: out = lin_l(mean_neigh) + lin_r(h)
        msgs = h[src]
        agg = jax.ops.segment_sum(msgs, dst, num_segments=N)
        cnt = jax.ops.segment_sum(jnp.ones((E,), dtype=h.dtype), dst, num_segments=N)
        mean = agg / jnp.maximum(cnt, 1.0)[:, None]
        return mean @ Wl.T + bl + h @ Wr.T

    h = sage_conv(x, W1l, b1, W1r)
    # BatchNorm1d in eval mode (running stats)
    h = (h - bn_mean) / jnp.sqrt(bn_var + 1e-5) * bn_gamma + bn_beta
    h = jax.nn.relu(h)
    # dropout inactive in eval mode (training=False)
    z_rna = sage_conv(h, W2l, b2, W2r)
    return z_rna

if __name__ == "__main__":
    import jax
    _d = setup_inputs()
    print(jax.jit(kernel)(*tuple(_d.values())))

</pallas_src>

<mosaic_0001>
#map = affine_map<(d0, d1) -> (0, 0)>
#map1 = affine_map<(d0, d1) -> (0, 0, 0)>
#map2 = affine_map<(d0, d1) -> (0)>
module attributes {stable_mosaic.version = 14 : i64} {
  func.func @body(%arg0: i32, %arg1: i32, %arg2: memref<10000x128xf32, #tpu.memory_space<hbm>>, %arg3: memref<2x320000xi32, #tpu.memory_space<hbm>>, %arg4: memref<2x10000x128xf32, #tpu.memory_space<hbm>>, %arg5: memref<20000xf32, #tpu.memory_space<hbm>>, %arg6: memref<2x128xi32, #tpu.memory_space<vmem>>, %arg7: memref<2x128xi32, #tpu.memory_space<vmem>>, %arg8: memref<128xi32, #tpu.memory_space<vmem>>, %arg9: memref<128xi32, #tpu.memory_space<vmem>>, %arg10: memref<128x128xf32, #tpu.memory_space<vmem>>, %arg11: memref<128x128xf32, #tpu.memory_space<vmem>>, %arg12: memref<16x128xf32, #tpu.memory_space<vmem>>, %arg13: memref<10000x128xf32, #tpu.memory_space<vmem_shared>>, %arg14: memref<!tpu.dma_semaphore, #tpu.memory_space<semaphore_mem>>, %arg15: memref<!tpu.dma_semaphore, #tpu.memory_space<semaphore_mem>>, %arg16: memref<!tpu.dma_semaphore, #tpu.memory_space<semaphore_mem>>, %arg17: memref<!tpu.dma_semaphore, #tpu.memory_space<semaphore_mem>>, %arg18: memref<!tpu.dma_semaphore, #tpu.memory_space<semaphore_mem>>, %arg19: memref<!tpu.dma_semaphore, #tpu.memory_space<semaphore_mem>>, %arg20: memref<!tpu.dma_semaphore, #tpu.memory_space<semaphore_mem>>, %arg21: memref<128xf32, #tpu.memory_space<vmem>>, %arg22: memref<640xf32, #tpu.memory_space<vmem>>, %arg23: memref<10000xf32, #tpu.memory_space<vmem_shared>>) attributes {dimension_semantics = [#tpu.dimension_semantics<core_parallel>, #tpu.dimension_semantics<subcore_parallel>], iteration_bounds = array<i64: 2, 16>, scalar_prefetch = 0 : i64, scratch_operands = 18 : i64, tpu.core_type = #tpu.core_type<sc_vector_subcore>, window_params = [{transform_indices = #map}, {transform_indices = #map}, {transform_indices = #map1}, {transform_indices = #map2}]} {
    %mul3A = arith.constant 16 : i32
    %mul3A_0 = arith.muli %arg0, %mul3A : i32
    %add3A = arith.addi %mul3A_0, %arg1 : i32
    %lt3A = arith.constant 4 : i32
    %lt3A_1 = arith.cmpi slt, %add3A, %lt3A : i32
    %jit3A = arith.constant 1 : i32
    %jit3A_2 = arith.constant 0 : i32
    %select_n3A = arith.select %lt3A_1, %jit3A, %jit3A_2 : i32
    %add3A_3 = arith.constant 78 : i32
    %add3A_4 = arith.addi %add3A_3, %select_n3A : i32
    %mul3A_5 = arith.constant 78 : i32
    %mul3A_6 = arith.muli %add3A, %mul3A_5 : i32
    %min3A = arith.constant 4 : i32
    %min3A_7 = arith.minsi %add3A, %min3A : i32
    %add3A_8 = arith.addi %mul3A_6, %min3A_7 : i32
    %mul3A_9 = arith.constant 128 : i32
    %mul3A_10 = arith.muli %add3A_8, %mul3A_9 : i32
    "tpu.region"() ({
      %run_scoped3A = tpu.sem_alloc : memref<!tpu.dma_semaphore, #tpu.memory_space<semaphore_mem>>
      %dma_start3A_276 = arith.constant 0 : i32
      %dma_start3A_277 = tpu.memref_slice %arg3[%dma_start3A_276, %mul3A_10] : memref<2x320000xi32, #tpu.memory_space<hbm>> -> memref<2x128xi32, #tpu.memory_space<hbm>>
      %dma_start3A_278 = arith.constant 0 : i32
      %dma_start3A_279 = tpu.memref_slice %arg3[%dma_start3A_278, %mul3A_10] : memref<2x320000xi32, #tpu.memory_space<hbm>> -> memref<2x128xi32, #tpu.memory_space<hbm>>
      tpu.enqueue_dma source(%dma_start3A_279 : memref<2x128xi32, #tpu.memory_space<hbm>>) target(%arg6 : memref<2x128xi32, #tpu.memory_space<vmem>>) target_semaphore(%run_scoped3A : memref<!tpu.dma_semaphore, #tpu.memory_space<semaphore_mem>>)
      %dma_wait3A_280 = arith.constant 0 : i32
      %dma_wait3A_281 = tpu.memref_slice %arg3[%dma_wait3A_280, %mul3A_10] : memref<2x320000xi32, #tpu.memory_space<hbm>> -> memref<2x128xi32, #tpu.memory_space<hbm>>
      %dma_wait3A_282 = arith.constant 0 : i32
      %dma_wait3A_283 = tpu.memref_slice %arg3[%dma_wait3A_282, %mul3A_10] : memref<2x320000xi32, #tpu.memory_space<hbm>> -> memref<2x128xi32, #tpu.memory_space<hbm>>
      tpu.wait_dma2 semaphore(%run_scoped3A : memref<!tpu.dma_semaphore, #tpu.memory_space<semaphore_mem>>) src(%dma_wait3A_283 : memref<2x128xi32, #tpu.memory_space<hbm>>) dst(%arg6 : memref<2x128xi32, #tpu.memory_space<vmem>>)
      tpu.yield
    }) : () -> ()
    %get3A = arith.constant 1 : i32
    %get3A_11 = arith.index_cast %get3A : i32 to index
    %get3A_12 = arith.constant 0 : index
    %get3A_13 = tpu.vector_load %arg6[%get3A_11, %get3A_12] {strides = array<i32>} : memref<2x128xi32, #tpu.memory_space<vmem>>, vector<1x16xi32>,
    %get3A_14 = vector.shape_cast %get3A_13 : vector<1x16xi32> to vector<16xi32>
    %swap3A = arith.constant 0 : index
    %swap3A_15 = tpu.vector_load %arg8[%swap3A] {strides = array<i32>} : memref<128xi32, #tpu.memory_space<vmem>>, vector<16xi32>,
    %swap3A_16 = vector.shape_cast %swap3A_15 : vector<16xi32> to vector<16xi32>
    %swap3A_17 = vector.shape_cast %get3A_14 : vector<16xi32> to vector<16xi32>
    tpu.vector_store %arg8[%swap3A], %swap3A_17 {strides = array<i32>} : memref<128xi32, #tpu.memory_space<vmem>>, vector<16xi32>,
    %get3A_18 = arith.constant 1 : i32
    %get3A_19 = arith.index_cast %get3A_18 : i32 to index
    %get3A_20 = arith.constant 16 : index
    %get3A_21 = tpu.vector_load %arg6[%get3A_19, %get3A_20] {strides = array<i32>} : memref<2x128xi32, #tpu.memory_space<vmem>>, vector<1x16xi32>,
    %get3A_22 = vector.shape_cast %get3A_21 : vector<1x16xi32> to vector<16xi32>
    %swap3A_23 = arith.constant 16 : index
    %swap3A_24 = tpu.vector_load %arg8[%swap3A_23] {strides = array<i32>} : memref<128xi32, #tpu.memory_space<vmem>>, vector<16xi32>,
    %swap3A_25 = vector.shape_cast %swap3A_24 : vector<16xi32> to vector<16xi32>
    %swap3A_26 = vector.shape_cast %get3A_22 : vector<16xi32> to vector<16xi32>
    tpu.vector_store %arg8[%swap3A_23], %swap3A_26 {strides = array<i32>} : memref<128xi32, #tpu.memory_space<vmem>>, vector<16xi32>,
    %get3A_27 = arith.constant 1 : i32
    %get3A_28 = arith.index_cast %get3A_27 : i32 to index
    %get3A_29 = arith.constant 32 : index
    %get3A_30 = tpu.vector_load %arg6[%get3A_28, %get3A_29] {strides = array<i32>} : memref<2x128xi32, #tpu.memory_space<vmem>>, vector<1x16xi32>,
    %get3A_31 = vector.shape_cast %get3A_30 : vector<1x16xi32> to vector<16xi32>
    %swap3A_32 = arith.constant 32 : index
    %swap3A_33 = tpu.vector_load %arg8[%swap3A_32] {strides = array<i32>} : memref<128xi32, #tpu.memory_space<vmem>>, vector<16xi32>,
    %swap3A_34 = vector.shape_cast %swap3A_33 : vector<16xi32> to vector<16xi32>
    %swap3A_35 = vector.shape_cast %get3A_31 : vector<16xi32> to vector<16xi32>
    tpu.vector_store %arg8[%swap3A_32], %swap3A_35 {strides = array<i32>} : memref<128xi32, #tpu.memory_space<vmem>>, vector<16xi32>,
    %get3A_36 = arith.constant 1 : i32
    %get3A_37 = arith.index_cast %get3A_36 : i32 to index
    %get3A_38 = arith.constant 48 : index
    %get3A_39 = tpu.vector_load %arg6[%get3A_37, %get3A_38] {strides = array<i32>} : memref<2x128xi32, #tpu.memory_space<vmem>>, vector<1x16xi32>,
    %get3A_40 = vector.shape_cast %get3A_39 : vector<1x16xi32> to vector<16xi32>
    %swap3A_41 = arith.constant 48 : index
    %swap3A_42 = tpu.vector_load %arg8[%swap3A_41] {strides = array<i32>} : memref<128xi32, #tpu.memory_space<vmem>>, vector<16xi32>,
    %swap3A_43 = vector.shape_cast %swap3A_42 : vector<16xi32> to vector<16xi32>
    %swap3A_44 = vector.shape_cast %get3A_40 : vector<16xi32> to vector<16xi32>
    tpu.vector_store %arg8[%swap3A_41], %swap3A_44 {strides = array<i32>} : memref<128xi32, #tpu.memory_space<vmem>>, vector<16xi32>,
    %get3A_45 = arith.constant 1 : i32
    %get3A_46 = arith.index_cast %get3A_45 : i32 to index
    %get3A_47 = arith.constant 64 : index
    %get3A_48 = tpu.vector_load %arg6[%get3A_46, %get3A_47] {strides = array<i32>} : memref<2x128xi32, #tpu.memory_space<vmem>>, vector<1x16xi32>,
    %get3A_49 = vector.shape_cast %get3A_48 : vector<1x16xi32> to vector<16xi32>
    %swap3A_50 = arith.constant 64 : index
    %swap3A_51 = tpu.vector_load %arg8[%swap3A_50] {strides = array<i32>} : memref<128xi32, #tpu.memory_space<vmem>>, vector<16xi32>,
    %swap3A_52 = vector.shape_cast %swap3A_51 : vector<16xi32> to vector<16xi32>
    %swap3A_53 = vector.shape_cast %get3A_49 : vector<16xi32> to vector<16xi32>
    tpu.vector_store %arg8[%swap3A_50], %swap3A_53 {strides = array<i32>} : memref<128xi32, #tpu.memory_space<vmem>>, vector<16xi32>,
    %get3A_54 = arith.constant 1 : i32
    %get3A_55 = arith.index_cast %get3A_54 : i32 to index
    %get3A_56 = arith.constant 80 : index
    %get3A_57 = tpu.vector_load %arg6[%get3A_55, %get3A_56] {strides = array<i32>} : memref<2x128xi32, #tpu.memory_space<vmem>>, vector<1x16xi32>,
    %get3A_58 = vector.shape_cast %get3A_57 : vector<1x16xi32> to vector<16xi32>
    %swap3A_59 = arith.constant 80 : index
    %swap3A_60 = tpu.vector_load %arg8[%swap3A_59] {strides = array<i32>} : memref<128xi32, #tpu.memory_space<vmem>>, vector<16xi32>,
    %swap3A_61 = vector.shape_cast %swap3A_60 : vector<16xi32> to vector<16xi32>
    %swap3A_62 = vector.shape_cast %get3A_58 : vector<16xi32> to vector<16xi32>
    tpu.vector_store %arg8[%swap3A_59], %swap3A_62 {strides = array<i32>} : memref<128xi32, #tpu.memory_space<vmem>>, vector<16xi32>,
    %get3A_63 = arith.constant 1 : i32
    %get3A_64 = arith.index_cast %get3A_63 : i32 to index
    %get3A_65 = arith.constant 96 : index
    %get3A_66 = tpu.vector_load %arg6[%get3A_64, %get3A_65] {strides = array<i32>} : memref<2x128xi32, #tpu.memory_space<vmem>>, vector<1x16xi32>,
    %get3A_67 = vector.shape_cast %get3A_66 : vector<1x16xi32> to vector<16xi32>
    %swap3A_68 = arith.constant 96 : index
    %swap3A_69 = tpu.vector_load %arg8[%swap3A_68] {strides = array<i32>} : memref<128xi32, #tpu.memory_space<vmem>>, vector<16xi32>,
    %swap3A_70 = vector.shape_cast %swap3A_69 : vector<16xi32> to vector<16xi32>
    %swap3A_71 = vector.shape_cast %get3A_67 : vector<16xi32> to vector<16xi32>
    tpu.vector_store %arg8[%swap3A_68], %swap3A_71 {strides = array<i32>} : memref<128xi32, #tpu.memory_space<vmem>>, vector<16xi32>,
    %get3A_72 = arith.constant 1 : i32
    %get3A_73 = arith.index_cast %get3A_72 : i32 to index
    %get3A_74 = arith.constant 112 : index
    %get3A_75 = tpu.vector_load %arg6[%get3A_73, %get3A_74] {strides = array<i32>} : memref<2x128xi32, #tpu.memory_space<vmem>>, vector<1x16xi32>,
    %get3A_76 = vector.shape_cast %get3A_75 : vector<1x16xi32> to vector<16xi32>
    %swap3A_77 = arith.constant 112 : index
    %swap3A_78 = tpu.vector_load %arg8[%swap3A_77] {strides = array<i32>} : memref<128xi32, #tpu.memory_space<vmem>>, vector<16xi32>,
    %swap3A_79 = vector.shape_cast %swap3A_78 : vector<16xi32> to vector<16xi32>
    %swap3A_80 = vector.shape_cast %get3A_76 : vector<16xi32> to vector<16xi32>
    tpu.vector_store %arg8[%swap3A_77], %swap3A_80 {strides = array<i32>} : memref<128xi32, #tpu.memory_space<vmem>>, vector<16xi32>,
    %dma_start3A = arith.constant 0 : i32
    %dma_start3A_81 = arith.constant 0 : i32
    %dma_start3A_82 = tpu.memref_slice %arg6[%dma_start3A, %dma_start3A_81] : memref<2x128xi32, #tpu.memory_space<vmem>> -> memref<1x128xi32, #tpu.memory_space<vmem>>
    %dma_start3A_83 = tpu.memref_squeeze %dma_start3A_82 : memref<1x128xi32, #tpu.memory_space<vmem>> -> memref<128xi32, #tpu.memory_space<vmem>>
    %dma_start3A_84 = arith.constant 0 : i32
    %dma_start3A_85 = arith.constant 0 : i32
    %dma_start3A_86 = tpu.memref_slice %arg2[%dma_start3A_84, %dma_start3A_85] : memref<10000x128xf32, #tpu.memory_space<hbm>> -> memref<10000x128xf32, #tpu.memory_space<hbm>>
    tpu.enqueue_indirect_dma source(%dma_start3A_86 : memref<10000x128xf32, #tpu.memory_space<hbm>>) target(%arg10 : memref<128x128xf32, #tpu.memory_space<vmem>>) offsets(%dma_start3A_83 : memref<128xi32, #tpu.memory_space<vmem>>) semaphore(%arg14 : memref<!tpu.dma_semaphore, #tpu.memory_space<semaphore_mem>>)
    %add3A_87 = arith.constant 1 : i32
    %add3A_88 = arith.addi %add3A_8, %add3A_87 : i32
    %mul3A_89 = arith.constant 128 : i32
    %mul3A_90 = arith.muli %add3A_88, %mul3A_89 : i32
    %dma_start3A_91 = arith.constant 0 : i32
    %dma_start3A_92 = tpu.memref_slice %arg3[%dma_start3A_91, %mul3A_90] : memref<2x320000xi32, #tpu.memory_space<hbm>> -> memref<2x128xi32, #tpu.memory_space<hbm>>
    %dma_start3A_93 = arith.constant 0 : i32
    %dma_start3A_94 = tpu.memref_slice %arg3[%dma_start3A_93, %mul3A_90] : memref<2x320000xi32, #tpu.memory_space<hbm>> -> memref<2x128xi32, #tpu.memory_space<hbm>>
    tpu.enqueue_dma source(%dma_start3A_94 : memref<2x128xi32, #tpu.memory_space<hbm>>) target(%arg7 : memref<2x128xi32, #tpu.memory_space<vmem>>) target_semaphore(%arg19 : memref<!tpu.dma_semaphore, #tpu.memory_space<semaphore_mem>>)
    %scan3A = arith.constant 0 : i32
    %scan3A_95 = arith.constant 16 : i32
    %scan3A_96 = arith.addi %scan3A, %scan3A_95 : i32
    %scan3A_97 = arith.constant 1 : i32
    scf.for %scan3A_276 = %scan3A to %scan3A_96 step %scan3A_97  : i32 {
      %mul3A_277 = arith.constant 1 : i32
      %mul3A_278 = arith.muli %scan3A_276, %mul3A_277 : i32
      %add3A_279 = arith.constant 0 : i32
      %add3A_280 = arith.addi %add3A_279, %mul3A_278 : i32
      %broadcast_in_dim3A = arith.constant 0.000000e+00 : f32
      %broadcast_in_dim3A_281 = vector.broadcast %broadcast_in_dim3A : f32 to vector<16xf32>
      %swap3A_282 = arith.index_cast %add3A_280 : i32 to index
      %swap3A_283 = arith.constant 0 : index
      %swap3A_284 = tpu.vector_load %arg12[%swap3A_282, %swap3A_283] {strides = array<i32>} : memref<16x128xf32, #tpu.memory_space<vmem>>, vector<1x16xf32>,
      %swap3A_285 = vector.shape_cast %swap3A_284 : vector<1x16xf32> to vector<16xf32>
      %swap3A_286 = vector.shape_cast %broadcast_in_dim3A_281 : vector<16xf32> to vector<1x16xf32>
      tpu.vector_store %arg12[%swap3A_282, %swap3A_283], %swap3A_286 {strides = array<i32>} : memref<16x128xf32, #tpu.memory_space<vmem>>, vector<1x16xf32>,
      %broadcast_in_dim3A_287 = arith.constant 0.000000e+00 : f32
      %broadcast_in_dim3A_288 = vector.broadcast %broadcast_in_dim3A_287 : f32 to vector<16xf32>
      %swap3A_289 = arith.index_cast %add3A_280 : i32 to index
      %swap3A_290 = arith.constant 16 : index
      %swap3A_291 = tpu.vector_load %arg12[%swap3A_289, %swap3A_290] {strides = array<i32>} : memref<16x128xf32, #tpu.memory_space<vmem>>, vector<1x16xf32>,
      %swap3A_292 = vector.shape_cast %swap3A_291 : vector<1x16xf32> to vector<16xf32>
      %swap3A_293 = vector.shape_cast %broadcast_in_dim3A_288 : vector<16xf32> to vector<1x16xf32>
      tpu.vector_store %arg12[%swap3A_289, %swap3A_290], %swap3A_293 {strides = array<i32>} : memref<16x128xf32, #tpu.memory_space<vmem>>, vector<1x16xf32>,
      %broadcast_in_dim3A_294 = arith.constant 0.000000e+00 : f32
      %broadcast_in_dim3A_295 = vector.broadcast %broadcast_in_dim3A_294 : f32 to vector<16xf32>
      %swap3A_296 = arith.index_cast %add3A_280 : i32 to index
      %swap3A_297 = arith.constant 32 : index
      %swap3A_298 = tpu.vector_load %arg12[%swap3A_296, %swap3A_297] {strides = array<i32>} : memref<16x128xf32, #tpu.memory_space<vmem>>, vector<1x16xf32>,
      %swap3A_299 = vector.shape_cast %swap3A_298 : vector<1x16xf32> to vector<16xf32>
      %swap3A_300 = vector.shape_cast %broadcast_in_dim3A_295 : vector<16xf32> to vector<1x16xf32>
      tpu.vector_store %arg12[%swap3A_296, %swap3A_297], %swap3A_300 {strides = array<i32>} : memref<16x128xf32, #tpu.memory_space<vmem>>, vector<1x16xf32>,
      %broadcast_in_dim3A_301 = arith.constant 0.000000e+00 : f32
      %broadcast_in_dim3A_302 = vector.broadcast %broadcast_in_dim3A_301 : f32 to vector<16xf32>
      %swap3A_303 = arith.index_cast %add3A_280 : i32 to index
      %swap3A_304 = arith.constant 48 : index
      %swap3A_305 = tpu.vector_load %arg12[%swap3A_303, %swap3A_304] {strides = array<i32>} : memref<16x128xf32, #tpu.memory_space<vmem>>, vector<1x16xf32>,
      %swap3A_306 = vector.shape_cast %swap3A_305 : vector<1x16xf32> to vector<16xf32>
      %swap3A_307 = vector.shape_cast %broadcast_in_dim3A_302 : vector<16xf32> to vector<1x16xf32>
      tpu.vector_store %arg12[%swap3A_303, %swap3A_304], %swap3A_307 {strides = array<i32>} : memref<16x128xf32, #tpu.memory_space<vmem>>, vector<1x16xf32>,
      %broadcast_in_dim3A_308 = arith.constant 0.000000e+00 : f32
      %broadcast_in_dim3A_309 = vector.broadcast %broadcast_in_dim3A_308 : f32 to vector<16xf32>
      %swap3A_310 = arith.index_cast %add3A_280 : i32 to index
      %swap3A_311 = arith.constant 64 : index
      %swap3A_312 = tpu.vector_load %arg12[%swap3A_310, %swap3A_311] {strides = array<i32>} : memref<16x128xf32, #tpu.memory_space<vmem>>, vector<1x16xf32>,
      %swap3A_313 = vector.shape_cast %swap3A_312 : vector<1x16xf32> to vector<16xf32>
      %swap3A_314 = vector.shape_cast %broadcast_in_dim3A_309 : vector<16xf32> to vector<1x16xf32>
      tpu.vector_store %arg12[%swap3A_310, %swap3A_311], %swap3A_314 {strides = array<i32>} : memref<16x128xf32, #tpu.memory_space<vmem>>, vector<1x16xf32>,
      %broadcast_in_dim3A_315 = arith.constant 0.000000e+00 : f32
      %broadcast_in_dim3A_316 = vector.broadcast %broadcast_in_dim3A_315 : f32 to vector<16xf32>
      %swap3A_317 = arith.index_cast %add3A_280 : i32 to index
      %swap3A_318 = arith.constant 80 : index
      %swap3A_319 = tpu.vector_load %arg12[%swap3A_317, %swap3A_318] {strides = array<i32>} : memref<16x128xf32, #tpu.memory_space<vmem>>, vector<1x16xf32>,
      %swap3A_320 = vector.shape_cast %swap3A_319 : vector<1x16xf32> to vector<16xf32>
      %swap3A_321 = vector.shape_cast %broadcast_in_dim3A_316 : vector<16xf32> to vector<1x16xf32>
      tpu.vector_store %arg12[%swap3A_317, %swap3A_318], %swap3A_321 {strides = array<i32>} : memref<16x128xf32, #tpu.memory_space<vmem>>, vector<1x16xf32>,
      %broadcast_in_dim3A_322 = arith.constant 0.000000e+00 : f32
      %broadcast_in_dim3A_323 = vector.broadcast %broadcast_in_dim3A_322 : f32 to vector<16xf32>
      %swap3A_324 = arith.index_cast %add3A_280 : i32 to index
      %swap3A_325 = arith.constant 96 : index
      %swap3A_326 = tpu.vector_load %arg12[%swap3A_324, %swap3A_325] {strides = array<i32>} : memref<16x128xf32, #tpu.memory_space<vmem>>, vector<1x16xf32>,
      %swap3A_327 = vector.shape_cast %swap3A_326 : vector<1x16xf32> to vector<16xf32>
      %swap3A_328 = vector.shape_cast %broadcast_in_dim3A_323 : vector<16xf32> to vector<1x16xf32>
      tpu.vector_store %arg12[%swap3A_324, %swap3A_325], %swap3A_328 {strides = array<i32>} : memref<16x128xf32, #tpu.memory_space<vmem>>, vector<1x16xf32>,
      %broadcast_in_dim3A_329 = arith.constant 0.000000e+00 : f32
      %broadcast_in_dim3A_330 = vector.broadcast %broadcast_in_dim3A_329 : f32 to vector<16xf32>
      %swap3A_331 = arith.index_cast %add3A_280 : i32 to index
      %swap3A_332 = arith.constant 112 : index
      %swap3A_333 = tpu.vector_load %arg12[%swap3A_331, %swap3A_332] {strides = array<i32>} : memref<16x128xf32, #tpu.memory_space<vmem>>, vector<1x16xf32>,
      %swap3A_334 = vector.shape_cast %swap3A_333 : vector<1x16xf32> to vector<16xf32>
      %swap3A_335 = vector.shape_cast %broadcast_in_dim3A_330 : vector<16xf32> to vector<1x16xf32>
      tpu.vector_store %arg12[%swap3A_331, %swap3A_332], %swap3A_335 {strides = array<i32>} : memref<16x128xf32, #tpu.memory_space<vmem>>, vector<1x16xf32>,
    }
    %scan3A_98 = arith.constant 16 : i32
    %mul3A_99 = arith.constant 624 : i32
    %mul3A_100 = arith.muli %arg1, %mul3A_99 : i32
    %scan3A_101 = arith.constant 0 : i32
    %scan3A_102 = arith.constant 40 : i32
    %scan3A_103 = arith.addi %scan3A_101, %scan3A_102 : i32
    %scan3A_104 = arith.constant 1 : i32
    scf.for %scan3A_276 = %scan3A_101 to %scan3A_103 step %scan3A_104  : i32 {
      %mul3A_277 = arith.constant 1 : i32
      %mul3A_278 = arith.muli %scan3A_276, %mul3A_277 : i32
      %add3A_279 = arith.constant 0 : i32
      %add3A_280 = arith.addi %add3A_279, %mul3A_278 : i32
      %mul3A_281 = arith.constant 16 : i32
      %mul3A_282 = arith.muli %add3A_280, %mul3A_281 : i32
      %add3A_283 = arith.addi %mul3A_100, %mul3A_282 : i32
      %dma_start3A_284 = arith.constant 0 : i32
      %dma_start3A_285 = tpu.memref_slice %arg13[%add3A_283, %dma_start3A_284] : memref<10000x128xf32, #tpu.memory_space<vmem_shared>> -> memref<16x128xf32, #tpu.memory_space<vmem_shared>>
      %dma_start3A_286 = arith.constant 0 : i32
      %dma_start3A_287 = tpu.memref_slice %arg13[%add3A_283, %dma_start3A_286] : memref<10000x128xf32, #tpu.memory_space<vmem_shared>> -> memref<16x128xf32, #tpu.memory_space<vmem_shared>>
      tpu.enqueue_dma source(%arg12 : memref<16x128xf32, #tpu.memory_space<vmem>>) target(%dma_start3A_287 : memref<16x128xf32, #tpu.memory_space<vmem_shared>>) target_semaphore(%arg20 : memref<!tpu.dma_semaphore, #tpu.memory_space<semaphore_mem>>)
    }
    %scan3A_105 = arith.constant 40 : i32
    %scan3A_106 = arith.constant 0 : i32
    %scan3A_107 = arith.constant 40 : i32
    %scan3A_108 = arith.addi %scan3A_106, %scan3A_107 : i32
    %scan3A_109 = arith.constant 1 : i32
    scf.for %scan3A_276 = %scan3A_106 to %scan3A_108 step %scan3A_109  : i32 {
      %mul3A_277 = arith.constant 1 : i32
      %mul3A_278 = arith.muli %scan3A_276, %mul3A_277 : i32
      %add3A_279 = arith.constant 0 : i32
      %add3A_280 = arith.addi %add3A_279, %mul3A_278 : i32
      %mul3A_281 = arith.constant 16 : i32
      %mul3A_282 = arith.muli %add3A_280, %mul3A_281 : i32
      %add3A_283 = arith.addi %mul3A_100, %mul3A_282 : i32
      %dma_wait3A_284 = arith.constant 0 : i32
      %dma_wait3A_285 = tpu.memref_slice %arg13[%add3A_283, %dma_wait3A_284] : memref<10000x128xf32, #tpu.memory_space<vmem_shared>> -> memref<16x128xf32, #tpu.memory_space<vmem_shared>>
      %dma_wait3A_286 = arith.constant 0 : i32
      %dma_wait3A_287 = tpu.memref_slice %arg13[%add3A_283, %dma_wait3A_286] : memref<10000x128xf32, #tpu.memory_space<vmem_shared>> -> memref<16x128xf32, #tpu.memory_space<vmem_shared>>
      tpu.wait_dma2 semaphore(%arg20 : memref<!tpu.dma_semaphore, #tpu.memory_space<semaphore_mem>>) src(%arg12 : memref<16x128xf32, #tpu.memory_space<vmem>>) dst(%dma_wait3A_287 : memref<16x128xf32, #tpu.memory_space<vmem_shared>>)
    }
    %scan3A_110 = arith.constant 40 : i32
    %scan3A_111 = arith.constant 0 : i32
    %scan3A_112 = arith.constant 40 : i32
    %scan3A_113 = arith.addi %scan3A_111, %scan3A_112 : i32
    %scan3A_114 = arith.constant 1 : i32
    scf.for %scan3A_276 = %scan3A_111 to %scan3A_113 step %scan3A_114  : i32 {
      %mul3A_277 = arith.constant 1 : i32
      %mul3A_278 = arith.muli %scan3A_276, %mul3A_277 : i32
      %add3A_279 = arith.constant 0 : i32
      %add3A_280 = arith.addi %add3A_279, %mul3A_278 : i32
      %broadcast_in_dim3A = arith.constant 0.000000e+00 : f32
      %broadcast_in_dim3A_281 = vector.broadcast %broadcast_in_dim3A : f32 to vector<16xf32>
      %mul3A_282 = arith.constant 16 : i32
      %mul3A_283 = arith.muli %add3A_280, %mul3A_282 : i32
      %swap3A_284 = arith.index_cast %mul3A_283 : i32 to index
      %swap3A_285 = tpu.vector_load %arg22[%swap3A_284] {strides = array<i32>} : memref<640xf32, #tpu.memory_space<vmem>>, vector<16xf32>,
      %swap3A_286 = vector.shape_cast %swap3A_285 : vector<16xf32> to vector<16xf32>
      %swap3A_287 = vector.shape_cast %broadcast_in_dim3A_281 : vector<16xf32> to vector<16xf32>
      tpu.vector_store %arg22[%swap3A_284], %swap3A_287 {strides = array<i32>} : memref<640xf32, #tpu.memory_space<vmem>>, vector<16xf32>,
    }
    %scan3A_115 = arith.constant 40 : i32
    %scan3A_116 = arith.constant 0 : i32
    %scan3A_117 = arith.constant 8 : i32
    %scan3A_118 = arith.addi %scan3A_116, %scan3A_117 : i32
    %scan3A_119 = arith.constant 1 : i32
    scf.for %scan3A_276 = %scan3A_116 to %scan3A_118 step %scan3A_119  : i32 {
      %mul3A_277 = arith.constant 1 : i32
      %mul3A_278 = arith.muli %scan3A_276, %mul3A_277 : i32
      %add3A_279 = arith.constant 0 : i32
      %add3A_280 = arith.addi %add3A_279, %mul3A_278 : i32
      %broadcast_in_dim3A = arith.constant 1.000000e+00 : f32
      %broadcast_in_dim3A_281 = vector.broadcast %broadcast_in_dim3A : f32 to vector<16xf32>
      %mul3A_282 = arith.constant 16 : i32
      %mul3A_283 = arith.muli %add3A_280, %mul3A_282 : i32
      %swap3A_284 = arith.index_cast %mul3A_283 : i32 to index
      %swap3A_285 = tpu.vector_load %arg21[%swap3A_284] {strides = array<i32>} : memref<128xf32, #tpu.memory_space<vmem>>, vector<16xf32>,
      %swap3A_286 = vector.shape_cast %swap3A_285 : vector<16xf32> to vector<16xf32>
      %swap3A_287 = vector.shape_cast %broadcast_in_dim3A_281 : vector<16xf32> to vector<16xf32>
      tpu.vector_store %arg21[%swap3A_284], %swap3A_287 {strides = array<i32>} : memref<128xf32, #tpu.memory_space<vmem>>, vector<16xf32>,
    }
    %scan3A_120 = arith.constant 8 : i32
    "tpu.region"() ({
      %run_scoped3A = tpu.sem_alloc : memref<!tpu.dma_semaphore, #tpu.memory_space<semaphore_mem>>
      %dma_start3A_276 = tpu.memref_slice %arg23[%mul3A_100] : memref<10000xf32, #tpu.memory_space<vmem_shared>> -> memref<640xf32, #tpu.memory_space<vmem_shared>>
      %dma_start3A_277 = tpu.memref_slice %arg23[%mul3A_100] : memref<10000xf32, #tpu.memory_space<vmem_shared>> -> memref<640xf32, #tpu.memory_space<vmem_shared>>
      tpu.enqueue_dma source(%arg22 : memref<640xf32, #tpu.memory_space<vmem>>) target(%dma_start3A_277 : memref<640xf32, #tpu.memory_space<vmem_shared>>) target_semaphore(%run_scoped3A : memref<!tpu.dma_semaphore, #tpu.memory_space<semaphore_mem>>)
      %dma_wait3A_278 = tpu.memref_slice %arg23[%mul3A_100] : memref<10000xf32, #tpu.memory_space<vmem_shared>> -> memref<640xf32, #tpu.memory_space<vmem_shared>>
      %dma_wait3A_279 = tpu.memref_slice %arg23[%mul3A_100] : memref<10000xf32, #tpu.memory_space<vmem_shared>> -> memref<640xf32, #tpu.memory_space<vmem_shared>>
      tpu.wait_dma2 semaphore(%run_scoped3A : memref<!tpu.dma_semaphore, #tpu.memory_space<semaphore_mem>>) src(%arg22 : memref<640xf32, #tpu.memory_space<vmem>>) dst(%dma_wait3A_279 : memref<640xf32, #tpu.memory_space<vmem_shared>>)
      tpu.yield
    }) : () -> ()
    %barrier3A = arith.constant 0 : index
    tpu.barrier barrier_id(%barrier3A)
    %scan3A_121 = arith.constant 0 : i32
    %scan3A_122 = arith.constant 39 : i32
    %scan3A_123 = arith.addi %scan3A_121, %scan3A_122 : i32
    %scan3A_124 = arith.constant 1 : i32
    scf.for %scan3A_276 = %scan3A_121 to %scan3A_123 step %scan3A_124  : i32 {
      %mul3A_277 = arith.constant 1 : i32
      %mul3A_278 = arith.muli %scan3A_276, %mul3A_277 : i32
      %add3A_279 = arith.constant 0 : i32
      %add3A_280 = arith.addi %add3A_279, %mul3A_278 : i32
      %mul3A_281 = arith.constant 2 : i32
      %mul3A_282 = arith.muli %add3A_280, %mul3A_281 : i32
      %dma_wait3A_283 = arith.constant 0 : i32
      %dma_wait3A_284 = arith.constant 0 : i32
      %dma_wait3A_285 = tpu.memref_slice %arg2[%dma_wait3A_283, %dma_wait3A_284] : memref<10000x128xf32, #tpu.memory_space<hbm>> -> memref<128x128xf32, #tpu.memory_space<hbm>>
      %dma_wait3A_286 = arith.constant 0 : i32
      %dma_wait3A_287 = arith.constant 0 : i32
      %dma_wait3A_288 = tpu.memref_slice %arg2[%dma_wait3A_286, %dma_wait3A_287] : memref<10000x128xf32, #tpu.memory_space<hbm>> -> memref<128x128xf32, #tpu.memory_space<hbm>>
      tpu.wait_dma2 semaphore(%arg14 : memref<!tpu.dma_semaphore, #tpu.memory_space<semaphore_mem>>) src(%dma_wait3A_288 : memref<128x128xf32, #tpu.memory_space<hbm>>) dst(%arg10 : memref<128x128xf32, #tpu.memory_space<vmem>>)
      %gt3A_289 = arith.constant 0 : i32
      %gt3A_290 = arith.cmpi sgt, %add3A_280, %gt3A_289 : i32
      %convert_element_type3A_291 = arith.extui %gt3A_290 : i1 to i32
      %cond3A_292 = arith.constant 0 : i32
      %cond3A_293 = arith.cmpi ne, %convert_element_type3A_291, %cond3A_292 : i32
      scf.if %cond3A_293 {
        %dma_wait3A_421 = arith.constant 0 : i32
        %dma_wait3A_422 = arith.constant 0 : i32
        %dma_wait3A_423 = tpu.memref_slice %arg13[%dma_wait3A_421, %dma_wait3A_422] : memref<10000x128xf32, #tpu.memory_space<vmem_shared>> -> memref<10000x128xf32, #tpu.memory_space<vmem_shared>>
        tpu.wait_indirect_dma semaphore(%arg17 : memref<!tpu.dma_semaphore, #tpu.memory_space<semaphore_mem>>) src(%arg11 : memref<128x128xf32, #tpu.memory_space<vmem>>) dst(%dma_wait3A_423 : memref<10000x128xf32, #tpu.memory_space<vmem_shared>>)
        %dma_wait3A_424 = arith.constant 0 : i32
        %dma_wait3A_425 = tpu.memref_slice %arg23[%dma_wait3A_424] : memref<10000xf32, #tpu.memory_space<vmem_shared>> -> memref<10000xf32, #tpu.memory_space<vmem_shared>>
        tpu.wait_indirect_dma semaphore(%arg17 : memref<!tpu.dma_semaphore, #tpu.memory_space<semaphore_mem>>) src(%arg21 : memref<128xf32, #tpu.memory_space<vmem>>) dst(%dma_wait3A_425 : memref<10000xf32, #tpu.memory_space<vmem_shared>>)
      } else {
      }
      %dma_wait3A_294 = arith.constant 0 : i32
      %dma_wait3A_295 = arith.constant 0 : i32
      %dma_wait3A_296 = tpu.memref_slice %arg3[%dma_wait3A_294, %dma_wait3A_295] : memref<2x320000xi32, #tpu.memory_space<hbm>> -> memref<2x128xi32, #tpu.memory_space<hbm>>
      %dma_wait3A_297 = arith.constant 0 : i32
      %dma_wait3A_298 = arith.constant 0 : i32
      %dma_wait3A_299 = tpu.memref_slice %arg3[%dma_wait3A_297, %dma_wait3A_298] : memref<2x320000xi32, #tpu.memory_space<hbm>> -> memref<2x128xi32, #tpu.memory_space<hbm>>
      tpu.wait_dma2 semaphore(%arg19 : memref<!tpu.dma_semaphore, #tpu.memory_space<semaphore_mem>>) src(%dma_wait3A_299 : memref<2x128xi32, #tpu.memory_space<hbm>>) dst(%arg7 : memref<2x128xi32, #tpu.memory_space<vmem>>)
      %get3A_300 = arith.constant 1 : i32
      %get3A_301 = arith.index_cast %get3A_300 : i32 to index
      %get3A_302 = arith.constant 0 : index
      %get3A_303 = tpu.vector_load %arg7[%get3A_301, %get3A_302] {strides = array<i32>} : memref<2x128xi32, #tpu.memory_space<vmem>>, vector<1x16xi32>,
      %get3A_304 = vector.shape_cast %get3A_303 : vector<1x16xi32> to vector<16xi32>
      %swap3A_305 = arith.constant 0 : index
      %swap3A_306 = tpu.vector_load %arg9[%swap3A_305] {strides = array<i32>} : memref<128xi32, #tpu.memory_space<vmem>>, vector<16xi32>,
      %swap3A_307 = vector.shape_cast %swap3A_306 : vector<16xi32> to vector<16xi32>
      %swap3A_308 = vector.shape_cast %get3A_304 : vector<16xi32> to vector<16xi32>
      tpu.vector_store %arg9[%swap3A_305], %swap3A_308 {strides = array<i32>} : memref<128xi32, #tpu.memory_space<vmem>>, vector<16xi32>,
      %get3A_309 = arith.constant 1 : i32
      %get3A_310 = arith.index_cast %get3A_309 : i32 to index
      %get3A_311 = arith.constant 16 : index
      %get3A_312 = tpu.vector_load %arg7[%get3A_310, %get3A_311] {strides = array<i32>} : memref<2x128xi32, #tpu.memory_space<vmem>>, vector<1x16xi32>,
      %get3A_313 = vector.shape_cast %get3A_312 : vector<1x16xi32> to vector<16xi32>
      %swap3A_314 = arith.constant 16 : index
      %swap3A_315 = tpu.vector_load %arg9[%swap3A_314] {strides = array<i32>} : memref<128xi32, #tpu.memory_space<vmem>>, vector<16xi32>,
      %swap3A_316 = vector.shape_cast %swap3A_315 : vector<16xi32> to vector<16xi32>
      %swap3A_317 = vector.shape_cast %get3A_313 : vector<16xi32> to vector<16xi32>
      tpu.vector_store %arg9[%swap3A_314], %swap3A_317 {strides = array<i32>} : memref<128xi32, #tpu.memory_space<vmem>>, vector<16xi32>,
      %get3A_318 = arith.constant 1 : i32
      %get3A_319 = arith.index_cast %get3A_318 : i32 to index
      %get3A_320 = arith.constant 32 : index
      %get3A_321 = tpu.vector_load %arg7[%get3A_319, %get3A_320] {strides = array<i32>} : memref<2x128xi32, #tpu.memory_space<vmem>>, vector<1x16xi32>,
      %get3A_322 = vector.shape_cast %get3A_321 : vector<1x16xi32> to vector<16xi32>
      %swap3A_323 = arith.constant 32 : index
      %swap3A_324 = tpu.vector_load %arg9[%swap3A_323] {strides = array<i32>} : memref<128xi32, #tpu.memory_space<vmem>>, vector<16xi32>,
      %swap3A_325 = vector.shape_cast %swap3A_324 : vector<16xi32> to vector<16xi32>
      %swap3A_326 = vector.shape_cast %get3A_322 : vector<16xi32> to vector<16xi32>
      tpu.vector_store %arg9[%swap3A_323], %swap3A_326 {strides = array<i32>} : memref<128xi32, #tpu.memory_space<vmem>>, vector<16xi32>,
      %get3A_327 = arith.constant 1 : i32
      %get3A_328 = arith.index_cast %get3A_327 : i32 to index
      %get3A_329 = arith.constant 48 : index
      %get3A_330 = tpu.vector_load %arg7[%get3A_328, %get3A_329] {strides = array<i32>} : memref<2x128xi32, #tpu.memory_space<vmem>>, vector<1x16xi32>,
      %get3A_331 = vector.shape_cast %get3A_330 : vector<1x16xi32> to vector<16xi32>
      %swap3A_332 = arith.constant 48 : index
      %swap3A_333 = tpu.vector_load %arg9[%swap3A_332] {strides = array<i32>} : memref<128xi32, #tpu.memory_space<vmem>>, vector<16xi32>,
      %swap3A_334 = vector.shape_cast %swap3A_333 : vector<16xi32> to vector<16xi32>
      %swap3A_335 = vector.shape_cast %get3A_331 : vector<16xi32> to vector<16xi32>
      tpu.vector_store %arg9[%swap3A_332], %swap3A_335 {strides = array<i32>} : memref<128xi32, #tpu.memory_space<vmem>>, vector<16xi32>,
      %get3A_336 = arith.constant 1 : i32
      %get3A_337 = arith.index_cast %get3A_336 : i32 to index
      %get3A_338 = arith.constant 64 : index
      %get3A_339 = tpu.vector_load %arg7[%get3A_337, %get3A_338] {strides = array<i32>} : memref<2x128xi32, #tpu.memory_space<vmem>>, vector<1x16xi32>,
      %get3A_340 = vector.shape_cast %get3A_339 : vector<1x16xi32> to vector<16xi32>
      %swap3A_341 = arith.constant 64 : index
      %swap3A_342 = tpu.vector_load %arg9[%swap3A_341] {strides = array<i32>} : memref<128xi32, #tpu.memory_space<vmem>>, vector<16xi32>,
      %swap3A_343 = vector.shape_cast %swap3A_342 : vector<16xi32> to vector<16xi32>
      %swap3A_344 = vector.shape_cast %get3A_340 : vector<16xi32> to vector<16xi32>
      tpu.vector_store %arg9[%swap3A_341], %swap3A_344 {strides = array<i32>} : memref<128xi32, #tpu.memory_space<vmem>>, vector<16xi32>,
      %get3A_345 = arith.constant 1 : i32
      %get3A_346 = arith.index_cast %get3A_345 : i32 to index
      %get3A_347 = arith.constant 80 : index
      %get3A_348 = tpu.vector_load %arg7[%get3A_346, %get3A_347] {strides = array<i32>} : memref<2x128xi32, #tpu.memory_space<vmem>>, vector<1x16xi32>,
      %get3A_349 = vector.shape_cast %get3A_348 : vector<1x16xi32> to vector<16xi32>
      %swap3A_350 = arith.constant 80 : index
      %swap3A_351 = tpu.vector_load %arg9[%swap3A_350] {strides = array<i32>} : memref<128xi32, #tpu.memory_space<vmem>>, vector<16xi32>,
      %swap3A_352 = vector.shape_cast %swap3A_351 : vector<16xi32> to vector<16xi32>
      %swap3A_353 = vector.shape_cast %get3A_349 : vector<16xi32> to vector<16xi32>
      tpu.vector_store %arg9[%swap3A_350], %swap3A_353 {strides = array<i32>} : memref<128xi32, #tpu.memory_space<vmem>>, vector<16xi32>,
      %get3A_354 = arith.constant 1 : i32
      %get3A_355 = arith.index_cast %get3A_354 : i32 to index
      %get3A_356 = arith.constant 96 : index
      %get3A_357 = tpu.vector_load %arg7[%get3A_355, %get3A_356] {strides = array<i32>} : memref<2x128xi32, #tpu.memory_space<vmem>>, vector<1x16xi32>,
      %get3A_358 = vector.shape_cast %get3A_357 : vector<1x16xi32> to vector<16xi32>
      %swap3A_359 = arith.constant 96 : index
      %swap3A_360 = tpu.vector_load %arg9[%swap3A_359] {strides = array<i32>} : memref<128xi32, #tpu.memory_space<vmem>>, vector<16xi32>,
      %swap3A_361 = vector.shape_cast %swap3A_360 : vector<16xi32> to vector<16xi32>
      %swap3A_362 = vector.shape_cast %get3A_358 : vector<16xi32> to vector<16xi32>
      tpu.vector_store %arg9[%swap3A_359], %swap3A_362 {strides = array<i32>} : memref<128xi32, #tpu.memory_space<vmem>>, vector<16xi32>,
      %get3A_363 = arith.constant 1 : i32
      %get3A_364 = arith.index_cast %get3A_363 : i32 to index
      %get3A_365 = arith.constant 112 : index
      %get3A_366 = tpu.vector_load %arg7[%get3A_364, %get3A_365] {strides = array<i32>} : memref<2x128xi32, #tpu.memory_space<vmem>>, vector<1x16xi32>,
      %get3A_367 = vector.shape_cast %get3A_366 : vector<1x16xi32> to vector<16xi32>
      %swap3A_368 = arith.constant 112 : index
      %swap3A_369 = tpu.vector_load %arg9[%swap3A_368] {strides = array<i32>} : memref<128xi32, #tpu.memory_space<vmem>>, vector<16xi32>,
      %swap3A_370 = vector.shape_cast %swap3A_369 : vector<16xi32> to vector<16xi32>
      %swap3A_371 = vector.shape_cast %get3A_367 : vector<16xi32> to vector<16xi32>
      tpu.vector_store %arg9[%swap3A_368], %swap3A_371 {strides = array<i32>} : memref<128xi32, #tpu.memory_space<vmem>>, vector<16xi32>,
      %dma_start3A_372 = arith.constant 0 : i32
      %dma_start3A_373 = arith.constant 0 : i32
      %dma_start3A_374 = tpu.memref_slice %arg7[%dma_start3A_372, %dma_start3A_373] : memref<2x128xi32, #tpu.memory_space<vmem>> -> memref<1x128xi32, #tpu.memory_space<vmem>>
      %dma_start3A_375 = tpu.memref_squeeze %dma_start3A_374 : memref<1x128xi32, #tpu.memory_space<vmem>> -> memref<128xi32, #tpu.memory_space<vmem>>
      %dma_start3A_376 = arith.constant 0 : i32
      %dma_start3A_377 = arith.constant 0 : i32
      %dma_start3A_378 = tpu.memref_slice %arg2[%dma_start3A_376, %dma_start3A_377] : memref<10000x128xf32, #tpu.memory_space<hbm>> -> memref<10000x128xf32, #tpu.memory_space<hbm>>
      tpu.enqueue_indirect_dma source(%dma_start3A_378 : memref<10000x128xf32, #tpu.memory_space<hbm>>) target(%arg11 : memref<128x128xf32, #tpu.memory_space<vmem>>) offsets(%dma_start3A_375 : memref<128xi32, #tpu.memory_space<vmem>>) semaphore(%arg15 : memref<!tpu.dma_semaphore, #tpu.memory_space<semaphore_mem>>)
      %add3A_379 = arith.constant 2 : i32
      %add3A_380 = arith.addi %mul3A_282, %add3A_379 : i32
      %lt3A_381 = arith.constant 78 : i32
      %lt3A_382 = arith.cmpi slt, %add3A_380, %lt3A_381 : i32
      %convert_element_type3A_383 = arith.extui %lt3A_382 : i1 to i32
      %cond3A_384 = arith.constant 0 : i32
      %cond3A_385 = arith.cmpi ne, %convert_element_type3A_383, %cond3A_384 : i32
      scf.if %cond3A_385 {
        %add3A_421 = arith.constant 2 : i32
        %add3A_422 = arith.addi %mul3A_282, %add3A_421 : i32
        %add3A_423 = arith.addi %add3A_8, %add3A_422 : i32
        %mul3A_424 = arith.constant 128 : i32
        %mul3A_425 = arith.muli %add3A_423, %mul3A_424 : i32
        %dma_start3A_426 = arith.constant 0 : i32
        %dma_start3A_427 = tpu.memref_slice %arg3[%dma_start3A_426, %mul3A_425] : memref<2x320000xi32, #tpu.memory_space<hbm>> -> memref<2x128xi32, #tpu.memory_space<hbm>>
        %dma_start3A_428 = arith.constant 0 : i32
        %dma_start3A_429 = tpu.memref_slice %arg3[%dma_start3A_428, %mul3A_425] : memref<2x320000xi32, #tpu.memory_space<hbm>> -> memref<2x128xi32, #tpu.memory_space<hbm>>
        tpu.enqueue_dma source(%dma_start3A_429 : memref<2x128xi32, #tpu.memory_space<hbm>>) target(%arg6 : memref<2x128xi32, #tpu.memory_space<vmem>>) target_semaphore(%arg18 : memref<!tpu.dma_semaphore, #tpu.memory_space<semaphore_mem>>)
      } else {
      }
      %dma_start3A_386 = arith.constant 0 : i32
      %dma_start3A_387 = arith.constant 0 : i32
      %dma_start3A_388 = tpu.memref_slice %arg13[%dma_start3A_386, %dma_start3A_387] : memref<10000x128xf32, #tpu.memory_space<vmem_shared>> -> memref<10000x128xf32, #tpu.memory_space<vmem_shared>>
      tpu.enqueue_indirect_dma source(%arg10 : memref<128x128xf32, #tpu.memory_space<vmem>>) target(%dma_start3A_388 : memref<10000x128xf32, #tpu.memory_space<vmem_shared>>) offsets(%arg8 : memref<128xi32, #tpu.memory_space<vmem>>) semaphore(%arg16 : memref<!tpu.dma_semaphore, #tpu.memory_space<semaphore_mem>>) {add = true}
      %dma_start3A_389 = arith.constant 0 : i32
      %dma_start3A_390 = tpu.memref_slice %arg23[%dma_start3A_389] : memref<10000xf32, #tpu.memory_space<vmem_shared>> -> memref<10000xf32, #tpu.memory_space<vmem_shared>>
      tpu.enqueue_indirect_dma source(%arg21 : memref<128xf32, #tpu.memory_space<vmem>>) target(%dma_start3A_390 : memref<10000xf32, #tpu.memory_space<vmem_shared>>) offsets(%arg8 : memref<128xi32, #tpu.memory_space<vmem>>) semaphore(%arg16 : memref<!tpu.dma_semaphore, #tpu.memory_space<semaphore_mem>>) {add = true}
      %dma_wait3A_391 = arith.constant 0 : i32
      %dma_wait3A_392 = arith.constant 0 : i32
      %dma_wait3A_393 = tpu.memref_slice %arg2[%dma_wait3A_391, %dma_wait3A_392] : memref<10000x128xf32, #tpu.memory_space<hbm>> -> memref<128x128xf32, #tpu.memory_space<hbm>>
      %dma_wait3A_394 = arith.constant 0 : i32
      %dma_wait3A_395 = arith.constant 0 : i32
      %dma_wait3A_396 = tpu.memref_slice %arg2[%dma_wait3A_394, %dma_wait3A_395] : memref<10000x128xf32, #tpu.memory_space<hbm>> -> memref<128x128xf32, #tpu.memory_space<hbm>>
      tpu.wait_dma2 semaphore(%arg15 : memref<!tpu.dma_semaphore, #tpu.memory_space<semaphore_mem>>) src(%dma_wait3A_396 : memref<128x128xf32, #tpu.memory_space<hbm>>) dst(%arg11 : memref<128x128xf32, #tpu.memory_space<vmem>>)
      %dma_wait3A_397 = arith.constant 0 : i32
      %dma_wait3A_398 = arith.constant 0 : i32
      %dma_wait3A_399 = tpu.memref_slice %arg13[%dma_wait3A_397, %dma_wait3A_398] : memref<10000x128xf32, #tpu.memory_space<vmem_shared>> -> memref<10000x128xf32, #tpu.memory_space<vmem_shared>>
      tpu.wait_indirect_dma semaphore(%arg16 : memref<!tpu.dma_semaphore, #tpu.memory_space<semaphore_mem>>) src(%arg10 : memref<128x128xf32, #tpu.memory_space<vmem>>) dst(%dma_wait3A_399 : memref<10000x128xf32, #tpu.memory_space<vmem_shared>>)
      %dma_wait3A_400 = arith.constant 0 : i32
      %dma_wait3A_401 = tpu.memref_slice %arg23[%dma_wait3A_400] : memref<10000xf32, #tpu.memory_space<vmem_shared>> -> memref<10000xf32, #tpu.memory_space<vmem_shared>>
      tpu.wait_indirect_dma semaphore(%arg16 : memref<!tpu.dma_semaphore, #tpu.memory_space<semaphore_mem>>) src(%arg21 : memref<128xf32, #tpu.memory_space<vmem>>) dst(%dma_wait3A_401 : memref<10000xf32, #tpu.memory_space<vmem_shared>>)
      %add3A_402 = arith.constant 2 : i32
      %add3A_403 = arith.addi %mul3A_282, %add3A_402 : i32
      %lt3A_404 = arith.constant 78 : i32
      %lt3A_405 = arith.cmpi slt, %add3A_403, %lt3A_404 : i32
      %convert_element_type3A_406 = arith.extui %lt3A_405 : i1 to i32
      %cond3A_407 = arith.constant 0 : i32
      %cond3A_408 = arith.cmpi ne, %convert_element_type3A_406, %cond3A_407 : i32
      scf.if %cond3A_408 {
        %dma_wait3A_421 = arith.constant 0 : i32
        %dma_wait3A_422 = arith.constant 0 : i32
        %dma_wait3A_423 = tpu.memref_slice %arg3[%dma_wait3A_421, %dma_wait3A_422] : memref<2x320000xi32, #tpu.memory_space<hbm>> -> memref<2x128xi32, #tpu.memory_space<hbm>>
        %dma_wait3A_424 = arith.constant 0 : i32
        %dma_wait3A_425 = arith.constant 0 : i32
        %dma_wait3A_426 = tpu.memref_slice %arg3[%dma_wait3A_424, %dma_wait3A_425] : memref<2x320000xi32, #tpu.memory_space<hbm>> -> memref<2x128xi32, #tpu.memory_space<hbm>>
        tpu.wait_dma2 semaphore(%arg18 : memref<!tpu.dma_semaphore, #tpu.memory_space<semaphore_mem>>) src(%dma_wait3A_426 : memref<2x128xi32, #tpu.memory_space<hbm>>) dst(%arg6 : memref<2x128xi32, #tpu.memory_space<vmem>>)
        %get3A_427 = arith.constant 1 : i32
        %get3A_428 = arith.index_cast %get3A_427 : i32 to index
        %get3A_429 = arith.constant 0 : index
        %get3A_430 = tpu.vector_load %arg6[%get3A_428, %get3A_429] {strides = array<i32>} : memref<2x128xi32, #tpu.memory_space<vmem>>, vector<1x16xi32>,
        %get3A_431 = vector.shape_cast %get3A_430 : vector<1x16xi32> to vector<16xi32>
        %swap3A_432 = arith.constant 0 : index
        %swap3A_433 = tpu.vector_load %arg8[%swap3A_432] {strides = array<i32>} : memref<128xi32, #tpu.memory_space<vmem>>, vector<16xi32>,
        %swap3A_434 = vector.shape_cast %swap3A_433 : vector<16xi32> to vector<16xi32>
        %swap3A_435 = vector.shape_cast %get3A_431 : vector<16xi32> to vector<16xi32>
        tpu.vector_store %arg8[%swap3A_432], %swap3A_435 {strides = array<i32>} : memref<128xi32, #tpu.memory_space<vmem>>, vector<16xi32>,
        %get3A_436 = arith.constant 1 : i32
        %get3A_437 = arith.index_cast %get3A_436 : i32 to index
        %get3A_438 = arith.constant 16 : index
        %get3A_439 = tpu.vector_load %arg6[%get3A_437, %get3A_438] {strides = array<i32>} : memref<2x128xi32, #tpu.memory_space<vmem>>, vector<1x16xi32>,
        %get3A_440 = vector.shape_cast %get3A_439 : vector<1x16xi32> to vector<16xi32>
        %swap3A_441 = arith.constant 16 : index
        %swap3A_442 = tpu.vector_load %arg8[%swap3A_441] {strides = array<i32>} : memref<128xi32, #tpu.memory_space<vmem>>, vector<16xi32>,
        %swap3A_443 = vector.shape_cast %swap3A_442 : vector<16xi32> to vector<16xi32>
        %swap3A_444 = vector.shape_cast %get3A_440 : vector<16xi32> to vector<16xi32>
        tpu.vector_store %arg8[%swap3A_441], %swap3A_444 {strides = array<i32>} : memref<128xi32, #tpu.memory_space<vmem>>, vector<16xi32>,
        %get3A_445 = arith.constant 1 : i32
        %get3A_446 = arith.index_cast %get3A_445 : i32 to index
        %get3A_447 = arith.constant 32 : index
        %get3A_448 = tpu.vector_load %arg6[%get3A_446, %get3A_447] {strides = array<i32>} : memref<2x128xi32, #tpu.memory_space<vmem>>, vector<1x16xi32>,
        %get3A_449 = vector.shape_cast %get3A_448 : vector<1x16xi32> to vector<16xi32>
        %swap3A_450 = arith.constant 32 : index
        %swap3A_451 = tpu.vector_load %arg8[%swap3A_450] {strides = array<i32>} : memref<128xi32, #tpu.memory_space<vmem>>, vector<16xi32>,
        %swap3A_452 = vector.shape_cast %swap3A_451 : vector<16xi32> to vector<16xi32>
        %swap3A_453 = vector.shape_cast %get3A_449 : vector<16xi32> to vector<16xi32>
        tpu.vector_store %arg8[%swap3A_450], %swap3A_453 {strides = array<i32>} : memref<128xi32, #tpu.memory_space<vmem>>, vector<16xi32>,
        %get3A_454 = arith.constant 1 : i32
        %get3A_455 = arith.index_cast %get3A_454 : i32 to index
        %get3A_456 = arith.constant 48 : index
        %get3A_457 = tpu.vector_load %arg6[%get3A_455, %get3A_456] {strides = array<i32>} : memref<2x128xi32, #tpu.memory_space<vmem>>, vector<1x16xi32>,
        %get3A_458 = vector.shape_cast %get3A_457 : vector<1x16xi32> to vector<16xi32>
        %swap3A_459 = arith.constant 48 : index
        %swap3A_460 = tpu.vector_load %arg8[%swap3A_459] {strides = array<i32>} : memref<128xi32, #tpu.memory_space<vmem>>, vector<16xi32>,
        %swap3A_461 = vector.shape_cast %swap3A_460 : vector<16xi32> to vector<16xi32>
        %swap3A_462 = vector.shape_cast %get3A_458 : vector<16xi32> to vector<16xi32>
        tpu.vector_store %arg8[%swap3A_459], %swap3A_462 {strides = array<i32>} : memref<128xi32, #tpu.memory_space<vmem>>, vector<16xi32>,
        %get3A_463 = arith.constant 1 : i32
        %get3A_464 = arith.index_cast %get3A_463 : i32 to index
        %get3A_465 = arith.constant 64 : index
        %get3A_466 = tpu.vector_load %arg6[%get3A_464, %get3A_465] {strides = array<i32>} : memref<2x128xi32, #tpu.memory_space<vmem>>, vector<1x16xi32>,
        %get3A_467 = vector.shape_cast %get3A_466 : vector<1x16xi32> to vector<16xi32>
        %swap3A_468 = arith.constant 64 : index
        %swap3A_469 = tpu.vector_load %arg8[%swap3A_468] {strides = array<i32>} : memref<128xi32, #tpu.memory_space<vmem>>, vector<16xi32>,
        %swap3A_470 = vector.shape_cast %swap3A_469 : vector<16xi32> to vector<16xi32>
        %swap3A_471 = vector.shape_cast %get3A_467 : vector<16xi32> to vector<16xi32>
        tpu.vector_store %arg8[%swap3A_468], %swap3A_471 {strides = array<i32>} : memref<128xi32, #tpu.memory_space<vmem>>, vector<16xi32>,
        %get3A_472 = arith.constant 1 : i32
        %get3A_473 = arith.index_cast %get3A_472 : i32 to index
        %get3A_474 = arith.constant 80 : index
        %get3A_475 = tpu.vector_load %arg6[%get3A_473, %get3A_474] {strides = array<i32>} : memref<2x128xi32, #tpu.memory_space<vmem>>, vector<1x16xi32>,
        %get3A_476 = vector.shape_cast %get3A_475 : vector<1x16xi32> to vector<16xi32>
        %swap3A_477 = arith.constant 80 : index
        %swap3A_478 = tpu.vector_load %arg8[%swap3A_477] {strides = array<i32>} : memref<128xi32, #tpu.memory_space<vmem>>, vector<16xi32>,
        %swap3A_479 = vector.shape_cast %swap3A_478 : vector<16xi32> to vector<16xi32>
        %swap3A_480 = vector.shape_cast %get3A_476 : vector<16xi32> to vector<16xi32>
        tpu.vector_store %arg8[%swap3A_477], %swap3A_480 {strides = array<i32>} : memref<128xi32, #tpu.memory_space<vmem>>, vector<16xi32>,
        %get3A_481 = arith.constant 1 : i32
        %get3A_482 = arith.index_cast %get3A_481 : i32 to index
        %get3A_483 = arith.constant 96 : index
        %get3A_484 = tpu.vector_load %arg6[%get3A_482, %get3A_483] {strides = array<i32>} : memref<2x128xi32, #tpu.memory_space<vmem>>, vector<1x16xi32>,
        %get3A_485 = vector.shape_cast %get3A_484 : vector<1x16xi32> to vector<16xi32>
        %swap3A_486 = arith.constant 96 : index
        %swap3A_487 = tpu.vector_load %arg8[%swap3A_486] {strides = array<i32>} : memref<128xi32, #tpu.memory_space<vmem>>, vector<16xi32>,
        %swap3A_488 = vector.shape_cast %swap3A_487 : vector<16xi32> to vector<16xi32>
        %swap3A_489 = vector.shape_cast %get3A_485 : vector<16xi32> to vector<16xi32>
        tpu.vector_store %arg8[%swap3A_486], %swap3A_489 {strides = array<i32>} : memref<128xi32, #tpu.memory_space<vmem>>, vector<16xi32>,
        %get3A_490 = arith.constant 1 : i32
        %get3A_491 = arith.index_cast %get3A_490 : i32 to index
        %get3A_492 = arith.constant 112 : index
        %get3A_493 = tpu.vector_load %arg6[%get3A_491, %get3A_492] {strides = array<i32>} : memref<2x128xi32, #tpu.memory_space<vmem>>, vector<1x16xi32>,
        %get3A_494 = vector.shape_cast %get3A_493 : vector<1x16xi32> to vector<16xi32>
        %swap3A_495 = arith.constant 112 : index
        %swap3A_496 = tpu.vector_load %arg8[%swap3A_495] {strides = array<i32>} : memref<128xi32, #tpu.memory_space<vmem>>, vector<16xi32>,
        %swap3A_497 = vector.shape_cast %swap3A_496 : vector<16xi32> to vector<16xi32>
        %swap3A_498 = vector.shape_cast %get3A_494 : vector<16xi32> to vector<16xi32>
        tpu.vector_store %arg8[%swap3A_495], %swap3A_498 {strides = array<i32>} : memref<128xi32, #tpu.memory_space<vmem>>, vector<16xi32>,
        %dma_start3A_499 = arith.constant 0 : i32
        %dma_start3A_500 = arith.constant 0 : i32
        %dma_start3A_501 = tpu.memref_slice %arg6[%dma_start3A_499, %dma_start3A_500] : memref<2x128xi32, #tpu.memory_space<vmem>> -> memref<1x128xi32, #tpu.memory_space<vmem>>
        %dma_start3A_502 = tpu.memref_squeeze %dma_start3A_501 : memref<1x128xi32, #tpu.memory_space<vmem>> -> memref<128xi32, #tpu.memory_space<vmem>>
        %dma_start3A_503 = arith.constant 0 : i32
        %dma_start3A_504 = arith.constant 0 : i32
        %dma_start3A_505 = tpu.memref_slice %arg2[%dma_start3A_503, %dma_start3A_504] : memref<10000x128xf32, #tpu.memory_space<hbm>> -> memref<10000x128xf32, #tpu.memory_space<hbm>>
        tpu.enqueue_indirect_dma source(%dma_start3A_505 : memref<10000x128xf32, #tpu.memory_space<hbm>>) target(%arg10 : memref<128x128xf32, #tpu.memory_space<vmem>>) offsets(%dma_start3A_502 : memref<128xi32, #tpu.memory_space<vmem>>) semaphore(%arg14 : memref<!tpu.dma_semaphore, #tpu.memory_space<semaphore_mem>>)
      } else {
      }
      %add3A_409 = arith.constant 3 : i32
      %add3A_410 = arith.addi %mul3A_282, %add3A_409 : i32
      %lt3A_411 = arith.constant 78 : i32
      %lt3A_412 = arith.cmpi slt, %add3A_410, %lt3A_411 : i32
      %convert_element_type3A_413 = arith.extui %lt3A_412 : i1 to i32
      %cond3A_414 = arith.constant 0 : i32
      %cond3A_415 = arith.cmpi ne, %convert_element_type3A_413, %cond3A_414 : i32
      scf.if %cond3A_415 {
        %add3A_421 = arith.constant 3 : i32
        %add3A_422 = arith.addi %mul3A_282, %add3A_421 : i32
        %add3A_423 = arith.addi %add3A_8, %add3A_422 : i32
        %mul3A_424 = arith.constant 128 : i32
        %mul3A_425 = arith.muli %add3A_423, %mul3A_424 : i32
        %dma_start3A_426 = arith.constant 0 : i32
        %dma_start3A_427 = tpu.memref_slice %arg3[%dma_start3A_426, %mul3A_425] : memref<2x320000xi32, #tpu.memory_space<hbm>> -> memref<2x128xi32, #tpu.memory_space<hbm>>
        %dma_start3A_428 = arith.constant 0 : i32
        %dma_start3A_429 = tpu.memref_slice %arg3[%dma_start3A_428, %mul3A_425] : memref<2x320000xi32, #tpu.memory_space<hbm>> -> memref<2x128xi32, #tpu.memory_space<hbm>>
        tpu.enqueue_dma source(%dma_start3A_429 : memref<2x128xi32, #tpu.memory_space<hbm>>) target(%arg7 : memref<2x128xi32, #tpu.memory_space<vmem>>) target_semaphore(%arg19 : memref<!tpu.dma_semaphore, #tpu.memory_space<semaphore_mem>>)
      } else {
      }
      %dma_start3A_416 = arith.constant 0 : i32
      %dma_start3A_417 = arith.constant 0 : i32
      %dma_start3A_418 = tpu.memref_slice %arg13[%dma_start3A_416, %dma_start3A_417] : memref<10000x128xf32, #tpu.memory_space<vmem_shared>> -> memref<10000x128xf32, #tpu.memory_space<vmem_shared>>
      tpu.enqueue_indirect_dma source(%arg11 : memref<128x128xf32, #tpu.memory_space<vmem>>) target(%dma_start3A_418 : memref<10000x128xf32, #tpu.memory_space<vmem_shared>>) offsets(%arg9 : memref<128xi32, #tpu.memory_space<vmem>>) semaphore(%arg17 : memref<!tpu.dma_semaphore, #tpu.memory_space<semaphore_mem>>) {add = true}
      %dma_start3A_419 = arith.constant 0 : i32
      %dma_start3A_420 = tpu.memref_slice %arg23[%dma_start3A_419] : memref<10000xf32, #tpu.memory_space<vmem_shared>> -> memref<10000xf32, #tpu.memory_space<vmem_shared>>
      tpu.enqueue_indirect_dma source(%arg21 : memref<128xf32, #tpu.memory_space<vmem>>) target(%dma_start3A_420 : memref<10000xf32, #tpu.memory_space<vmem_shared>>) offsets(%arg9 : memref<128xi32, #tpu.memory_space<vmem>>) semaphore(%arg17 : memref<!tpu.dma_semaphore, #tpu.memory_space<semaphore_mem>>) {add = true}
    }
    %scan3A_125 = arith.constant 39 : i32
    %dma_wait3A = arith.constant 0 : i32
    %dma_wait3A_126 = arith.constant 0 : i32
    %dma_wait3A_127 = tpu.memref_slice %arg13[%dma_wait3A, %dma_wait3A_126] : memref<10000x128xf32, #tpu.memory_space<vmem_shared>> -> memref<10000x128xf32, #tpu.memory_space<vmem_shared>>
    tpu.wait_indirect_dma semaphore(%arg17 : memref<!tpu.dma_semaphore, #tpu.memory_space<semaphore_mem>>) src(%arg11 : memref<128x128xf32, #tpu.memory_space<vmem>>) dst(%dma_wait3A_127 : memref<10000x128xf32, #tpu.memory_space<vmem_shared>>)
    %dma_wait3A_128 = arith.constant 0 : i32
    %dma_wait3A_129 = tpu.memref_slice %arg23[%dma_wait3A_128] : memref<10000xf32, #tpu.memory_space<vmem_shared>> -> memref<10000xf32, #tpu.memory_space<vmem_shared>>
    tpu.wait_indirect_dma semaphore(%arg17 : memref<!tpu.dma_semaphore, #tpu.memory_space<semaphore_mem>>) src(%arg21 : memref<128xf32, #tpu.memory_space<vmem>>) dst(%dma_wait3A_129 : memref<10000xf32, #tpu.memory_space<vmem_shared>>)
    %gt3A = arith.constant 78 : i32
    %gt3A_130 = arith.cmpi sgt, %add3A_4, %gt3A : i32
    %convert_element_type3A = arith.extui %gt3A_130 : i1 to i32
    %cond3A = arith.constant 0 : i32
    %cond3A_131 = arith.cmpi ne, %convert_element_type3A, %cond3A : i32
    scf.if %cond3A_131 {
      %add3A_276 = arith.constant 78 : i32
      %add3A_277 = arith.addi %add3A_8, %add3A_276 : i32
      %mul3A_278 = arith.constant 128 : i32
      %mul3A_279 = arith.muli %add3A_277, %mul3A_278 : i32
      "tpu.region"() ({
        %run_scoped3A = tpu.sem_alloc : memref<!tpu.dma_semaphore, #tpu.memory_space<semaphore_mem>>
        %dma_start3A_365 = arith.constant 0 : i32
        %dma_start3A_366 = tpu.memref_slice %arg3[%dma_start3A_365, %mul3A_279] : memref<2x320000xi32, #tpu.memory_space<hbm>> -> memref<2x128xi32, #tpu.memory_space<hbm>>
        %dma_start3A_367 = arith.constant 0 : i32
        %dma_start3A_368 = tpu.memref_slice %arg3[%dma_start3A_367, %mul3A_279] : memref<2x320000xi32, #tpu.memory_space<hbm>> -> memref<2x128xi32, #tpu.memory_space<hbm>>
        tpu.enqueue_dma source(%dma_start3A_368 : memref<2x128xi32, #tpu.memory_space<hbm>>) target(%arg6 : memref<2x128xi32, #tpu.memory_space<vmem>>) target_semaphore(%run_scoped3A : memref<!tpu.dma_semaphore, #tpu.memory_space<semaphore_mem>>)
        %dma_wait3A_369 = arith.constant 0 : i32
        %dma_wait3A_370 = tpu.memref_slice %arg3[%dma_wait3A_369, %mul3A_279] : memref<2x320000xi32, #tpu.memory_space<hbm>> -> memref<2x128xi32, #tpu.memory_space<hbm>>
        %dma_wait3A_371 = arith.constant 0 : i32
        %dma_wait3A_372 = tpu.memref_slice %arg3[%dma_wait3A_371, %mul3A_279] : memref<2x320000xi32, #tpu.memory_space<hbm>> -> memref<2x128xi32, #tpu.memory_space<hbm>>
        tpu.wait_dma2 semaphore(%run_scoped3A : memref<!tpu.dma_semaphore, #tpu.memory_space<semaphore_mem>>) src(%dma_wait3A_372 : memref<2x128xi32, #tpu.memory_space<hbm>>) dst(%arg6 : memref<2x128xi32, #tpu.memory_space<vmem>>)
        tpu.yield
      }) : () -> ()
      %get3A_280 = arith.constant 1 : i32
      %get3A_281 = arith.index_cast %get3A_280 : i32 to index
      %get3A_282 = arith.constant 0 : index
      %get3A_283 = tpu.vector_load %arg6[%get3A_281, %get3A_282] {strides = array<i32>} : memref<2x128xi32, #tpu.memory_space<vmem>>, vector<1x16xi32>,
      %get3A_284 = vector.shape_cast %get3A_283 : vector<1x16xi32> to vector<16xi32>
      %swap3A_285 = arith.constant 0 : index
      %swap3A_286 = tpu.vector_load %arg8[%swap3A_285] {strides = array<i32>} : memref<128xi32, #tpu.memory_space<vmem>>, vector<16xi32>,
      %swap3A_287 = vector.shape_cast %swap3A_286 : vector<16xi32> to vector<16xi32>
      %swap3A_288 = vector.shape_cast %get3A_284 : vector<16xi32> to vector<16xi32>
      tpu.vector_store %arg8[%swap3A_285], %swap3A_288 {strides = array<i32>} : memref<128xi32, #tpu.memory_space<vmem>>, vector<16xi32>,
      %get3A_289 = arith.constant 1 : i32
      %get3A_290 = arith.index_cast %get3A_289 : i32 to index
      %get3A_291 = arith.constant 16 : index
      %get3A_292 = tpu.vector_load %arg6[%get3A_290, %get3A_291] {strides = array<i32>} : memref<2x128xi32, #tpu.memory_space<vmem>>, vector<1x16xi32>,
      %get3A_293 = vector.shape_cast %get3A_292 : vector<1x16xi32> to vector<16xi32>
      %swap3A_294 = arith.constant 16 : index
      %swap3A_295 = tpu.vector_load %arg8[%swap3A_294] {strides = array<i32>} : memref<128xi32, #tpu.memory_space<vmem>>, vector<16xi32>,
      %swap3A_296 = vector.shape_cast %swap3A_295 : vector<16xi32> to vector<16xi32>
      %swap3A_297 = vector.shape_cast %get3A_293 : vector<16xi32> to vector<16xi32>
      tpu.vector_store %arg8[%swap3A_294], %swap3A_297 {strides = array<i32>} : memref<128xi32, #tpu.memory_space<vmem>>, vector<16xi32>,
      %get3A_298 = arith.constant 1 : i32
      %get3A_299 = arith.index_cast %get3A_298 : i32 to index
      %get3A_300 = arith.constant 32 : index
      %get3A_301 = tpu.vector_load %arg6[%get3A_299, %get3A_300] {strides = array<i32>} : memref<2x128xi32, #tpu.memory_space<vmem>>, vector<1x16xi32>,
      %get3A_302 = vector.shape_cast %get3A_301 : vector<1x16xi32> to vector<16xi32>
      %swap3A_303 = arith.constant 32 : index
      %swap3A_304 = tpu.vector_load %arg8[%swap3A_303] {strides = array<i32>} : memref<128xi32, #tpu.memory_space<vmem>>, vector<16xi32>,
      %swap3A_305 = vector.shape_cast %swap3A_304 : vector<16xi32> to vector<16xi32>
      %swap3A_306 = vector.shape_cast %get3A_302 : vector<16xi32> to vector<16xi32>
      tpu.vector_store %arg8[%swap3A_303], %swap3A_306 {strides = array<i32>} : memref<128xi32, #tpu.memory_space<vmem>>, vector<16xi32>,
      %get3A_307 = arith.constant 1 : i32
      %get3A_308 = arith.index_cast %get3A_307 : i32 to index
      %get3A_309 = arith.constant 48 : index
      %get3A_310 = tpu.vector_load %arg6[%get3A_308, %get3A_309] {strides = array<i32>} : memref<2x128xi32, #tpu.memory_space<vmem>>, vector<1x16xi32>,
      %get3A_311 = vector.shape_cast %get3A_310 : vector<1x16xi32> to vector<16xi32>
      %swap3A_312 = arith.constant 48 : index
      %swap3A_313 = tpu.vector_load %arg8[%swap3A_312] {strides = array<i32>} : memref<128xi32, #tpu.memory_space<vmem>>, vector<16xi32>,
      %swap3A_314 = vector.shape_cast %swap3A_313 : vector<16xi32> to vector<16xi32>
      %swap3A_315 = vector.shape_cast %get3A_311 : vector<16xi32> to vector<16xi32>
      tpu.vector_store %arg8[%swap3A_312], %swap3A_315 {strides = array<i32>} : memref<128xi32, #tpu.memory_space<vmem>>, vector<16xi32>,
      %get3A_316 = arith.constant 1 : i32
      %get3A_317 = arith.index_cast %get3A_316 : i32 to index
      %get3A_318 = arith.constant 64 : index
      %get3A_319 = tpu.vector_load %arg6[%get3A_317, %get3A_318] {strides = array<i32>} : memref<2x128xi32, #tpu.memory_space<vmem>>, vector<1x16xi32>,
      %get3A_320 = vector.shape_cast %get3A_319 : vector<1x16xi32> to vector<16xi32>
      %swap3A_321 = arith.constant 64 : index
      %swap3A_322 = tpu.vector_load %arg8[%swap3A_321] {strides = array<i32>} : memref<128xi32, #tpu.memory_space<vmem>>, vector<16xi32>,
      %swap3A_323 = vector.shape_cast %swap3A_322 : vector<16xi32> to vector<16xi32>
      %swap3A_324 = vector.shape_cast %get3A_320 : vector<16xi32> to vector<16xi32>
      tpu.vector_store %arg8[%swap3A_321], %swap3A_324 {strides = array<i32>} : memref<128xi32, #tpu.memory_space<vmem>>, vector<16xi32>,
      %get3A_325 = arith.constant 1 : i32
      %get3A_326 = arith.index_cast %get3A_325 : i32 to index
      %get3A_327 = arith.constant 80 : index
      %get3A_328 = tpu.vector_load %arg6[%get3A_326, %get3A_327] {strides = array<i32>} : memref<2x128xi32, #tpu.memory_space<vmem>>, vector<1x16xi32>,
      %get3A_329 = vector.shape_cast %get3A_328 : vector<1x16xi32> to vector<16xi32>
      %swap3A_330 = arith.constant 80 : index
      %swap3A_331 = tpu.vector_load %arg8[%swap3A_330] {strides = array<i32>} : memref<128xi32, #tpu.memory_space<vmem>>, vector<16xi32>,
      %swap3A_332 = vector.shape_cast %swap3A_331 : vector<16xi32> to vector<16xi32>
      %swap3A_333 = vector.shape_cast %get3A_329 : vector<16xi32> to vector<16xi32>
      tpu.vector_store %arg8[%swap3A_330], %swap3A_333 {strides = array<i32>} : memref<128xi32, #tpu.memory_space<vmem>>, vector<16xi32>,
      %get3A_334 = arith.constant 1 : i32
      %get3A_335 = arith.index_cast %get3A_334 : i32 to index
      %get3A_336 = arith.constant 96 : index
      %get3A_337 = tpu.vector_load %arg6[%get3A_335, %get3A_336] {strides = array<i32>} : memref<2x128xi32, #tpu.memory_space<vmem>>, vector<1x16xi32>,
      %get3A_338 = vector.shape_cast %get3A_337 : vector<1x16xi32> to vector<16xi32>
      %swap3A_339 = arith.constant 96 : index
      %swap3A_340 = tpu.vector_load %arg8[%swap3A_339] {strides = array<i32>} : memref<128xi32, #tpu.memory_space<vmem>>, vector<16xi32>,
      %swap3A_341 = vector.shape_cast %swap3A_340 : vector<16xi32> to vector<16xi32>
      %swap3A_342 = vector.shape_cast %get3A_338 : vector<16xi32> to vector<16xi32>
      tpu.vector_store %arg8[%swap3A_339], %swap3A_342 {strides = array<i32>} : memref<128xi32, #tpu.memory_space<vmem>>, vector<16xi32>,
      %get3A_343 = arith.constant 1 : i32
      %get3A_344 = arith.index_cast %get3A_343 : i32 to index
      %get3A_345 = arith.constant 112 : index
      %get3A_346 = tpu.vector_load %arg6[%get3A_344, %get3A_345] {strides = array<i32>} : memref<2x128xi32, #tpu.memory_space<vmem>>, vector<1x16xi32>,
      %get3A_347 = vector.shape_cast %get3A_346 : vector<1x16xi32> to vector<16xi32>
      %swap3A_348 = arith.constant 112 : index
      %swap3A_349 = tpu.vector_load %arg8[%swap3A_348] {strides = array<i32>} : memref<128xi32, #tpu.memory_space<vmem>>, vector<16xi32>,
      %swap3A_350 = vector.shape_cast %swap3A_349 : vector<16xi32> to vector<16xi32>
      %swap3A_351 = vector.shape_cast %get3A_347 : vector<16xi32> to vector<16xi32>
      tpu.vector_store %arg8[%swap3A_348], %swap3A_351 {strides = array<i32>} : memref<128xi32, #tpu.memory_space<vmem>>, vector<16xi32>,
      %dma_start3A_352 = arith.constant 0 : i32
      %dma_start3A_353 = arith.constant 0 : i32
      %dma_start3A_354 = tpu.memref_slice %arg6[%dma_start3A_352, %dma_start3A_353] : memref<2x128xi32, #tpu.memory_space<vmem>> -> memref<1x128xi32, #tpu.memory_space<vmem>>
      %dma_start3A_355 = tpu.memref_squeeze %dma_start3A_354 : memref<1x128xi32, #tpu.memory_space<vmem>> -> memref<128xi32, #tpu.memory_space<vmem>>
      %dma_start3A_356 = arith.constant 0 : i32
      %dma_start3A_357 = arith.constant 0 : i32
      %dma_start3A_358 = tpu.memref_slice %arg2[%dma_start3A_356, %dma_start3A_357] : memref<10000x128xf32, #tpu.memory_space<hbm>> -> memref<10000x128xf32, #tpu.memory_space<hbm>>
      tpu.enqueue_indirect_dma source(%dma_start3A_358 : memref<10000x128xf32, #tpu.memory_space<hbm>>) target(%arg10 : memref<128x128xf32, #tpu.memory_space<vmem>>) offsets(%dma_start3A_355 : memref<128xi32, #tpu.memory_space<vmem>>) semaphore(%arg14 : memref<!tpu.dma_semaphore, #tpu.memory_space<semaphore_mem>>)
      %dma_wait3A_359 = arith.constant 0 : i32
      %dma_wait3A_360 = arith.constant 0 : i32
      %dma_wait3A_361 = tpu.memref_slice %arg2[%dma_wait3A_359, %dma_wait3A_360] : memref<10000x128xf32, #tpu.memory_space<hbm>> -> memref<128x128xf32, #tpu.memory_space<hbm>>
      %dma_wait3A_362 = arith.constant 0 : i32
      %dma_wait3A_363 = arith.constant 0 : i32
      %dma_wait3A_364 = tpu.memref_slice %arg2[%dma_wait3A_362, %dma_wait3A_363] : memref<10000x128xf32, #tpu.memory_space<hbm>> -> memref<128x128xf32, #tpu.memory_space<hbm>>
      tpu.wait_dma2 semaphore(%arg14 : memref<!tpu.dma_semaphore, #tpu.memory_space<semaphore_mem>>) src(%dma_wait3A_364 : memref<128x128xf32, #tpu.memory_space<hbm>>) dst(%arg10 : memref<128x128xf32, #tpu.memory_space<vmem>>)
      "tpu.region"() ({
        %run_scoped3A = tpu.sem_alloc : memref<!tpu.dma_semaphore, #tpu.memory_space<semaphore_mem>>
        %dma_start3A_365 = arith.constant 0 : i32
        %dma_start3A_366 = arith.constant 0 : i32
        %dma_start3A_367 = tpu.memref_slice %arg13[%dma_start3A_365, %dma_start3A_366] : memref<10000x128xf32, #tpu.memory_space<vmem_shared>> -> memref<10000x128xf32, #tpu.memory_space<vmem_shared>>
        tpu.enqueue_indirect_dma source(%arg10 : memref<128x128xf32, #tpu.memory_space<vmem>>) target(%dma_start3A_367 : memref<10000x128xf32, #tpu.memory_space<vmem_shared>>) offsets(%arg8 : memref<128xi32, #tpu.memory_space<vmem>>) semaphore(%run_scoped3A : memref<!tpu.dma_semaphore, #tpu.memory_space<semaphore_mem>>) {add = true}
        %dma_wait3A_368 = arith.constant 0 : i32
        %dma_wait3A_369 = arith.constant 0 : i32
        %dma_wait3A_370 = tpu.memref_slice %arg13[%dma_wait3A_368, %dma_wait3A_369] : memref<10000x128xf32, #tpu.memory_space<vmem_shared>> -> memref<10000x128xf32, #tpu.memory_space<vmem_shared>>
        tpu.wait_indirect_dma semaphore(%run_scoped3A : memref<!tpu.dma_semaphore, #tpu.memory_space<semaphore_mem>>) src(%arg10 : memref<128x128xf32, #tpu.memory_space<vmem>>) dst(%dma_wait3A_370 : memref<10000x128xf32, #tpu.memory_space<vmem_shared>>)
        tpu.yield
      }) : () -> ()
      "tpu.region"() ({
        %run_scoped3A = tpu.sem_alloc : memref<!tpu.dma_semaphore, #tpu.memory_space<semaphore_mem>>
        %dma_start3A_365 = arith.constant 0 : i32
        %dma_start3A_366 = tpu.memref_slice %arg23[%dma_start3A_365] : memref<10000xf32, #tpu.memory_space<vmem_shared>> -> memref<10000xf32, #tpu.memory_space<vmem_shared>>
        tpu.enqueue_indirect_dma source(%arg21 : memref<128xf32, #tpu.memory_space<vmem>>) target(%dma_start3A_366 : memref<10000xf32, #tpu.memory_space<vmem_shared>>) offsets(%arg8 : memref<128xi32, #tpu.memory_space<vmem>>) semaphore(%run_scoped3A : memref<!tpu.dma_semaphore, #tpu.memory_space<semaphore_mem>>) {add = true}
        %dma_wait3A_367 = arith.constant 0 : i32
        %dma_wait3A_368 = tpu.memref_slice %arg23[%dma_wait3A_367] : memref<10000xf32, #tpu.memory_space<vmem_shared>> -> memref<10000xf32, #tpu.memory_space<vmem_shared>>
        tpu.wait_indirect_dma semaphore(%run_scoped3A : memref<!tpu.dma_semaphore, #tpu.memory_space<semaphore_mem>>) src(%arg21 : memref<128xf32, #tpu.memory_space<vmem>>) dst(%dma_wait3A_368 : memref<10000xf32, #tpu.memory_space<vmem_shared>>)
        tpu.yield
      }) : () -> ()
    } else {
    }
    %barrier3A_132 = arith.constant 0 : index
    tpu.barrier barrier_id(%barrier3A_132)
    %add3A_133 = arith.constant 0 : i32
    %add3A_134 = arith.addi %mul3A_100, %add3A_133 : i32
    "tpu.region"() ({
      %run_scoped3A = tpu.sem_alloc : memref<!tpu.dma_semaphore, #tpu.memory_space<semaphore_mem>>
      %dma_start3A_276 = arith.constant 0 : i32
      %dma_start3A_277 = arith.constant 0 : i32
      %dma_start3A_278 = tpu.memref_slice %arg10[%dma_start3A_276, %dma_start3A_277] : memref<128x128xf32, #tpu.memory_space<vmem>> -> memref<128x128xf32, #tpu.memory_space<vmem>>
      %dma_start3A_279 = arith.constant 0 : i32
      %dma_start3A_280 = tpu.memref_slice %arg13[%add3A_134, %dma_start3A_279] : memref<10000x128xf32, #tpu.memory_space<vmem_shared>> -> memref<128x128xf32, #tpu.memory_space<vmem_shared>>
      %dma_start3A_281 = arith.constant 0 : i32
      %dma_start3A_282 = arith.constant 0 : i32
      %dma_start3A_283 = tpu.memref_slice %arg10[%dma_start3A_281, %dma_start3A_282] : memref<128x128xf32, #tpu.memory_space<vmem>> -> memref<128x128xf32, #tpu.memory_space<vmem>>
      %dma_start3A_284 = arith.constant 0 : i32
      %dma_start3A_285 = tpu.memref_slice %arg13[%add3A_134, %dma_start3A_284] : memref<10000x128xf32, #tpu.memory_space<vmem_shared>> -> memref<128x128xf32, #tpu.memory_space<vmem_shared>>
      tpu.enqueue_dma source(%dma_start3A_285 : memref<128x128xf32, #tpu.memory_space<vmem_shared>>) target(%dma_start3A_283 : memref<128x128xf32, #tpu.memory_space<vmem>>) target_semaphore(%run_scoped3A : memref<!tpu.dma_semaphore, #tpu.memory_space<semaphore_mem>>)
      %dma_wait3A_286 = arith.constant 0 : i32
      %dma_wait3A_287 = arith.constant 0 : i32
      %dma_wait3A_288 = tpu.memref_slice %arg10[%dma_wait3A_286, %dma_wait3A_287] : memref<128x128xf32, #tpu.memory_space<vmem>> -> memref<128x128xf32, #tpu.memory_space<vmem>>
      %dma_wait3A_289 = arith.constant 0 : i32
      %dma_wait3A_290 = tpu.memref_slice %arg13[%add3A_134, %dma_wait3A_289] : memref<10000x128xf32, #tpu.memory_space<vmem_shared>> -> memref<128x128xf32, #tpu.memory_space<vmem_shared>>
      %dma_wait3A_291 = arith.constant 0 : i32
      %dma_wait3A_292 = arith.constant 0 : i32
      %dma_wait3A_293 = tpu.memref_slice %arg10[%dma_wait3A_291, %dma_wait3A_292] : memref<128x128xf32, #tpu.memory_space<vmem>> -> memref<128x128xf32, #tpu.memory_space<vmem>>
      %dma_wait3A_294 = arith.constant 0 : i32
      %dma_wait3A_295 = tpu.memref_slice %arg13[%add3A_134, %dma_wait3A_294] : memref<10000x128xf32, #tpu.memory_space<vmem_shared>> -> memref<128x128xf32, #tpu.memory_space<vmem_shared>>
      tpu.wait_dma2 semaphore(%run_scoped3A : memref<!tpu.dma_semaphore, #tpu.memory_space<semaphore_mem>>) src(%dma_wait3A_295 : memref<128x128xf32, #tpu.memory_space<vmem_shared>>) dst(%dma_wait3A_293 : memref<128x128xf32, #tpu.memory_space<vmem>>)
      tpu.yield
    }) : () -> ()
    %dma_start3A_135 = arith.constant 0 : i32
    %dma_start3A_136 = arith.constant 0 : i32
    %dma_start3A_137 = tpu.memref_slice %arg10[%dma_start3A_135, %dma_start3A_136] : memref<128x128xf32, #tpu.memory_space<vmem>> -> memref<128x128xf32, #tpu.memory_space<vmem>>
    %dma_start3A_138 = arith.constant 0 : i32
    %dma_start3A_139 = tpu.memref_slice %arg4[%arg0, %add3A_134, %dma_start3A_138] : memref<2x10000x128xf32, #tpu.memory_space<hbm>> -> memref<1x128x128xf32, #tpu.memory_space<hbm>>
    %dma_start3A_140 = tpu.memref_squeeze %dma_start3A_139 : memref<1x128x128xf32, #tpu.memory_space<hbm>> -> memref<128x128xf32, #tpu.memory_space<hbm>>
    %dma_start3A_141 = arith.constant 0 : i32
    %dma_start3A_142 = tpu.memref_slice %arg4[%arg0, %add3A_134, %dma_start3A_141] : memref<2x10000x128xf32, #tpu.memory_space<hbm>> -> memref<1x128x128xf32, #tpu.memory_space<hbm>>
    %dma_start3A_143 = tpu.memref_squeeze %dma_start3A_142 : memref<1x128x128xf32, #tpu.memory_space<hbm>> -> memref<128x128xf32, #tpu.memory_space<hbm>>
    %dma_start3A_144 = arith.constant 0 : i32
    %dma_start3A_145 = arith.constant 0 : i32
    %dma_start3A_146 = tpu.memref_slice %arg10[%dma_start3A_144, %dma_start3A_145] : memref<128x128xf32, #tpu.memory_space<vmem>> -> memref<128x128xf32, #tpu.memory_space<vmem>>
    tpu.enqueue_dma source(%dma_start3A_146 : memref<128x128xf32, #tpu.memory_space<vmem>>) target(%dma_start3A_143 : memref<128x128xf32, #tpu.memory_space<hbm>>) target_semaphore(%arg14 : memref<!tpu.dma_semaphore, #tpu.memory_space<semaphore_mem>>)
    %add3A_147 = arith.constant 128 : i32
    %add3A_148 = arith.addi %mul3A_100, %add3A_147 : i32
    "tpu.region"() ({
      %run_scoped3A = tpu.sem_alloc : memref<!tpu.dma_semaphore, #tpu.memory_space<semaphore_mem>>
      %dma_start3A_276 = arith.constant 0 : i32
      %dma_start3A_277 = arith.constant 0 : i32
      %dma_start3A_278 = tpu.memref_slice %arg11[%dma_start3A_276, %dma_start3A_277] : memref<128x128xf32, #tpu.memory_space<vmem>> -> memref<128x128xf32, #tpu.memory_space<vmem>>
      %dma_start3A_279 = arith.constant 0 : i32
      %dma_start3A_280 = tpu.memref_slice %arg13[%add3A_148, %dma_start3A_279] : memref<10000x128xf32, #tpu.memory_space<vmem_shared>> -> memref<128x128xf32, #tpu.memory_space<vmem_shared>>
      %dma_start3A_281 = arith.constant 0 : i32
      %dma_start3A_282 = arith.constant 0 : i32
      %dma_start3A_283 = tpu.memref_slice %arg11[%dma_start3A_281, %dma_start3A_282] : memref<128x128xf32, #tpu.memory_space<vmem>> -> memref<128x128xf32, #tpu.memory_space<vmem>>
      %dma_start3A_284 = arith.constant 0 : i32
      %dma_start3A_285 = tpu.memref_slice %arg13[%add3A_148, %dma_start3A_284] : memref<10000x128xf32, #tpu.memory_space<vmem_shared>> -> memref<128x128xf32, #tpu.memory_space<vmem_shared>>
      tpu.enqueue_dma source(%dma_start3A_285 : memref<128x128xf32, #tpu.memory_space<vmem_shared>>) target(%dma_start3A_283 : memref<128x128xf32, #tpu.memory_space<vmem>>) target_semaphore(%run_scoped3A : memref<!tpu.dma_semaphore, #tpu.memory_space<semaphore_mem>>)
      %dma_wait3A_286 = arith.constant 0 : i32
      %dma_wait3A_287 = arith.constant 0 : i32
      %dma_wait3A_288 = tpu.memref_slice %arg11[%dma_wait3A_286, %dma_wait3A_287] : memref<128x128xf32, #tpu.memory_space<vmem>> -> memref<128x128xf32, #tpu.memory_space<vmem>>
      %dma_wait3A_289 = arith.constant 0 : i32
      %dma_wait3A_290 = tpu.memref_slice %arg13[%add3A_148, %dma_wait3A_289] : memref<10000x128xf32, #tpu.memory_space<vmem_shared>> -> memref<128x128xf32, #tpu.memory_space<vmem_shared>>
      %dma_wait3A_291 = arith.constant 0 : i32
      %dma_wait3A_292 = arith.constant 0 : i32
      %dma_wait3A_293 = tpu.memref_slice %arg11[%dma_wait3A_291, %dma_wait3A_292] : memref<128x128xf32, #tpu.memory_space<vmem>> -> memref<128x128xf32, #tpu.memory_space<vmem>>
      %dma_wait3A_294 = arith.constant 0 : i32
      %dma_wait3A_295 = tpu.memref_slice %arg13[%add3A_148, %dma_wait3A_294] : memref<10000x128xf32, #tpu.memory_space<vmem_shared>> -> memref<128x128xf32, #tpu.memory_space<vmem_shared>>
      tpu.wait_dma2 semaphore(%run_scoped3A : memref<!tpu.dma_semaphore, #tpu.memory_space<semaphore_mem>>) src(%dma_wait3A_295 : memref<128x128xf32, #tpu.memory_space<vmem_shared>>) dst(%dma_wait3A_293 : memref<128x128xf32, #tpu.memory_space<vmem>>)
      tpu.yield
    }) : () -> ()
    %dma_start3A_149 = arith.constant 0 : i32
    %dma_start3A_150 = arith.constant 0 : i32
    %dma_start3A_151 = tpu.memref_slice %arg11[%dma_start3A_149, %dma_start3A_150] : memref<128x128xf32, #tpu.memory_space<vmem>> -> memref<128x128xf32, #tpu.memory_space<vmem>>
    %dma_start3A_152 = arith.constant 0 : i32
    %dma_start3A_153 = tpu.memref_slice %arg4[%arg0, %add3A_148, %dma_start3A_152] : memref<2x10000x128xf32, #tpu.memory_space<hbm>> -> memref<1x128x128xf32, #tpu.memory_space<hbm>>
    %dma_start3A_154 = tpu.memref_squeeze %dma_start3A_153 : memref<1x128x128xf32, #tpu.memory_space<hbm>> -> memref<128x128xf32, #tpu.memory_space<hbm>>
    %dma_start3A_155 = arith.constant 0 : i32
    %dma_start3A_156 = tpu.memref_slice %arg4[%arg0, %add3A_148, %dma_start3A_155] : memref<2x10000x128xf32, #tpu.memory_space<hbm>> -> memref<1x128x128xf32, #tpu.memory_space<hbm>>
    %dma_start3A_157 = tpu.memref_squeeze %dma_start3A_156 : memref<1x128x128xf32, #tpu.memory_space<hbm>> -> memref<128x128xf32, #tpu.memory_space<hbm>>
    %dma_start3A_158 = arith.constant 0 : i32
    %dma_start3A_159 = arith.constant 0 : i32
    %dma_start3A_160 = tpu.memref_slice %arg11[%dma_start3A_158, %dma_start3A_159] : memref<128x128xf32, #tpu.memory_space<vmem>> -> memref<128x128xf32, #tpu.memory_space<vmem>>
    tpu.enqueue_dma source(%dma_start3A_160 : memref<128x128xf32, #tpu.memory_space<vmem>>) target(%dma_start3A_157 : memref<128x128xf32, #tpu.memory_space<hbm>>) target_semaphore(%arg15 : memref<!tpu.dma_semaphore, #tpu.memory_space<semaphore_mem>>)
    %add3A_161 = arith.constant 256 : i32
    %add3A_162 = arith.addi %mul3A_100, %add3A_161 : i32
    %add3A_163 = arith.constant 0 : i32
    %add3A_164 = arith.addi %mul3A_100, %add3A_163 : i32
    %dma_wait3A_165 = arith.constant 0 : i32
    %dma_wait3A_166 = arith.constant 0 : i32
    %dma_wait3A_167 = tpu.memref_slice %arg10[%dma_wait3A_165, %dma_wait3A_166] : memref<128x128xf32, #tpu.memory_space<vmem>> -> memref<128x128xf32, #tpu.memory_space<vmem>>
    %dma_wait3A_168 = arith.constant 0 : i32
    %dma_wait3A_169 = tpu.memref_slice %arg4[%arg0, %add3A_164, %dma_wait3A_168] : memref<2x10000x128xf32, #tpu.memory_space<hbm>> -> memref<1x128x128xf32, #tpu.memory_space<hbm>>
    %dma_wait3A_170 = tpu.memref_squeeze %dma_wait3A_169 : memref<1x128x128xf32, #tpu.memory_space<hbm>> -> memref<128x128xf32, #tpu.memory_space<hbm>>
    %dma_wait3A_171 = arith.constant 0 : i32
    %dma_wait3A_172 = tpu.memref_slice %arg4[%arg0, %add3A_164, %dma_wait3A_171] : memref<2x10000x128xf32, #tpu.memory_space<hbm>> -> memref<1x128x128xf32, #tpu.memory_space<hbm>>
    %dma_wait3A_173 = tpu.memref_squeeze %dma_wait3A_172 : memref<1x128x128xf32, #tpu.memory_space<hbm>> -> memref<128x128xf32, #tpu.memory_space<hbm>>
    %dma_wait3A_174 = arith.constant 0 : i32
    %dma_wait3A_175 = arith.constant 0 : i32
    %dma_wait3A_176 = tpu.memref_slice %arg10[%dma_wait3A_174, %dma_wait3A_175] : memref<128x128xf32, #tpu.memory_space<vmem>> -> memref<128x128xf32, #tpu.memory_space<vmem>>
    tpu.wait_dma2 semaphore(%arg14 : memref<!tpu.dma_semaphore, #tpu.memory_space<semaphore_mem>>) src(%dma_wait3A_176 : memref<128x128xf32, #tpu.memory_space<vmem>>) dst(%dma_wait3A_173 : memref<128x128xf32, #tpu.memory_space<hbm>>)
    "tpu.region"() ({
      %run_scoped3A = tpu.sem_alloc : memref<!tpu.dma_semaphore, #tpu.memory_space<semaphore_mem>>
      %dma_start3A_276 = arith.constant 0 : i32
      %dma_start3A_277 = arith.constant 0 : i32
      %dma_start3A_278 = tpu.memref_slice %arg10[%dma_start3A_276, %dma_start3A_277] : memref<128x128xf32, #tpu.memory_space<vmem>> -> memref<128x128xf32, #tpu.memory_space<vmem>>
      %dma_start3A_279 = arith.constant 0 : i32
      %dma_start3A_280 = tpu.memref_slice %arg13[%add3A_162, %dma_start3A_279] : memref<10000x128xf32, #tpu.memory_space<vmem_shared>> -> memref<128x128xf32, #tpu.memory_space<vmem_shared>>
      %dma_start3A_281 = arith.constant 0 : i32
      %dma_start3A_282 = arith.constant 0 : i32
      %dma_start3A_283 = tpu.memref_slice %arg10[%dma_start3A_281, %dma_start3A_282] : memref<128x128xf32, #tpu.memory_space<vmem>> -> memref<128x128xf32, #tpu.memory_space<vmem>>
      %dma_start3A_284 = arith.constant 0 : i32
      %dma_start3A_285 = tpu.memref_slice %arg13[%add3A_162, %dma_start3A_284] : memref<10000x128xf32, #tpu.memory_space<vmem_shared>> -> memref<128x128xf32, #tpu.memory_space<vmem_shared>>
      tpu.enqueue_dma source(%dma_start3A_285 : memref<128x128xf32, #tpu.memory_space<vmem_shared>>) target(%dma_start3A_283 : memref<128x128xf32, #tpu.memory_space<vmem>>) target_semaphore(%run_scoped3A : memref<!tpu.dma_semaphore, #tpu.memory_space<semaphore_mem>>)
      %dma_wait3A_286 = arith.constant 0 : i32
      %dma_wait3A_287 = arith.constant 0 : i32
      %dma_wait3A_288 = tpu.memref_slice %arg10[%dma_wait3A_286, %dma_wait3A_287] : memref<128x128xf32, #tpu.memory_space<vmem>> -> memref<128x128xf32, #tpu.memory_space<vmem>>
      %dma_wait3A_289 = arith.constant 0 : i32
      %dma_wait3A_290 = tpu.memref_slice %arg13[%add3A_162, %dma_wait3A_289] : memref<10000x128xf32, #tpu.memory_space<vmem_shared>> -> memref<128x128xf32, #tpu.memory_space<vmem_shared>>
      %dma_wait3A_291 = arith.constant 0 : i32
      %dma_wait3A_292 = arith.constant 0 : i32
      %dma_wait3A_293 = tpu.memref_slice %arg10[%dma_wait3A_291, %dma_wait3A_292] : memref<128x128xf32, #tpu.memory_space<vmem>> -> memref<128x128xf32, #tpu.memory_space<vmem>>
      %dma_wait3A_294 = arith.constant 0 : i32
      %dma_wait3A_295 = tpu.memref_slice %arg13[%add3A_162, %dma_wait3A_294] : memref<10000x128xf32, #tpu.memory_space<vmem_shared>> -> memref<128x128xf32, #tpu.memory_space<vmem_shared>>
      tpu.wait_dma2 semaphore(%run_scoped3A : memref<!tpu.dma_semaphore, #tpu.memory_space<semaphore_mem>>) src(%dma_wait3A_295 : memref<128x128xf32, #tpu.memory_space<vmem_shared>>) dst(%dma_wait3A_293 : memref<128x128xf32, #tpu.memory_space<vmem>>)
      tpu.yield
    }) : () -> ()
    %dma_start3A_177 = arith.constant 0 : i32
    %dma_start3A_178 = arith.constant 0 : i32
    %dma_start3A_179 = tpu.memref_slice %arg10[%dma_start3A_177, %dma_start3A_178] : memref<128x128xf32, #tpu.memory_space<vmem>> -> memref<128x128xf32, #tpu.memory_space<vmem>>
    %dma_start3A_180 = arith.constant 0 : i32
    %dma_start3A_181 = tpu.memref_slice %arg4[%arg0, %add3A_162, %dma_start3A_180] : memref<2x10000x128xf32, #tpu.memory_space<hbm>> -> memref<1x128x128xf32, #tpu.memory_space<hbm>>
    %dma_start3A_182 = tpu.memref_squeeze %dma_start3A_181 : memref<1x128x128xf32, #tpu.memory_space<hbm>> -> memref<128x128xf32, #tpu.memory_space<hbm>>
    %dma_start3A_183 = arith.constant 0 : i32
    %dma_start3A_184 = tpu.memref_slice %arg4[%arg0, %add3A_162, %dma_start3A_183] : memref<2x10000x128xf32, #tpu.memory_space<hbm>> -> memref<1x128x128xf32, #tpu.memory_space<hbm>>
    %dma_start3A_185 = tpu.memref_squeeze %dma_start3A_184 : memref<1x128x128xf32, #tpu.memory_space<hbm>> -> memref<128x128xf32, #tpu.memory_space<hbm>>
    %dma_start3A_186 = arith.constant 0 : i32
    %dma_start3A_187 = arith.constant 0 : i32
    %dma_start3A_188 = tpu.memref_slice %arg10[%dma_start3A_186, %dma_start3A_187] : memref<128x128xf32, #tpu.memory_space<vmem>> -> memref<128x128xf32, #tpu.memory_space<vmem>>
    tpu.enqueue_dma source(%dma_start3A_188 : memref<128x128xf32, #tpu.memory_space<vmem>>) target(%dma_start3A_185 : memref<128x128xf32, #tpu.memory_space<hbm>>) target_semaphore(%arg14 : memref<!tpu.dma_semaphore, #tpu.memory_space<semaphore_mem>>)
    %add3A_189 = arith.constant 384 : i32
    %add3A_190 = arith.addi %mul3A_100, %add3A_189 : i32
    %add3A_191 = arith.constant 128 : i32
    %add3A_192 = arith.addi %mul3A_100, %add3A_191 : i32
    %dma_wait3A_193 = arith.constant 0 : i32
    %dma_wait3A_194 = arith.constant 0 : i32
    %dma_wait3A_195 = tpu.memref_slice %arg11[%dma_wait3A_193, %dma_wait3A_194] : memref<128x128xf32, #tpu.memory_space<vmem>> -> memref<128x128xf32, #tpu.memory_space<vmem>>
    %dma_wait3A_196 = arith.constant 0 : i32
    %dma_wait3A_197 = tpu.memref_slice %arg4[%arg0, %add3A_192, %dma_wait3A_196] : memref<2x10000x128xf32, #tpu.memory_space<hbm>> -> memref<1x128x128xf32, #tpu.memory_space<hbm>>
    %dma_wait3A_198 = tpu.memref_squeeze %dma_wait3A_197 : memref<1x128x128xf32, #tpu.memory_space<hbm>> -> memref<128x128xf32, #tpu.memory_space<hbm>>
    %dma_wait3A_199 = arith.constant 0 : i32
    %dma_wait3A_200 = tpu.memref_slice %arg4[%arg0, %add3A_192, %dma_wait3A_199] : memref<2x10000x128xf32, #tpu.memory_space<hbm>> -> memref<1x128x128xf32, #tpu.memory_space<hbm>>
    %dma_wait3A_201 = tpu.memref_squeeze %dma_wait3A_200 : memref<1x128x128xf32, #tpu.memory_space<hbm>> -> memref<128x128xf32, #tpu.memory_space<hbm>>
    %dma_wait3A_202 = arith.constant 0 : i32
    %dma_wait3A_203 = arith.constant 0 : i32
    %dma_wait3A_204 = tpu.memref_slice %arg11[%dma_wait3A_202, %dma_wait3A_203] : memref<128x128xf32, #tpu.memory_space<vmem>> -> memref<128x128xf32, #tpu.memory_space<vmem>>
    tpu.wait_dma2 semaphore(%arg15 : memref<!tpu.dma_semaphore, #tpu.memory_space<semaphore_mem>>) src(%dma_wait3A_204 : memref<128x128xf32, #tpu.memory_space<vmem>>) dst(%dma_wait3A_201 : memref<128x128xf32, #tpu.memory_space<hbm>>)
    "tpu.region"() ({
      %run_scoped3A = tpu.sem_alloc : memref<!tpu.dma_semaphore, #tpu.memory_space<semaphore_mem>>
      %dma_start3A_276 = arith.constant 0 : i32
      %dma_start3A_277 = arith.constant 0 : i32
      %dma_start3A_278 = tpu.memref_slice %arg11[%dma_start3A_276, %dma_start3A_277] : memref<128x128xf32, #tpu.memory_space<vmem>> -> memref<128x128xf32, #tpu.memory_space<vmem>>
      %dma_start3A_279 = arith.constant 0 : i32
      %dma_start3A_280 = tpu.memref_slice %arg13[%add3A_190, %dma_start3A_279] : memref<10000x128xf32, #tpu.memory_space<vmem_shared>> -> memref<128x128xf32, #tpu.memory_space<vmem_shared>>
      %dma_start3A_281 = arith.constant 0 : i32
      %dma_start3A_282 = arith.constant 0 : i32
      %dma_start3A_283 = tpu.memref_slice %arg11[%dma_start3A_281, %dma_start3A_282] : memref<128x128xf32, #tpu.memory_space<vmem>> -> memref<128x128xf32, #tpu.memory_space<vmem>>
      %dma_start3A_284 = arith.constant 0 : i32
      %dma_start3A_285 = tpu.memref_slice %arg13[%add3A_190, %dma_start3A_284] : memref<10000x128xf32, #tpu.memory_space<vmem_shared>> -> memref<128x128xf32, #tpu.memory_space<vmem_shared>>
      tpu.enqueue_dma source(%dma_start3A_285 : memref<128x128xf32, #tpu.memory_space<vmem_shared>>) target(%dma_start3A_283 : memref<128x128xf32, #tpu.memory_space<vmem>>) target_semaphore(%run_scoped3A : memref<!tpu.dma_semaphore, #tpu.memory_space<semaphore_mem>>)
      %dma_wait3A_286 = arith.constant 0 : i32
      %dma_wait3A_287 = arith.constant 0 : i32
      %dma_wait3A_288 = tpu.memref_slice %arg11[%dma_wait3A_286, %dma_wait3A_287] : memref<128x128xf32, #tpu.memory_space<vmem>> -> memref<128x128xf32, #tpu.memory_space<vmem>>
      %dma_wait3A_289 = arith.constant 0 : i32
      %dma_wait3A_290 = tpu.memref_slice %arg13[%add3A_190, %dma_wait3A_289] : memref<10000x128xf32, #tpu.memory_space<vmem_shared>> -> memref<128x128xf32, #tpu.memory_space<vmem_shared>>
      %dma_wait3A_291 = arith.constant 0 : i32
      %dma_wait3A_292 = arith.constant 0 : i32
      %dma_wait3A_293 = tpu.memref_slice %arg11[%dma_wait3A_291, %dma_wait3A_292] : memref<128x128xf32, #tpu.memory_space<vmem>> -> memref<128x128xf32, #tpu.memory_space<vmem>>
      %dma_wait3A_294 = arith.constant 0 : i32
      %dma_wait3A_295 = tpu.memref_slice %arg13[%add3A_190, %dma_wait3A_294] : memref<10000x128xf32, #tpu.memory_space<vmem_shared>> -> memref<128x128xf32, #tpu.memory_space<vmem_shared>>
      tpu.wait_dma2 semaphore(%run_scoped3A : memref<!tpu.dma_semaphore, #tpu.memory_space<semaphore_mem>>) src(%dma_wait3A_295 : memref<128x128xf32, #tpu.memory_space<vmem_shared>>) dst(%dma_wait3A_293 : memref<128x128xf32, #tpu.memory_space<vmem>>)
      tpu.yield
    }) : () -> ()
    %dma_start3A_205 = arith.constant 0 : i32
    %dma_start3A_206 = arith.constant 0 : i32
    %dma_start3A_207 = tpu.memref_slice %arg11[%dma_start3A_205, %dma_start3A_206] : memref<128x128xf32, #tpu.memory_space<vmem>> -> memref<128x128xf32, #tpu.memory_space<vmem>>
    %dma_start3A_208 = arith.constant 0 : i32
    %dma_start3A_209 = tpu.memref_slice %arg4[%arg0, %add3A_190, %dma_start3A_208] : memref<2x10000x128xf32, #tpu.memory_space<hbm>> -> memref<1x128x128xf32, #tpu.memory_space<hbm>>
    %dma_start3A_210 = tpu.memref_squeeze %dma_start3A_209 : memref<1x128x128xf32, #tpu.memory_space<hbm>> -> memref<128x128xf32, #tpu.memory_space<hbm>>
    %dma_start3A_211 = arith.constant 0 : i32
    %dma_start3A_212 = tpu.memref_slice %arg4[%arg0, %add3A_190, %dma_start3A_211] : memref<2x10000x128xf32, #tpu.memory_space<hbm>> -> memref<1x128x128xf32, #tpu.memory_space<hbm>>
    %dma_start3A_213 = tpu.memref_squeeze %dma_start3A_212 : memref<1x128x128xf32, #tpu.memory_space<hbm>> -> memref<128x128xf32, #tpu.memory_space<hbm>>
    %dma_start3A_214 = arith.constant 0 : i32
    %dma_start3A_215 = arith.constant 0 : i32
    %dma_start3A_216 = tpu.memref_slice %arg11[%dma_start3A_214, %dma_start3A_215] : memref<128x128xf32, #tpu.memory_space<vmem>> -> memref<128x128xf32, #tpu.memory_space<vmem>>
    tpu.enqueue_dma source(%dma_start3A_216 : memref<128x128xf32, #tpu.memory_space<vmem>>) target(%dma_start3A_213 : memref<128x128xf32, #tpu.memory_space<hbm>>) target_semaphore(%arg15 : memref<!tpu.dma_semaphore, #tpu.memory_space<semaphore_mem>>)
    %add3A_217 = arith.constant 512 : i32
    %add3A_218 = arith.addi %mul3A_100, %add3A_217 : i32
    %add3A_219 = arith.constant 256 : i32
    %add3A_220 = arith.addi %mul3A_100, %add3A_219 : i32
    %dma_wait3A_221 = arith.constant 0 : i32
    %dma_wait3A_222 = arith.constant 0 : i32
    %dma_wait3A_223 = tpu.memref_slice %arg10[%dma_wait3A_221, %dma_wait3A_222] : memref<128x128xf32, #tpu.memory_space<vmem>> -> memref<128x128xf32, #tpu.memory_space<vmem>>
    %dma_wait3A_224 = arith.constant 0 : i32
    %dma_wait3A_225 = tpu.memref_slice %arg4[%arg0, %add3A_220, %dma_wait3A_224] : memref<2x10000x128xf32, #tpu.memory_space<hbm>> -> memref<1x128x128xf32, #tpu.memory_space<hbm>>
    %dma_wait3A_226 = tpu.memref_squeeze %dma_wait3A_225 : memref<1x128x128xf32, #tpu.memory_space<hbm>> -> memref<128x128xf32, #tpu.memory_space<hbm>>
    %dma_wait3A_227 = arith.constant 0 : i32
    %dma_wait3A_228 = tpu.memref_slice %arg4[%arg0, %add3A_220, %dma_wait3A_227] : memref<2x10000x128xf32, #tpu.memory_space<hbm>> -> memref<1x128x128xf32, #tpu.memory_space<hbm>>
    %dma_wait3A_229 = tpu.memref_squeeze %dma_wait3A_228 : memref<1x128x128xf32, #tpu.memory_space<hbm>> -> memref<128x128xf32, #tpu.memory_space<hbm>>
    %dma_wait3A_230 = arith.constant 0 : i32
    %dma_wait3A_231 = arith.constant 0 : i32
    %dma_wait3A_232 = tpu.memref_slice %arg10[%dma_wait3A_230, %dma_wait3A_231] : memref<128x128xf32, #tpu.memory_space<vmem>> -> memref<128x128xf32, #tpu.memory_space<vmem>>
    tpu.wait_dma2 semaphore(%arg14 : memref<!tpu.dma_semaphore, #tpu.memory_space<semaphore_mem>>) src(%dma_wait3A_232 : memref<128x128xf32, #tpu.memory_space<vmem>>) dst(%dma_wait3A_229 : memref<128x128xf32, #tpu.memory_space<hbm>>)
    "tpu.region"() ({
      %run_scoped3A = tpu.sem_alloc : memref<!tpu.dma_semaphore, #tpu.memory_space<semaphore_mem>>
      %dma_start3A_276 = arith.constant 0 : i32
      %dma_start3A_277 = arith.constant 0 : i32
      %dma_start3A_278 = tpu.memref_slice %arg10[%dma_start3A_276, %dma_start3A_277] : memref<128x128xf32, #tpu.memory_space<vmem>> -> memref<128x128xf32, #tpu.memory_space<vmem>>
      %dma_start3A_279 = arith.constant 0 : i32
      %dma_start3A_280 = tpu.memref_slice %arg13[%add3A_218, %dma_start3A_279] : memref<10000x128xf32, #tpu.memory_space<vmem_shared>> -> memref<128x128xf32, #tpu.memory_space<vmem_shared>>
      %dma_start3A_281 = arith.constant 0 : i32
      %dma_start3A_282 = arith.constant 0 : i32
      %dma_start3A_283 = tpu.memref_slice %arg10[%dma_start3A_281, %dma_start3A_282] : memref<128x128xf32, #tpu.memory_space<vmem>> -> memref<128x128xf32, #tpu.memory_space<vmem>>
      %dma_start3A_284 = arith.constant 0 : i32
      %dma_start3A_285 = tpu.memref_slice %arg13[%add3A_218, %dma_start3A_284] : memref<10000x128xf32, #tpu.memory_space<vmem_shared>> -> memref<128x128xf32, #tpu.memory_space<vmem_shared>>
      tpu.enqueue_dma source(%dma_start3A_285 : memref<128x128xf32, #tpu.memory_space<vmem_shared>>) target(%dma_start3A_283 : memref<128x128xf32, #tpu.memory_space<vmem>>) target_semaphore(%run_scoped3A : memref<!tpu.dma_semaphore, #tpu.memory_space<semaphore_mem>>)
      %dma_wait3A_286 = arith.constant 0 : i32
      %dma_wait3A_287 = arith.constant 0 : i32
      %dma_wait3A_288 = tpu.memref_slice %arg10[%dma_wait3A_286, %dma_wait3A_287] : memref<128x128xf32, #tpu.memory_space<vmem>> -> memref<128x128xf32, #tpu.memory_space<vmem>>
      %dma_wait3A_289 = arith.constant 0 : i32
      %dma_wait3A_290 = tpu.memref_slice %arg13[%add3A_218, %dma_wait3A_289] : memref<10000x128xf32, #tpu.memory_space<vmem_shared>> -> memref<128x128xf32, #tpu.memory_space<vmem_shared>>
      %dma_wait3A_291 = arith.constant 0 : i32
      %dma_wait3A_292 = arith.constant 0 : i32
      %dma_wait3A_293 = tpu.memref_slice %arg10[%dma_wait3A_291, %dma_wait3A_292] : memref<128x128xf32, #tpu.memory_space<vmem>> -> memref<128x128xf32, #tpu.memory_space<vmem>>
      %dma_wait3A_294 = arith.constant 0 : i32
      %dma_wait3A_295 = tpu.memref_slice %arg13[%add3A_218, %dma_wait3A_294] : memref<10000x128xf32, #tpu.memory_space<vmem_shared>> -> memref<128x128xf32, #tpu.memory_space<vmem_shared>>
      tpu.wait_dma2 semaphore(%run_scoped3A : memref<!tpu.dma_semaphore, #tpu.memory_space<semaphore_mem>>) src(%dma_wait3A_295 : memref<128x128xf32, #tpu.memory_space<vmem_shared>>) dst(%dma_wait3A_293 : memref<128x128xf32, #tpu.memory_space<vmem>>)
      tpu.yield
    }) : () -> ()
    %dma_start3A_233 = arith.constant 0 : i32
    %dma_start3A_234 = arith.constant 0 : i32
    %dma_start3A_235 = tpu.memref_slice %arg10[%dma_start3A_233, %dma_start3A_234] : memref<128x128xf32, #tpu.memory_space<vmem>> -> memref<128x128xf32, #tpu.memory_space<vmem>>
    %dma_start3A_236 = arith.constant 0 : i32
    %dma_start3A_237 = tpu.memref_slice %arg4[%arg0, %add3A_218, %dma_start3A_236] : memref<2x10000x128xf32, #tpu.memory_space<hbm>> -> memref<1x128x128xf32, #tpu.memory_space<hbm>>
    %dma_start3A_238 = tpu.memref_squeeze %dma_start3A_237 : memref<1x128x128xf32, #tpu.memory_space<hbm>> -> memref<128x128xf32, #tpu.memory_space<hbm>>
    %dma_start3A_239 = arith.constant 0 : i32
    %dma_start3A_240 = tpu.memref_slice %arg4[%arg0, %add3A_218, %dma_start3A_239] : memref<2x10000x128xf32, #tpu.memory_space<hbm>> -> memref<1x128x128xf32, #tpu.memory_space<hbm>>
    %dma_start3A_241 = tpu.memref_squeeze %dma_start3A_240 : memref<1x128x128xf32, #tpu.memory_space<hbm>> -> memref<128x128xf32, #tpu.memory_space<hbm>>
    %dma_start3A_242 = arith.constant 0 : i32
    %dma_start3A_243 = arith.constant 0 : i32
    %dma_start3A_244 = tpu.memref_slice %arg10[%dma_start3A_242, %dma_start3A_243] : memref<128x128xf32, #tpu.memory_space<vmem>> -> memref<128x128xf32, #tpu.memory_space<vmem>>
    tpu.enqueue_dma source(%dma_start3A_244 : memref<128x128xf32, #tpu.memory_space<vmem>>) target(%dma_start3A_241 : memref<128x128xf32, #tpu.memory_space<hbm>>) target_semaphore(%arg14 : memref<!tpu.dma_semaphore, #tpu.memory_space<semaphore_mem>>)
    %add3A_245 = arith.constant 384 : i32
    %add3A_246 = arith.addi %mul3A_100, %add3A_245 : i32
    %dma_wait3A_247 = arith.constant 0 : i32
    %dma_wait3A_248 = arith.constant 0 : i32
    %dma_wait3A_249 = tpu.memref_slice %arg11[%dma_wait3A_247, %dma_wait3A_248] : memref<128x128xf32, #tpu.memory_space<vmem>> -> memref<128x128xf32, #tpu.memory_space<vmem>>
    %dma_wait3A_250 = arith.constant 0 : i32
    %dma_wait3A_251 = tpu.memref_slice %arg4[%arg0, %add3A_246, %dma_wait3A_250] : memref<2x10000x128xf32, #tpu.memory_space<hbm>> -> memref<1x128x128xf32, #tpu.memory_space<hbm>>
    %dma_wait3A_252 = tpu.memref_squeeze %dma_wait3A_251 : memref<1x128x128xf32, #tpu.memory_space<hbm>> -> memref<128x128xf32, #tpu.memory_space<hbm>>
    %dma_wait3A_253 = arith.constant 0 : i32
    %dma_wait3A_254 = tpu.memref_slice %arg4[%arg0, %add3A_246, %dma_wait3A_253] : memref<2x10000x128xf32, #tpu.memory_space<hbm>> -> memref<1x128x128xf32, #tpu.memory_space<hbm>>
    %dma_wait3A_255 = tpu.memref_squeeze %dma_wait3A_254 : memref<1x128x128xf32, #tpu.memory_space<hbm>> -> memref<128x128xf32, #tpu.memory_space<hbm>>
    %dma_wait3A_256 = arith.constant 0 : i32
    %dma_wait3A_257 = arith.constant 0 : i32
    %dma_wait3A_258 = tpu.memref_slice %arg11[%dma_wait3A_256, %dma_wait3A_257] : memref<128x128xf32, #tpu.memory_space<vmem>> -> memref<128x128xf32, #tpu.memory_space<vmem>>
    tpu.wait_dma2 semaphore(%arg15 : memref<!tpu.dma_semaphore, #tpu.memory_space<semaphore_mem>>) src(%dma_wait3A_258 : memref<128x128xf32, #tpu.memory_space<vmem>>) dst(%dma_wait3A_255 : memref<128x128xf32, #tpu.memory_space<hbm>>)
    %add3A_259 = arith.constant 512 : i32
    %add3A_260 = arith.addi %mul3A_100, %add3A_259 : i32
    %dma_wait3A_261 = arith.constant 0 : i32
    %dma_wait3A_262 = arith.constant 0 : i32
    %dma_wait3A_263 = tpu.memref_slice %arg10[%dma_wait3A_261, %dma_wait3A_262] : memref<128x128xf32, #tpu.memory_space<vmem>> -> memref<128x128xf32, #tpu.memory_space<vmem>>
    %dma_wait3A_264 = arith.constant 0 : i32
    %dma_wait3A_265 = tpu.memref_slice %arg4[%arg0, %add3A_260, %dma_wait3A_264] : memref<2x10000x128xf32, #tpu.memory_space<hbm>> -> memref<1x128x128xf32, #tpu.memory_space<hbm>>
    %dma_wait3A_266 = tpu.memref_squeeze %dma_wait3A_265 : memref<1x128x128xf32, #tpu.memory_space<hbm>> -> memref<128x128xf32, #tpu.memory_space<hbm>>
    %dma_wait3A_267 = arith.constant 0 : i32
    %dma_wait3A_268 = tpu.memref_slice %arg4[%arg0, %add3A_260, %dma_wait3A_267] : memref<2x10000x128xf32, #tpu.memory_space<hbm>> -> memref<1x128x128xf32, #tpu.memory_space<hbm>>
    %dma_wait3A_269 = tpu.memref_squeeze %dma_wait3A_268 : memref<1x128x128xf32, #tpu.memory_space<hbm>> -> memref<128x128xf32, #tpu.memory_space<hbm>>
    %dma_wait3A_270 = arith.constant 0 : i32
    %dma_wait3A_271 = arith.constant 0 : i32
    %dma_wait3A_272 = tpu.memref_slice %arg10[%dma_wait3A_270, %dma_wait3A_271] : memref<128x128xf32, #tpu.memory_space<vmem>> -> memref<128x128xf32, #tpu.memory_space<vmem>>
    tpu.wait_dma2 semaphore(%arg14 : memref<!tpu.dma_semaphore, #tpu.memory_space<semaphore_mem>>) src(%dma_wait3A_272 : memref<128x128xf32, #tpu.memory_space<vmem>>) dst(%dma_wait3A_269 : memref<128x128xf32, #tpu.memory_space<hbm>>)
    "tpu.region"() ({
      %run_scoped3A = tpu.sem_alloc : memref<!tpu.dma_semaphore, #tpu.memory_space<semaphore_mem>>
      %dma_start3A_276 = tpu.memref_slice %arg23[%mul3A_100] : memref<10000xf32, #tpu.memory_space<vmem_shared>> -> memref<640xf32, #tpu.memory_space<vmem_shared>>
      %dma_start3A_277 = tpu.memref_slice %arg23[%mul3A_100] : memref<10000xf32, #tpu.memory_space<vmem_shared>> -> memref<640xf32, #tpu.memory_space<vmem_shared>>
      tpu.enqueue_dma source(%dma_start3A_277 : memref<640xf32, #tpu.memory_space<vmem_shared>>) target(%arg22 : memref<640xf32, #tpu.memory_space<vmem>>) target_semaphore(%run_scoped3A : memref<!tpu.dma_semaphore, #tpu.memory_space<semaphore_mem>>)
      %dma_wait3A_278 = tpu.memref_slice %arg23[%mul3A_100] : memref<10000xf32, #tpu.memory_space<vmem_shared>> -> memref<640xf32, #tpu.memory_space<vmem_shared>>
      %dma_wait3A_279 = tpu.memref_slice %arg23[%mul3A_100] : memref<10000xf32, #tpu.memory_space<vmem_shared>> -> memref<640xf32, #tpu.memory_space<vmem_shared>>
      tpu.wait_dma2 semaphore(%run_scoped3A : memref<!tpu.dma_semaphore, #tpu.memory_space<semaphore_mem>>) src(%dma_wait3A_279 : memref<640xf32, #tpu.memory_space<vmem_shared>>) dst(%arg22 : memref<640xf32, #tpu.memory_space<vmem>>)
      tpu.yield
    }) : () -> ()
    %mul3A_273 = arith.constant 10000 : i32
    %mul3A_274 = arith.muli %arg0, %mul3A_273 : i32
    %add3A_275 = arith.addi %mul3A_274, %mul3A_100 : i32
    "tpu.region"() ({
      %run_scoped3A = tpu.sem_alloc : memref<!tpu.dma_semaphore, #tpu.memory_space<semaphore_mem>>
      %dma_start3A_276 = tpu.memref_slice %arg5[%add3A_275] : memref<20000xf32, #tpu.memory_space<hbm>> -> memref<640xf32, #tpu.memory_space<hbm>>
      %dma_start3A_277 = tpu.memref_slice %arg5[%add3A_275] : memref<20000xf32, #tpu.memory_space<hbm>> -> memref<640xf32, #tpu.memory_space<hbm>>
      tpu.enqueue_dma source(%arg22 : memref<640xf32, #tpu.memory_space<vmem>>) target(%dma_start3A_277 : memref<640xf32, #tpu.memory_space<hbm>>) target_semaphore(%run_scoped3A : memref<!tpu.dma_semaphore, #tpu.memory_space<semaphore_mem>>)
      %dma_wait3A_278 = tpu.memref_slice %arg5[%add3A_275] : memref<20000xf32, #tpu.memory_space<hbm>> -> memref<640xf32, #tpu.memory_space<hbm>>
      %dma_wait3A_279 = tpu.memref_slice %arg5[%add3A_275] : memref<20000xf32, #tpu.memory_space<hbm>> -> memref<640xf32, #tpu.memory_space<hbm>>
      tpu.wait_dma2 semaphore(%run_scoped3A : memref<!tpu.dma_semaphore, #tpu.memory_space<semaphore_mem>>) src(%arg22 : memref<640xf32, #tpu.memory_space<vmem>>) dst(%dma_wait3A_279 : memref<640xf32, #tpu.memory_space<hbm>>)
      tpu.yield
    }) : () -> ()
    return
  }
}

#map = affine_map<(d0, d1) -> (0, 0)>
#map1 = affine_map<(d0, d1) -> (0, 0, 0)>
module attributes {stable_mosaic.version = 14 : i64} {
  func.func @body(%arg0: i32, %arg1: i32, %arg2: memref<10000x128xf32, #tpu.memory_space<hbm>>, %arg3: memref<2x320000xi32, #tpu.memory_space<hbm>>, %arg4: memref<2x10000x128xf32, #tpu.memory_space<hbm>>, %arg5: memref<2x128xi32, #tpu.memory_space<vmem>>, %arg6: memref<2x128xi32, #tpu.memory_space<vmem>>, %arg7: memref<128xi32, #tpu.memory_space<vmem>>, %arg8: memref<128xi32, #tpu.memory_space<vmem>>, %arg9: memref<128x128xf32, #tpu.memory_space<vmem>>, %arg10: memref<128x128xf32, #tpu.memory_space<vmem>>, %arg11: memref<16x128xf32, #tpu.memory_space<vmem>>, %arg12: memref<10000x128xf32, #tpu.memory_space<vmem_shared>>, %arg13: memref<!tpu.dma_semaphore, #tpu.memory_space<semaphore_mem>>, %arg14: memref<!tpu.dma_semaphore, #tpu.memory_space<semaphore_mem>>, %arg15: memref<!tpu.dma_semaphore, #tpu.memory_space<semaphore_mem>>, %arg16: memref<!tpu.dma_semaphore, #tpu.memory_space<semaphore_mem>>, %arg17: memref<!tpu.dma_semaphore, #tpu.memory_space<semaphore_mem>>, %arg18: memref<!tpu.dma_semaphore, #tpu.memory_space<semaphore_mem>>, %arg19: memref<!tpu.dma_semaphore, #tpu.memory_space<semaphore_mem>>) attributes {dimension_semantics = [#tpu.dimension_semantics<core_parallel>, #tpu.dimension_semantics<subcore_parallel>], iteration_bounds = array<i64: 2, 16>, scalar_prefetch = 0 : i64, scratch_operands = 15 : i64, tpu.core_type = #tpu.core_type<sc_vector_subcore>, window_params = [{transform_indices = #map}, {transform_indices = #map}, {transform_indices = #map1}]} {
    %mul3A = arith.constant 16 : i32
    %mul3A_0 = arith.muli %arg0, %mul3A : i32
    %add3A = arith.addi %mul3A_0, %arg1 : i32
    %lt3A = arith.constant 4 : i32
    %lt3A_1 = arith.cmpi slt, %add3A, %lt3A : i32
    %jit3A = arith.constant 1 : i32
    %jit3A_2 = arith.constant 0 : i32
    %select_n3A = arith.select %lt3A_1, %jit3A, %jit3A_2 : i32
    %add3A_3 = arith.constant 78 : i32
    %add3A_4 = arith.addi %add3A_3, %select_n3A : i32
    %mul3A_5 = arith.constant 78 : i32
    %mul3A_6 = arith.muli %add3A, %mul3A_5 : i32
    %min3A = arith.constant 4 : i32
    %min3A_7 = arith.minsi %add3A, %min3A : i32
    %add3A_8 = arith.addi %mul3A_6, %min3A_7 : i32
    %mul3A_9 = arith.constant 128 : i32
    %mul3A_10 = arith.muli %add3A_8, %mul3A_9 : i32
    "tpu.region"() ({
      %run_scoped3A = tpu.sem_alloc : memref<!tpu.dma_semaphore, #tpu.memory_space<semaphore_mem>>
      %dma_start3A_261 = arith.constant 0 : i32
      %dma_start3A_262 = tpu.memref_slice %arg3[%dma_start3A_261, %mul3A_10] : memref<2x320000xi32, #tpu.memory_space<hbm>> -> memref<2x128xi32, #tpu.memory_space<hbm>>
      %dma_start3A_263 = arith.constant 0 : i32
      %dma_start3A_264 = tpu.memref_slice %arg3[%dma_start3A_263, %mul3A_10] : memref<2x320000xi32, #tpu.memory_space<hbm>> -> memref<2x128xi32, #tpu.memory_space<hbm>>
      tpu.enqueue_dma source(%dma_start3A_264 : memref<2x128xi32, #tpu.memory_space<hbm>>) target(%arg5 : memref<2x128xi32, #tpu.memory_space<vmem>>) target_semaphore(%run_scoped3A : memref<!tpu.dma_semaphore, #tpu.memory_space<semaphore_mem>>)
      %dma_wait3A_265 = arith.constant 0 : i32
      %dma_wait3A_266 = tpu.memref_slice %arg3[%dma_wait3A_265, %mul3A_10] : memref<2x320000xi32, #tpu.memory_space<hbm>> -> memref<2x128xi32, #tpu.memory_space<hbm>>
      %dma_wait3A_267 = arith.constant 0 : i32
      %dma_wait3A_268 = tpu.memref_slice %arg3[%dma_wait3A_267, %mul3A_10] : memref<2x320000xi32, #tpu.memory_space<hbm>> -> memref<2x128xi32, #tpu.memory_space<hbm>>
      tpu.wait_dma2 semaphore(%run_scoped3A : memref<!tpu.dma_semaphore, #tpu.memory_space<semaphore_mem>>) src(%dma_wait3A_268 : memref<2x128xi32, #tpu.memory_space<hbm>>) dst(%arg5 : memref<2x128xi32, #tpu.memory_space<vmem>>)
      tpu.yield
    }) : () -> ()
    %get3A = arith.constant 1 : i32
    %get3A_11 = arith.index_cast %get3A : i32 to index
    %get3A_12 = arith.constant 0 : index
    %get3A_13 = tpu.vector_load %arg5[%get3A_11, %get3A_12] {strides = array<i32>} : memref<2x128xi32, #tpu.memory_space<vmem>>, vector<1x16xi32>,
    %get3A_14 = vector.shape_cast %get3A_13 : vector<1x16xi32> to vector<16xi32>
    %swap3A = arith.constant 0 : index
    %swap3A_15 = tpu.vector_load %arg7[%swap3A] {strides = array<i32>} : memref<128xi32, #tpu.memory_space<vmem>>, vector<16xi32>,
    %swap3A_16 = vector.shape_cast %swap3A_15 : vector<16xi32> to vector<16xi32>
    %swap3A_17 = vector.shape_cast %get3A_14 : vector<16xi32> to vector<16xi32>
    tpu.vector_store %arg7[%swap3A], %swap3A_17 {strides = array<i32>} : memref<128xi32, #tpu.memory_space<vmem>>, vector<16xi32>,
    %get3A_18 = arith.constant 1 : i32
    %get3A_19 = arith.index_cast %get3A_18 : i32 to index
    %get3A_20 = arith.constant 16 : index
    %get3A_21 = tpu.vector_load %arg5[%get3A_19, %get3A_20] {strides = array<i32>} : memref<2x128xi32, #tpu.memory_space<vmem>>, vector<1x16xi32>,
    %get3A_22 = vector.shape_cast %get3A_21 : vector<1x16xi32> to vector<16xi32>
    %swap3A_23 = arith.constant 16 : index
    %swap3A_24 = tpu.vector_load %arg7[%swap3A_23] {strides = array<i32>} : memref<128xi32, #tpu.memory_space<vmem>>, vector<16xi32>,
    %swap3A_25 = vector.shape_cast %swap3A_24 : vector<16xi32> to vector<16xi32>
    %swap3A_26 = vector.shape_cast %get3A_22 : vector<16xi32> to vector<16xi32>
    tpu.vector_store %arg7[%swap3A_23], %swap3A_26 {strides = array<i32>} : memref<128xi32, #tpu.memory_space<vmem>>, vector<16xi32>,
    %get3A_27 = arith.constant 1 : i32
    %get3A_28 = arith.index_cast %get3A_27 : i32 to index
    %get3A_29 = arith.constant 32 : index
    %get3A_30 = tpu.vector_load %arg5[%get3A_28, %get3A_29] {strides = array<i32>} : memref<2x128xi32, #tpu.memory_space<vmem>>, vector<1x16xi32>,
    %get3A_31 = vector.shape_cast %get3A_30 : vector<1x16xi32> to vector<16xi32>
    %swap3A_32 = arith.constant 32 : index
    %swap3A_33 = tpu.vector_load %arg7[%swap3A_32] {strides = array<i32>} : memref<128xi32, #tpu.memory_space<vmem>>, vector<16xi32>,
    %swap3A_34 = vector.shape_cast %swap3A_33 : vector<16xi32> to vector<16xi32>
    %swap3A_35 = vector.shape_cast %get3A_31 : vector<16xi32> to vector<16xi32>
    tpu.vector_store %arg7[%swap3A_32], %swap3A_35 {strides = array<i32>} : memref<128xi32, #tpu.memory_space<vmem>>, vector<16xi32>,
    %get3A_36 = arith.constant 1 : i32
    %get3A_37 = arith.index_cast %get3A_36 : i32 to index
    %get3A_38 = arith.constant 48 : index
    %get3A_39 = tpu.vector_load %arg5[%get3A_37, %get3A_38] {strides = array<i32>} : memref<2x128xi32, #tpu.memory_space<vmem>>, vector<1x16xi32>,
    %get3A_40 = vector.shape_cast %get3A_39 : vector<1x16xi32> to vector<16xi32>
    %swap3A_41 = arith.constant 48 : index
    %swap3A_42 = tpu.vector_load %arg7[%swap3A_41] {strides = array<i32>} : memref<128xi32, #tpu.memory_space<vmem>>, vector<16xi32>,
    %swap3A_43 = vector.shape_cast %swap3A_42 : vector<16xi32> to vector<16xi32>
    %swap3A_44 = vector.shape_cast %get3A_40 : vector<16xi32> to vector<16xi32>
    tpu.vector_store %arg7[%swap3A_41], %swap3A_44 {strides = array<i32>} : memref<128xi32, #tpu.memory_space<vmem>>, vector<16xi32>,
    %get3A_45 = arith.constant 1 : i32
    %get3A_46 = arith.index_cast %get3A_45 : i32 to index
    %get3A_47 = arith.constant 64 : index
    %get3A_48 = tpu.vector_load %arg5[%get3A_46, %get3A_47] {strides = array<i32>} : memref<2x128xi32, #tpu.memory_space<vmem>>, vector<1x16xi32>,
    %get3A_49 = vector.shape_cast %get3A_48 : vector<1x16xi32> to vector<16xi32>
    %swap3A_50 = arith.constant 64 : index
    %swap3A_51 = tpu.vector_load %arg7[%swap3A_50] {strides = array<i32>} : memref<128xi32, #tpu.memory_space<vmem>>, vector<16xi32>,
    %swap3A_52 = vector.shape_cast %swap3A_51 : vector<16xi32> to vector<16xi32>
    %swap3A_53 = vector.shape_cast %get3A_49 : vector<16xi32> to vector<16xi32>
    tpu.vector_store %arg7[%swap3A_50], %swap3A_53 {strides = array<i32>} : memref<128xi32, #tpu.memory_space<vmem>>, vector<16xi32>,
    %get3A_54 = arith.constant 1 : i32
    %get3A_55 = arith.index_cast %get3A_54 : i32 to index
    %get3A_56 = arith.constant 80 : index
    %get3A_57 = tpu.vector_load %arg5[%get3A_55, %get3A_56] {strides = array<i32>} : memref<2x128xi32, #tpu.memory_space<vmem>>, vector<1x16xi32>,
    %get3A_58 = vector.shape_cast %get3A_57 : vector<1x16xi32> to vector<16xi32>
    %swap3A_59 = arith.constant 80 : index
    %swap3A_60 = tpu.vector_load %arg7[%swap3A_59] {strides = array<i32>} : memref<128xi32, #tpu.memory_space<vmem>>, vector<16xi32>,
    %swap3A_61 = vector.shape_cast %swap3A_60 : vector<16xi32> to vector<16xi32>
    %swap3A_62 = vector.shape_cast %get3A_58 : vector<16xi32> to vector<16xi32>
    tpu.vector_store %arg7[%swap3A_59], %swap3A_62 {strides = array<i32>} : memref<128xi32, #tpu.memory_space<vmem>>, vector<16xi32>,
    %get3A_63 = arith.constant 1 : i32
    %get3A_64 = arith.index_cast %get3A_63 : i32 to index
    %get3A_65 = arith.constant 96 : index
    %get3A_66 = tpu.vector_load %arg5[%get3A_64, %get3A_65] {strides = array<i32>} : memref<2x128xi32, #tpu.memory_space<vmem>>, vector<1x16xi32>,
    %get3A_67 = vector.shape_cast %get3A_66 : vector<1x16xi32> to vector<16xi32>
    %swap3A_68 = arith.constant 96 : index
    %swap3A_69 = tpu.vector_load %arg7[%swap3A_68] {strides = array<i32>} : memref<128xi32, #tpu.memory_space<vmem>>, vector<16xi32>,
    %swap3A_70 = vector.shape_cast %swap3A_69 : vector<16xi32> to vector<16xi32>
    %swap3A_71 = vector.shape_cast %get3A_67 : vector<16xi32> to vector<16xi32>
    tpu.vector_store %arg7[%swap3A_68], %swap3A_71 {strides = array<i32>} : memref<128xi32, #tpu.memory_space<vmem>>, vector<16xi32>,
    %get3A_72 = arith.constant 1 : i32
    %get3A_73 = arith.index_cast %get3A_72 : i32 to index
    %get3A_74 = arith.constant 112 : index
    %get3A_75 = tpu.vector_load %arg5[%get3A_73, %get3A_74] {strides = array<i32>} : memref<2x128xi32, #tpu.memory_space<vmem>>, vector<1x16xi32>,
    %get3A_76 = vector.shape_cast %get3A_75 : vector<1x16xi32> to vector<16xi32>
    %swap3A_77 = arith.constant 112 : index
    %swap3A_78 = tpu.vector_load %arg7[%swap3A_77] {strides = array<i32>} : memref<128xi32, #tpu.memory_space<vmem>>, vector<16xi32>,
    %swap3A_79 = vector.shape_cast %swap3A_78 : vector<16xi32> to vector<16xi32>
    %swap3A_80 = vector.shape_cast %get3A_76 : vector<16xi32> to vector<16xi32>
    tpu.vector_store %arg7[%swap3A_77], %swap3A_80 {strides = array<i32>} : memref<128xi32, #tpu.memory_space<vmem>>, vector<16xi32>,
    %dma_start3A = arith.constant 0 : i32
    %dma_start3A_81 = arith.constant 0 : i32
    %dma_start3A_82 = tpu.memref_slice %arg5[%dma_start3A, %dma_start3A_81] : memref<2x128xi32, #tpu.memory_space<vmem>> -> memref<1x128xi32, #tpu.memory_space<vmem>>
    %dma_start3A_83 = tpu.memref_squeeze %dma_start3A_82 : memref<1x128xi32, #tpu.memory_space<vmem>> -> memref<128xi32, #tpu.memory_space<vmem>>
    %dma_start3A_84 = arith.constant 0 : i32
    %dma_start3A_85 = arith.constant 0 : i32
    %dma_start3A_86 = tpu.memref_slice %arg2[%dma_start3A_84, %dma_start3A_85] : memref<10000x128xf32, #tpu.memory_space<hbm>> -> memref<10000x128xf32, #tpu.memory_space<hbm>>
    tpu.enqueue_indirect_dma source(%dma_start3A_86 : memref<10000x128xf32, #tpu.memory_space<hbm>>) target(%arg9 : memref<128x128xf32, #tpu.memory_space<vmem>>) offsets(%dma_start3A_83 : memref<128xi32, #tpu.memory_space<vmem>>) semaphore(%arg13 : memref<!tpu.dma_semaphore, #tpu.memory_space<semaphore_mem>>)
    %add3A_87 = arith.constant 1 : i32
    %add3A_88 = arith.addi %add3A_8, %add3A_87 : i32
    %mul3A_89 = arith.constant 128 : i32
    %mul3A_90 = arith.muli %add3A_88, %mul3A_89 : i32
    %dma_start3A_91 = arith.constant 0 : i32
    %dma_start3A_92 = tpu.memref_slice %arg3[%dma_start3A_91, %mul3A_90] : memref<2x320000xi32, #tpu.memory_space<hbm>> -> memref<2x128xi32, #tpu.memory_space<hbm>>
    %dma_start3A_93 = arith.constant 0 : i32
    %dma_start3A_94 = tpu.memref_slice %arg3[%dma_start3A_93, %mul3A_90] : memref<2x320000xi32, #tpu.memory_space<hbm>> -> memref<2x128xi32, #tpu.memory_space<hbm>>
    tpu.enqueue_dma source(%dma_start3A_94 : memref<2x128xi32, #tpu.memory_space<hbm>>) target(%arg6 : memref<2x128xi32, #tpu.memory_space<vmem>>) target_semaphore(%arg18 : memref<!tpu.dma_semaphore, #tpu.memory_space<semaphore_mem>>)
    %scan3A = arith.constant 0 : i32
    %scan3A_95 = arith.constant 16 : i32
    %scan3A_96 = arith.addi %scan3A, %scan3A_95 : i32
    %scan3A_97 = arith.constant 1 : i32
    scf.for %scan3A_261 = %scan3A to %scan3A_96 step %scan3A_97  : i32 {
      %mul3A_262 = arith.constant 1 : i32
      %mul3A_263 = arith.muli %scan3A_261, %mul3A_262 : i32
      %add3A_264 = arith.constant 0 : i32
      %add3A_265 = arith.addi %add3A_264, %mul3A_263 : i32
      %broadcast_in_dim3A = arith.constant 0.000000e+00 : f32
      %broadcast_in_dim3A_266 = vector.broadcast %broadcast_in_dim3A : f32 to vector<16xf32>
      %swap3A_267 = arith.index_cast %add3A_265 : i32 to index
      %swap3A_268 = arith.constant 0 : index
      %swap3A_269 = tpu.vector_load %arg11[%swap3A_267, %swap3A_268] {strides = array<i32>} : memref<16x128xf32, #tpu.memory_space<vmem>>, vector<1x16xf32>,
      %swap3A_270 = vector.shape_cast %swap3A_269 : vector<1x16xf32> to vector<16xf32>
      %swap3A_271 = vector.shape_cast %broadcast_in_dim3A_266 : vector<16xf32> to vector<1x16xf32>
      tpu.vector_store %arg11[%swap3A_267, %swap3A_268], %swap3A_271 {strides = array<i32>} : memref<16x128xf32, #tpu.memory_space<vmem>>, vector<1x16xf32>,
      %broadcast_in_dim3A_272 = arith.constant 0.000000e+00 : f32
      %broadcast_in_dim3A_273 = vector.broadcast %broadcast_in_dim3A_272 : f32 to vector<16xf32>
      %swap3A_274 = arith.index_cast %add3A_265 : i32 to index
      %swap3A_275 = arith.constant 16 : index
      %swap3A_276 = tpu.vector_load %arg11[%swap3A_274, %swap3A_275] {strides = array<i32>} : memref<16x128xf32, #tpu.memory_space<vmem>>, vector<1x16xf32>,
      %swap3A_277 = vector.shape_cast %swap3A_276 : vector<1x16xf32> to vector<16xf32>
      %swap3A_278 = vector.shape_cast %broadcast_in_dim3A_273 : vector<16xf32> to vector<1x16xf32>
      tpu.vector_store %arg11[%swap3A_274, %swap3A_275], %swap3A_278 {strides = array<i32>} : memref<16x128xf32, #tpu.memory_space<vmem>>, vector<1x16xf32>,
      %broadcast_in_dim3A_279 = arith.constant 0.000000e+00 : f32
      %broadcast_in_dim3A_280 = vector.broadcast %broadcast_in_dim3A_279 : f32 to vector<16xf32>
      %swap3A_281 = arith.index_cast %add3A_265 : i32 to index
      %swap3A_282 = arith.constant 32 : index
      %swap3A_283 = tpu.vector_load %arg11[%swap3A_281, %swap3A_282] {strides = array<i32>} : memref<16x128xf32, #tpu.memory_space<vmem>>, vector<1x16xf32>,
      %swap3A_284 = vector.shape_cast %swap3A_283 : vector<1x16xf32> to vector<16xf32>
      %swap3A_285 = vector.shape_cast %broadcast_in_dim3A_280 : vector<16xf32> to vector<1x16xf32>
      tpu.vector_store %arg11[%swap3A_281, %swap3A_282], %swap3A_285 {strides = array<i32>} : memref<16x128xf32, #tpu.memory_space<vmem>>, vector<1x16xf32>,
      %broadcast_in_dim3A_286 = arith.constant 0.000000e+00 : f32
      %broadcast_in_dim3A_287 = vector.broadcast %broadcast_in_dim3A_286 : f32 to vector<16xf32>
      %swap3A_288 = arith.index_cast %add3A_265 : i32 to index
      %swap3A_289 = arith.constant 48 : index
      %swap3A_290 = tpu.vector_load %arg11[%swap3A_288, %swap3A_289] {strides = array<i32>} : memref<16x128xf32, #tpu.memory_space<vmem>>, vector<1x16xf32>,
      %swap3A_291 = vector.shape_cast %swap3A_290 : vector<1x16xf32> to vector<16xf32>
      %swap3A_292 = vector.shape_cast %broadcast_in_dim3A_287 : vector<16xf32> to vector<1x16xf32>
      tpu.vector_store %arg11[%swap3A_288, %swap3A_289], %swap3A_292 {strides = array<i32>} : memref<16x128xf32, #tpu.memory_space<vmem>>, vector<1x16xf32>,
      %broadcast_in_dim3A_293 = arith.constant 0.000000e+00 : f32
      %broadcast_in_dim3A_294 = vector.broadcast %broadcast_in_dim3A_293 : f32 to vector<16xf32>
      %swap3A_295 = arith.index_cast %add3A_265 : i32 to index
      %swap3A_296 = arith.constant 64 : index
      %swap3A_297 = tpu.vector_load %arg11[%swap3A_295, %swap3A_296] {strides = array<i32>} : memref<16x128xf32, #tpu.memory_space<vmem>>, vector<1x16xf32>,
      %swap3A_298 = vector.shape_cast %swap3A_297 : vector<1x16xf32> to vector<16xf32>
      %swap3A_299 = vector.shape_cast %broadcast_in_dim3A_294 : vector<16xf32> to vector<1x16xf32>
      tpu.vector_store %arg11[%swap3A_295, %swap3A_296], %swap3A_299 {strides = array<i32>} : memref<16x128xf32, #tpu.memory_space<vmem>>, vector<1x16xf32>,
      %broadcast_in_dim3A_300 = arith.constant 0.000000e+00 : f32
      %broadcast_in_dim3A_301 = vector.broadcast %broadcast_in_dim3A_300 : f32 to vector<16xf32>
      %swap3A_302 = arith.index_cast %add3A_265 : i32 to index
      %swap3A_303 = arith.constant 80 : index
      %swap3A_304 = tpu.vector_load %arg11[%swap3A_302, %swap3A_303] {strides = array<i32>} : memref<16x128xf32, #tpu.memory_space<vmem>>, vector<1x16xf32>,
      %swap3A_305 = vector.shape_cast %swap3A_304 : vector<1x16xf32> to vector<16xf32>
      %swap3A_306 = vector.shape_cast %broadcast_in_dim3A_301 : vector<16xf32> to vector<1x16xf32>
      tpu.vector_store %arg11[%swap3A_302, %swap3A_303], %swap3A_306 {strides = array<i32>} : memref<16x128xf32, #tpu.memory_space<vmem>>, vector<1x16xf32>,
      %broadcast_in_dim3A_307 = arith.constant 0.000000e+00 : f32
      %broadcast_in_dim3A_308 = vector.broadcast %broadcast_in_dim3A_307 : f32 to vector<16xf32>
      %swap3A_309 = arith.index_cast %add3A_265 : i32 to index
      %swap3A_310 = arith.constant 96 : index
      %swap3A_311 = tpu.vector_load %arg11[%swap3A_309, %swap3A_310] {strides = array<i32>} : memref<16x128xf32, #tpu.memory_space<vmem>>, vector<1x16xf32>,
      %swap3A_312 = vector.shape_cast %swap3A_311 : vector<1x16xf32> to vector<16xf32>
      %swap3A_313 = vector.shape_cast %broadcast_in_dim3A_308 : vector<16xf32> to vector<1x16xf32>
      tpu.vector_store %arg11[%swap3A_309, %swap3A_310], %swap3A_313 {strides = array<i32>} : memref<16x128xf32, #tpu.memory_space<vmem>>, vector<1x16xf32>,
      %broadcast_in_dim3A_314 = arith.constant 0.000000e+00 : f32
      %broadcast_in_dim3A_315 = vector.broadcast %broadcast_in_dim3A_314 : f32 to vector<16xf32>
      %swap3A_316 = arith.index_cast %add3A_265 : i32 to index
      %swap3A_317 = arith.constant 112 : index
      %swap3A_318 = tpu.vector_load %arg11[%swap3A_316, %swap3A_317] {strides = array<i32>} : memref<16x128xf32, #tpu.memory_space<vmem>>, vector<1x16xf32>,
      %swap3A_319 = vector.shape_cast %swap3A_318 : vector<1x16xf32> to vector<16xf32>
      %swap3A_320 = vector.shape_cast %broadcast_in_dim3A_315 : vector<16xf32> to vector<1x16xf32>
      tpu.vector_store %arg11[%swap3A_316, %swap3A_317], %swap3A_320 {strides = array<i32>} : memref<16x128xf32, #tpu.memory_space<vmem>>, vector<1x16xf32>,
    }
    %scan3A_98 = arith.constant 16 : i32
    %mul3A_99 = arith.constant 624 : i32
    %mul3A_100 = arith.muli %arg1, %mul3A_99 : i32
    %scan3A_101 = arith.constant 0 : i32
    %scan3A_102 = arith.constant 40 : i32
    %scan3A_103 = arith.addi %scan3A_101, %scan3A_102 : i32
    %scan3A_104 = arith.constant 1 : i32
    scf.for %scan3A_261 = %scan3A_101 to %scan3A_103 step %scan3A_104  : i32 {
      %mul3A_262 = arith.constant 1 : i32
      %mul3A_263 = arith.muli %scan3A_261, %mul3A_262 : i32
      %add3A_264 = arith.constant 0 : i32
      %add3A_265 = arith.addi %add3A_264, %mul3A_263 : i32
      %mul3A_266 = arith.constant 16 : i32
      %mul3A_267 = arith.muli %add3A_265, %mul3A_266 : i32
      %add3A_268 = arith.addi %mul3A_100, %mul3A_267 : i32
      %dma_start3A_269 = arith.constant 0 : i32
      %dma_start3A_270 = tpu.memref_slice %arg12[%add3A_268, %dma_start3A_269] : memref<10000x128xf32, #tpu.memory_space<vmem_shared>> -> memref<16x128xf32, #tpu.memory_space<vmem_shared>>
      %dma_start3A_271 = arith.constant 0 : i32
      %dma_start3A_272 = tpu.memref_slice %arg12[%add3A_268, %dma_start3A_271] : memref<10000x128xf32, #tpu.memory_space<vmem_shared>> -> memref<16x128xf32, #tpu.memory_space<vmem_shared>>
      tpu.enqueue_dma source(%arg11 : memref<16x128xf32, #tpu.memory_space<vmem>>) target(%dma_start3A_272 : memref<16x128xf32, #tpu.memory_space<vmem_shared>>) target_semaphore(%arg19 : memref<!tpu.dma_semaphore, #tpu.memory_space<semaphore_mem>>)
    }
    %scan3A_105 = arith.constant 40 : i32
    %scan3A_106 = arith.constant 0 : i32
    %scan3A_107 = arith.constant 40 : i32
    %scan3A_108 = arith.addi %scan3A_106, %scan3A_107 : i32
    %scan3A_109 = arith.constant 1 : i32
    scf.for %scan3A_261 = %scan3A_106 to %scan3A_108 step %scan3A_109  : i32 {
      %mul3A_262 = arith.constant 1 : i32
      %mul3A_263 = arith.muli %scan3A_261, %mul3A_262 : i32
      %add3A_264 = arith.constant 0 : i32
      %add3A_265 = arith.addi %add3A_264, %mul3A_263 : i32
      %mul3A_266 = arith.constant 16 : i32
      %mul3A_267 = arith.muli %add3A_265, %mul3A_266 : i32
      %add3A_268 = arith.addi %mul3A_100, %mul3A_267 : i32
      %dma_wait3A_269 = arith.constant 0 : i32
      %dma_wait3A_270 = tpu.memref_slice %arg12[%add3A_268, %dma_wait3A_269] : memref<10000x128xf32, #tpu.memory_space<vmem_shared>> -> memref<16x128xf32, #tpu.memory_space<vmem_shared>>
      %dma_wait3A_271 = arith.constant 0 : i32
      %dma_wait3A_272 = tpu.memref_slice %arg12[%add3A_268, %dma_wait3A_271] : memref<10000x128xf32, #tpu.memory_space<vmem_shared>> -> memref<16x128xf32, #tpu.memory_space<vmem_shared>>
      tpu.wait_dma2 semaphore(%arg19 : memref<!tpu.dma_semaphore, #tpu.memory_space<semaphore_mem>>) src(%arg11 : memref<16x128xf32, #tpu.memory_space<vmem>>) dst(%dma_wait3A_272 : memref<16x128xf32, #tpu.memory_space<vmem_shared>>)
    }
    %scan3A_110 = arith.constant 40 : i32
    %barrier3A = arith.constant 0 : index
    tpu.barrier barrier_id(%barrier3A)
    %scan3A_111 = arith.constant 0 : i32
    %scan3A_112 = arith.constant 39 : i32
    %scan3A_113 = arith.addi %scan3A_111, %scan3A_112 : i32
    %scan3A_114 = arith.constant 1 : i32
    scf.for %scan3A_261 = %scan3A_111 to %scan3A_113 step %scan3A_114  : i32 {
      %mul3A_262 = arith.constant 1 : i32
      %mul3A_263 = arith.muli %scan3A_261, %mul3A_262 : i32
      %add3A_264 = arith.constant 0 : i32
      %add3A_265 = arith.addi %add3A_264, %mul3A_263 : i32
      %mul3A_266 = arith.constant 2 : i32
      %mul3A_267 = arith.muli %add3A_265, %mul3A_266 : i32
      %dma_wait3A_268 = arith.constant 0 : i32
      %dma_wait3A_269 = arith.constant 0 : i32
      %dma_wait3A_270 = tpu.memref_slice %arg2[%dma_wait3A_268, %dma_wait3A_269] : memref<10000x128xf32, #tpu.memory_space<hbm>> -> memref<128x128xf32, #tpu.memory_space<hbm>>
      %dma_wait3A_271 = arith.constant 0 : i32
      %dma_wait3A_272 = arith.constant 0 : i32
      %dma_wait3A_273 = tpu.memref_slice %arg2[%dma_wait3A_271, %dma_wait3A_272] : memref<10000x128xf32, #tpu.memory_space<hbm>> -> memref<128x128xf32, #tpu.memory_space<hbm>>
      tpu.wait_dma2 semaphore(%arg13 : memref<!tpu.dma_semaphore, #tpu.memory_space<semaphore_mem>>) src(%dma_wait3A_273 : memref<128x128xf32, #tpu.memory_space<hbm>>) dst(%arg9 : memref<128x128xf32, #tpu.memory_space<vmem>>)
      %gt3A_274 = arith.constant 0 : i32
      %gt3A_275 = arith.cmpi sgt, %add3A_265, %gt3A_274 : i32
      %convert_element_type3A_276 = arith.extui %gt3A_275 : i1 to i32
      %cond3A_277 = arith.constant 0 : i32
      %cond3A_278 = arith.cmpi ne, %convert_element_type3A_276, %cond3A_277 : i32
      scf.if %cond3A_278 {
        %dma_wait3A_400 = arith.constant 0 : i32
        %dma_wait3A_401 = arith.constant 0 : i32
        %dma_wait3A_402 = tpu.memref_slice %arg12[%dma_wait3A_400, %dma_wait3A_401] : memref<10000x128xf32, #tpu.memory_space<vmem_shared>> -> memref<10000x128xf32, #tpu.memory_space<vmem_shared>>
        tpu.wait_indirect_dma semaphore(%arg16 : memref<!tpu.dma_semaphore, #tpu.memory_space<semaphore_mem>>) src(%arg10 : memref<128x128xf32, #tpu.memory_space<vmem>>) dst(%dma_wait3A_402 : memref<10000x128xf32, #tpu.memory_space<vmem_shared>>)
      } else {
      }
      %dma_wait3A_279 = arith.constant 0 : i32
      %dma_wait3A_280 = arith.constant 0 : i32
      %dma_wait3A_281 = tpu.memref_slice %arg3[%dma_wait3A_279, %dma_wait3A_280] : memref<2x320000xi32, #tpu.memory_space<hbm>> -> memref<2x128xi32, #tpu.memory_space<hbm>>
      %dma_wait3A_282 = arith.constant 0 : i32
      %dma_wait3A_283 = arith.constant 0 : i32
      %dma_wait3A_284 = tpu.memref_slice %arg3[%dma_wait3A_282, %dma_wait3A_283] : memref<2x320000xi32, #tpu.memory_space<hbm>> -> memref<2x128xi32, #tpu.memory_space<hbm>>
      tpu.wait_dma2 semaphore(%arg18 : memref<!tpu.dma_semaphore, #tpu.memory_space<semaphore_mem>>) src(%dma_wait3A_284 : memref<2x128xi32, #tpu.memory_space<hbm>>) dst(%arg6 : memref<2x128xi32, #tpu.memory_space<vmem>>)
      %get3A_285 = arith.constant 1 : i32
      %get3A_286 = arith.index_cast %get3A_285 : i32 to index
      %get3A_287 = arith.constant 0 : index
      %get3A_288 = tpu.vector_load %arg6[%get3A_286, %get3A_287] {strides = array<i32>} : memref<2x128xi32, #tpu.memory_space<vmem>>, vector<1x16xi32>,
      %get3A_289 = vector.shape_cast %get3A_288 : vector<1x16xi32> to vector<16xi32>
      %swap3A_290 = arith.constant 0 : index
      %swap3A_291 = tpu.vector_load %arg8[%swap3A_290] {strides = array<i32>} : memref<128xi32, #tpu.memory_space<vmem>>, vector<16xi32>,
      %swap3A_292 = vector.shape_cast %swap3A_291 : vector<16xi32> to vector<16xi32>
      %swap3A_293 = vector.shape_cast %get3A_289 : vector<16xi32> to vector<16xi32>
      tpu.vector_store %arg8[%swap3A_290], %swap3A_293 {strides = array<i32>} : memref<128xi32, #tpu.memory_space<vmem>>, vector<16xi32>,
      %get3A_294 = arith.constant 1 : i32
      %get3A_295 = arith.index_cast %get3A_294 : i32 to index
      %get3A_296 = arith.constant 16 : index
      %get3A_297 = tpu.vector_load %arg6[%get3A_295, %get3A_296] {strides = array<i32>} : memref<2x128xi32, #tpu.memory_space<vmem>>, vector<1x16xi32>,
      %get3A_298 = vector.shape_cast %get3A_297 : vector<1x16xi32> to vector<16xi32>
      %swap3A_299 = arith.constant 16 : index
      %swap3A_300 = tpu.vector_load %arg8[%swap3A_299] {strides = array<i32>} : memref<128xi32, #tpu.memory_space<vmem>>, vector<16xi32>,
      %swap3A_301 = vector.shape_cast %swap3A_300 : vector<16xi32> to vector<16xi32>
      %swap3A_302 = vector.shape_cast %get3A_298 : vector<16xi32> to vector<16xi32>
      tpu.vector_store %arg8[%swap3A_299], %swap3A_302 {strides = array<i32>} : memref<128xi32, #tpu.memory_space<vmem>>, vector<16xi32>,
      %get3A_303 = arith.constant 1 : i32
      %get3A_304 = arith.index_cast %get3A_303 : i32 to index
      %get3A_305 = arith.constant 32 : index
      %get3A_306 = tpu.vector_load %arg6[%get3A_304, %get3A_305] {strides = array<i32>} : memref<2x128xi32, #tpu.memory_space<vmem>>, vector<1x16xi32>,
      %get3A_307 = vector.shape_cast %get3A_306 : vector<1x16xi32> to vector<16xi32>
      %swap3A_308 = arith.constant 32 : index
      %swap3A_309 = tpu.vector_load %arg8[%swap3A_308] {strides = array<i32>} : memref<128xi32, #tpu.memory_space<vmem>>, vector<16xi32>,
      %swap3A_310 = vector.shape_cast %swap3A_309 : vector<16xi32> to vector<16xi32>
      %swap3A_311 = vector.shape_cast %get3A_307 : vector<16xi32> to vector<16xi32>
      tpu.vector_store %arg8[%swap3A_308], %swap3A_311 {strides = array<i32>} : memref<128xi32, #tpu.memory_space<vmem>>, vector<16xi32>,
      %get3A_312 = arith.constant 1 : i32
      %get3A_313 = arith.index_cast %get3A_312 : i32 to index
      %get3A_314 = arith.constant 48 : index
      %get3A_315 = tpu.vector_load %arg6[%get3A_313, %get3A_314] {strides = array<i32>} : memref<2x128xi32, #tpu.memory_space<vmem>>, vector<1x16xi32>,
      %get3A_316 = vector.shape_cast %get3A_315 : vector<1x16xi32> to vector<16xi32>
      %swap3A_317 = arith.constant 48 : index
      %swap3A_318 = tpu.vector_load %arg8[%swap3A_317] {strides = array<i32>} : memref<128xi32, #tpu.memory_space<vmem>>, vector<16xi32>,
      %swap3A_319 = vector.shape_cast %swap3A_318 : vector<16xi32> to vector<16xi32>
      %swap3A_320 = vector.shape_cast %get3A_316 : vector<16xi32> to vector<16xi32>
      tpu.vector_store %arg8[%swap3A_317], %swap3A_320 {strides = array<i32>} : memref<128xi32, #tpu.memory_space<vmem>>, vector<16xi32>,
      %get3A_321 = arith.constant 1 : i32
      %get3A_322 = arith.index_cast %get3A_321 : i32 to index
      %get3A_323 = arith.constant 64 : index
      %get3A_324 = tpu.vector_load %arg6[%get3A_322, %get3A_323] {strides = array<i32>} : memref<2x128xi32, #tpu.memory_space<vmem>>, vector<1x16xi32>,
      %get3A_325 = vector.shape_cast %get3A_324 : vector<1x16xi32> to vector<16xi32>
      %swap3A_326 = arith.constant 64 : index
      %swap3A_327 = tpu.vector_load %arg8[%swap3A_326] {strides = array<i32>} : memref<128xi32, #tpu.memory_space<vmem>>, vector<16xi32>,
      %swap3A_328 = vector.shape_cast %swap3A_327 : vector<16xi32> to vector<16xi32>
      %swap3A_329 = vector.shape_cast %get3A_325 : vector<16xi32> to vector<16xi32>
      tpu.vector_store %arg8[%swap3A_326], %swap3A_329 {strides = array<i32>} : memref<128xi32, #tpu.memory_space<vmem>>, vector<16xi32>,
      %get3A_330 = arith.constant 1 : i32
      %get3A_331 = arith.index_cast %get3A_330 : i32 to index
      %get3A_332 = arith.constant 80 : index
      %get3A_333 = tpu.vector_load %arg6[%get3A_331, %get3A_332] {strides = array<i32>} : memref<2x128xi32, #tpu.memory_space<vmem>>, vector<1x16xi32>,
      %get3A_334 = vector.shape_cast %get3A_333 : vector<1x16xi32> to vector<16xi32>
      %swap3A_335 = arith.constant 80 : index
      %swap3A_336 = tpu.vector_load %arg8[%swap3A_335] {strides = array<i32>} : memref<128xi32, #tpu.memory_space<vmem>>, vector<16xi32>,
      %swap3A_337 = vector.shape_cast %swap3A_336 : vector<16xi32> to vector<16xi32>
      %swap3A_338 = vector.shape_cast %get3A_334 : vector<16xi32> to vector<16xi32>
      tpu.vector_store %arg8[%swap3A_335], %swap3A_338 {strides = array<i32>} : memref<128xi32, #tpu.memory_space<vmem>>, vector<16xi32>,
      %get3A_339 = arith.constant 1 : i32
      %get3A_340 = arith.index_cast %get3A_339 : i32 to index
      %get3A_341 = arith.constant 96 : index
      %get3A_342 = tpu.vector_load %arg6[%get3A_340, %get3A_341] {strides = array<i32>} : memref<2x128xi32, #tpu.memory_space<vmem>>, vector<1x16xi32>,
      %get3A_343 = vector.shape_cast %get3A_342 : vector<1x16xi32> to vector<16xi32>
      %swap3A_344 = arith.constant 96 : index
      %swap3A_345 = tpu.vector_load %arg8[%swap3A_344] {strides = array<i32>} : memref<128xi32, #tpu.memory_space<vmem>>, vector<16xi32>,
      %swap3A_346 = vector.shape_cast %swap3A_345 : vector<16xi32> to vector<16xi32>
      %swap3A_347 = vector.shape_cast %get3A_343 : vector<16xi32> to vector<16xi32>
      tpu.vector_store %arg8[%swap3A_344], %swap3A_347 {strides = array<i32>} : memref<128xi32, #tpu.memory_space<vmem>>, vector<16xi32>,
      %get3A_348 = arith.constant 1 : i32
      %get3A_349 = arith.index_cast %get3A_348 : i32 to index
      %get3A_350 = arith.constant 112 : index
      %get3A_351 = tpu.vector_load %arg6[%get3A_349, %get3A_350] {strides = array<i32>} : memref<2x128xi32, #tpu.memory_space<vmem>>, vector<1x16xi32>,
      %get3A_352 = vector.shape_cast %get3A_351 : vector<1x16xi32> to vector<16xi32>
      %swap3A_353 = arith.constant 112 : index
      %swap3A_354 = tpu.vector_load %arg8[%swap3A_353] {strides = array<i32>} : memref<128xi32, #tpu.memory_space<vmem>>, vector<16xi32>,
      %swap3A_355 = vector.shape_cast %swap3A_354 : vector<16xi32> to vector<16xi32>
      %swap3A_356 = vector.shape_cast %get3A_352 : vector<16xi32> to vector<16xi32>
      tpu.vector_store %arg8[%swap3A_353], %swap3A_356 {strides = array<i32>} : memref<128xi32, #tpu.memory_space<vmem>>, vector<16xi32>,
      %dma_start3A_357 = arith.constant 0 : i32
      %dma_start3A_358 = arith.constant 0 : i32
      %dma_start3A_359 = tpu.memref_slice %arg6[%dma_start3A_357, %dma_start3A_358] : memref<2x128xi32, #tpu.memory_space<vmem>> -> memref<1x128xi32, #tpu.memory_space<vmem>>
      %dma_start3A_360 = tpu.memref_squeeze %dma_start3A_359 : memref<1x128xi32, #tpu.memory_space<vmem>> -> memref<128xi32, #tpu.memory_space<vmem>>
      %dma_start3A_361 = arith.constant 0 : i32
      %dma_start3A_362 = arith.constant 0 : i32
      %dma_start3A_363 = tpu.memref_slice %arg2[%dma_start3A_361, %dma_start3A_362] : memref<10000x128xf32, #tpu.memory_space<hbm>> -> memref<10000x128xf32, #tpu.memory_space<hbm>>
      tpu.enqueue_indirect_dma source(%dma_start3A_363 : memref<10000x128xf32, #tpu.memory_space<hbm>>) target(%arg10 : memref<128x128xf32, #tpu.memory_space<vmem>>) offsets(%dma_start3A_360 : memref<128xi32, #tpu.memory_space<vmem>>) semaphore(%arg14 : memref<!tpu.dma_semaphore, #tpu.memory_space<semaphore_mem>>)
      %add3A_364 = arith.constant 2 : i32
      %add3A_365 = arith.addi %mul3A_267, %add3A_364 : i32
      %lt3A_366 = arith.constant 78 : i32
      %lt3A_367 = arith.cmpi slt, %add3A_365, %lt3A_366 : i32
      %convert_element_type3A_368 = arith.extui %lt3A_367 : i1 to i32
      %cond3A_369 = arith.constant 0 : i32
      %cond3A_370 = arith.cmpi ne, %convert_element_type3A_368, %cond3A_369 : i32
      scf.if %cond3A_370 {
        %add3A_400 = arith.constant 2 : i32
        %add3A_401 = arith.addi %mul3A_267, %add3A_400 : i32
        %add3A_402 = arith.addi %add3A_8, %add3A_401 : i32
        %mul3A_403 = arith.constant 128 : i32
        %mul3A_404 = arith.muli %add3A_402, %mul3A_403 : i32
        %dma_start3A_405 = arith.constant 0 : i32
        %dma_start3A_406 = tpu.memref_slice %arg3[%dma_start3A_405, %mul3A_404] : memref<2x320000xi32, #tpu.memory_space<hbm>> -> memref<2x128xi32, #tpu.memory_space<hbm>>
        %dma_start3A_407 = arith.constant 0 : i32
        %dma_start3A_408 = tpu.memref_slice %arg3[%dma_start3A_407, %mul3A_404] : memref<2x320000xi32, #tpu.memory_space<hbm>> -> memref<2x128xi32, #tpu.memory_space<hbm>>
        tpu.enqueue_dma source(%dma_start3A_408 : memref<2x128xi32, #tpu.memory_space<hbm>>) target(%arg5 : memref<2x128xi32, #tpu.memory_space<vmem>>) target_semaphore(%arg17 : memref<!tpu.dma_semaphore, #tpu.memory_space<semaphore_mem>>)
      } else {
      }
      %dma_start3A_371 = arith.constant 0 : i32
      %dma_start3A_372 = arith.constant 0 : i32
      %dma_start3A_373 = tpu.memref_slice %arg12[%dma_start3A_371, %dma_start3A_372] : memref<10000x128xf32, #tpu.memory_space<vmem_shared>> -> memref<10000x128xf32, #tpu.memory_space<vmem_shared>>
      tpu.enqueue_indirect_dma source(%arg9 : memref<128x128xf32, #tpu.memory_space<vmem>>) target(%dma_start3A_373 : memref<10000x128xf32, #tpu.memory_space<vmem_shared>>) offsets(%arg7 : memref<128xi32, #tpu.memory_space<vmem>>) semaphore(%arg15 : memref<!tpu.dma_semaphore, #tpu.memory_space<semaphore_mem>>) {add = true}
      %dma_wait3A_374 = arith.constant 0 : i32
      %dma_wait3A_375 = arith.constant 0 : i32
      %dma_wait3A_376 = tpu.memref_slice %arg2[%dma_wait3A_374, %dma_wait3A_375] : memref<10000x128xf32, #tpu.memory_space<hbm>> -> memref<128x128xf32, #tpu.memory_space<hbm>>
      %dma_wait3A_377 = arith.constant 0 : i32
      %dma_wait3A_378 = arith.constant 0 : i32
      %dma_wait3A_379 = tpu.memref_slice %arg2[%dma_wait3A_377, %dma_wait3A_378] : memref<10000x128xf32, #tpu.memory_space<hbm>> -> memref<128x128xf32, #tpu.memory_space<hbm>>
      tpu.wait_dma2 semaphore(%arg14 : memref<!tpu.dma_semaphore, #tpu.memory_space<semaphore_mem>>) src(%dma_wait3A_379 : memref<128x128xf32, #tpu.memory_space<hbm>>) dst(%arg10 : memref<128x128xf32, #tpu.memory_space<vmem>>)
      %dma_wait3A_380 = arith.constant 0 : i32
      %dma_wait3A_381 = arith.constant 0 : i32
      %dma_wait3A_382 = tpu.memref_slice %arg12[%dma_wait3A_380, %dma_wait3A_381] : memref<10000x128xf32, #tpu.memory_space<vmem_shared>> -> memref<10000x128xf32, #tpu.memory_space<vmem_shared>>
      tpu.wait_indirect_dma semaphore(%arg15 : memref<!tpu.dma_semaphore, #tpu.memory_space<semaphore_mem>>) src(%arg9 : memref<128x128xf32, #tpu.memory_space<vmem>>) dst(%dma_wait3A_382 : memref<10000x128xf32, #tpu.memory_space<vmem_shared>>)
      %add3A_383 = arith.constant 2 : i32
      %add3A_384 = arith.addi %mul3A_267, %add3A_383 : i32
      %lt3A_385 = arith.constant 78 : i32
      %lt3A_386 = arith.cmpi slt, %add3A_384, %lt3A_385 : i32
      %convert_element_type3A_387 = arith.extui %lt3A_386 : i1 to i32
      %cond3A_388 = arith.constant 0 : i32
      %cond3A_389 = arith.cmpi ne, %convert_element_type3A_387, %cond3A_388 : i32
      scf.if %cond3A_389 {
        %dma_wait3A_400 = arith.constant 0 : i32
        %dma_wait3A_401 = arith.constant 0 : i32
        %dma_wait3A_402 = tpu.memref_slice %arg3[%dma_wait3A_400, %dma_wait3A_401] : memref<2x320000xi32, #tpu.memory_space<hbm>> -> memref<2x128xi32, #tpu.memory_space<hbm>>
        %dma_wait3A_403 = arith.constant 0 : i32
        %dma_wait3A_404 = arith.constant 0 : i32
        %dma_wait3A_405 = tpu.memref_slice %arg3[%dma_wait3A_403, %dma_wait3A_404] : memref<2x320000xi32, #tpu.memory_space<hbm>> -> memref<2x128xi32, #tpu.memory_space<hbm>>
        tpu.wait_dma2 semaphore(%arg17 : memref<!tpu.dma_semaphore, #tpu.memory_space<semaphore_mem>>) src(%dma_wait3A_405 : memref<2x128xi32, #tpu.memory_space<hbm>>) dst(%arg5 : memref<2x128xi32, #tpu.memory_space<vmem>>)
        %get3A_406 = arith.constant 1 : i32
        %get3A_407 = arith.index_cast %get3A_406 : i32 to index
        %get3A_408 = arith.constant 0 : index
        %get3A_409 = tpu.vector_load %arg5[%get3A_407, %get3A_408] {strides = array<i32>} : memref<2x128xi32, #tpu.memory_space<vmem>>, vector<1x16xi32>,
        %get3A_410 = vector.shape_cast %get3A_409 : vector<1x16xi32> to vector<16xi32>
        %swap3A_411 = arith.constant 0 : index
        %swap3A_412 = tpu.vector_load %arg7[%swap3A_411] {strides = array<i32>} : memref<128xi32, #tpu.memory_space<vmem>>, vector<16xi32>,
        %swap3A_413 = vector.shape_cast %swap3A_412 : vector<16xi32> to vector<16xi32>
        %swap3A_414 = vector.shape_cast %get3A_410 : vector<16xi32> to vector<16xi32>
        tpu.vector_store %arg7[%swap3A_411], %swap3A_414 {strides = array<i32>} : memref<128xi32, #tpu.memory_space<vmem>>, vector<16xi32>,
        %get3A_415 = arith.constant 1 : i32
        %get3A_416 = arith.index_cast %get3A_415 : i32 to index
        %get3A_417 = arith.constant 16 : index
        %get3A_418 = tpu.vector_load %arg5[%get3A_416, %get3A_417] {strides = array<i32>} : memref<2x128xi32, #tpu.memory_space<vmem>>, vector<1x16xi32>,
        %get3A_419 = vector.shape_cast %get3A_418 : vector<1x16xi32> to vector<16xi32>
        %swap3A_420 = arith.constant 16 : index
        %swap3A_421 = tpu.vector_load %arg7[%swap3A_420] {strides = array<i32>} : memref<128xi32, #tpu.memory_space<vmem>>, vector<16xi32>,
        %swap3A_422 = vector.shape_cast %swap3A_421 : vector<16xi32> to vector<16xi32>
        %swap3A_423 = vector.shape_cast %get3A_419 : vector<16xi32> to vector<16xi32>
        tpu.vector_store %arg7[%swap3A_420], %swap3A_423 {strides = array<i32>} : memref<128xi32, #tpu.memory_space<vmem>>, vector<16xi32>,
        %get3A_424 = arith.constant 1 : i32
        %get3A_425 = arith.index_cast %get3A_424 : i32 to index
        %get3A_426 = arith.constant 32 : index
        %get3A_427 = tpu.vector_load %arg5[%get3A_425, %get3A_426] {strides = array<i32>} : memref<2x128xi32, #tpu.memory_space<vmem>>, vector<1x16xi32>,
        %get3A_428 = vector.shape_cast %get3A_427 : vector<1x16xi32> to vector<16xi32>
        %swap3A_429 = arith.constant 32 : index
        %swap3A_430 = tpu.vector_load %arg7[%swap3A_429] {strides = array<i32>} : memref<128xi32, #tpu.memory_space<vmem>>, vector<16xi32>,
        %swap3A_431 = vector.shape_cast %swap3A_430 : vector<16xi32> to vector<16xi32>
        %swap3A_432 = vector.shape_cast %get3A_428 : vector<16xi32> to vector<16xi32>
        tpu.vector_store %arg7[%swap3A_429], %swap3A_432 {strides = array<i32>} : memref<128xi32, #tpu.memory_space<vmem>>, vector<16xi32>,
        %get3A_433 = arith.constant 1 : i32
        %get3A_434 = arith.index_cast %get3A_433 : i32 to index
        %get3A_435 = arith.constant 48 : index
        %get3A_436 = tpu.vector_load %arg5[%get3A_434, %get3A_435] {strides = array<i32>} : memref<2x128xi32, #tpu.memory_space<vmem>>, vector<1x16xi32>,
        %get3A_437 = vector.shape_cast %get3A_436 : vector<1x16xi32> to vector<16xi32>
        %swap3A_438 = arith.constant 48 : index
        %swap3A_439 = tpu.vector_load %arg7[%swap3A_438] {strides = array<i32>} : memref<128xi32, #tpu.memory_space<vmem>>, vector<16xi32>,
        %swap3A_440 = vector.shape_cast %swap3A_439 : vector<16xi32> to vector<16xi32>
        %swap3A_441 = vector.shape_cast %get3A_437 : vector<16xi32> to vector<16xi32>
        tpu.vector_store %arg7[%swap3A_438], %swap3A_441 {strides = array<i32>} : memref<128xi32, #tpu.memory_space<vmem>>, vector<16xi32>,
        %get3A_442 = arith.constant 1 : i32
        %get3A_443 = arith.index_cast %get3A_442 : i32 to index
        %get3A_444 = arith.constant 64 : index
        %get3A_445 = tpu.vector_load %arg5[%get3A_443, %get3A_444] {strides = array<i32>} : memref<2x128xi32, #tpu.memory_space<vmem>>, vector<1x16xi32>,
        %get3A_446 = vector.shape_cast %get3A_445 : vector<1x16xi32> to vector<16xi32>
        %swap3A_447 = arith.constant 64 : index
        %swap3A_448 = tpu.vector_load %arg7[%swap3A_447] {strides = array<i32>} : memref<128xi32, #tpu.memory_space<vmem>>, vector<16xi32>,
        %swap3A_449 = vector.shape_cast %swap3A_448 : vector<16xi32> to vector<16xi32>
        %swap3A_450 = vector.shape_cast %get3A_446 : vector<16xi32> to vector<16xi32>
        tpu.vector_store %arg7[%swap3A_447], %swap3A_450 {strides = array<i32>} : memref<128xi32, #tpu.memory_space<vmem>>, vector<16xi32>,
        %get3A_451 = arith.constant 1 : i32
        %get3A_452 = arith.index_cast %get3A_451 : i32 to index
        %get3A_453 = arith.constant 80 : index
        %get3A_454 = tpu.vector_load %arg5[%get3A_452, %get3A_453] {strides = array<i32>} : memref<2x128xi32, #tpu.memory_space<vmem>>, vector<1x16xi32>,
        %get3A_455 = vector.shape_cast %get3A_454 : vector<1x16xi32> to vector<16xi32>
        %swap3A_456 = arith.constant 80 : index
        %swap3A_457 = tpu.vector_load %arg7[%swap3A_456] {strides = array<i32>} : memref<128xi32, #tpu.memory_space<vmem>>, vector<16xi32>,
        %swap3A_458 = vector.shape_cast %swap3A_457 : vector<16xi32> to vector<16xi32>
        %swap3A_459 = vector.shape_cast %get3A_455 : vector<16xi32> to vector<16xi32>
        tpu.vector_store %arg7[%swap3A_456], %swap3A_459 {strides = array<i32>} : memref<128xi32, #tpu.memory_space<vmem>>, vector<16xi32>,
        %get3A_460 = arith.constant 1 : i32
        %get3A_461 = arith.index_cast %get3A_460 : i32 to index
        %get3A_462 = arith.constant 96 : index
        %get3A_463 = tpu.vector_load %arg5[%get3A_461, %get3A_462] {strides = array<i32>} : memref<2x128xi32, #tpu.memory_space<vmem>>, vector<1x16xi32>,
        %get3A_464 = vector.shape_cast %get3A_463 : vector<1x16xi32> to vector<16xi32>
        %swap3A_465 = arith.constant 96 : index
        %swap3A_466 = tpu.vector_load %arg7[%swap3A_465] {strides = array<i32>} : memref<128xi32, #tpu.memory_space<vmem>>, vector<16xi32>,
        %swap3A_467 = vector.shape_cast %swap3A_466 : vector<16xi32> to vector<16xi32>
        %swap3A_468 = vector.shape_cast %get3A_464 : vector<16xi32> to vector<16xi32>
        tpu.vector_store %arg7[%swap3A_465], %swap3A_468 {strides = array<i32>} : memref<128xi32, #tpu.memory_space<vmem>>, vector<16xi32>,
        %get3A_469 = arith.constant 1 : i32
        %get3A_470 = arith.index_cast %get3A_469 : i32 to index
        %get3A_471 = arith.constant 112 : index
        %get3A_472 = tpu.vector_load %arg5[%get3A_470, %get3A_471] {strides = array<i32>} : memref<2x128xi32, #tpu.memory_space<vmem>>, vector<1x16xi32>,
        %get3A_473 = vector.shape_cast %get3A_472 : vector<1x16xi32> to vector<16xi32>
        %swap3A_474 = arith.constant 112 : index
        %swap3A_475 = tpu.vector_load %arg7[%swap3A_474] {strides = array<i32>} : memref<128xi32, #tpu.memory_space<vmem>>, vector<16xi32>,
        %swap3A_476 = vector.shape_cast %swap3A_475 : vector<16xi32> to vector<16xi32>
        %swap3A_477 = vector.shape_cast %get3A_473 : vector<16xi32> to vector<16xi32>
        tpu.vector_store %arg7[%swap3A_474], %swap3A_477 {strides = array<i32>} : memref<128xi32, #tpu.memory_space<vmem>>, vector<16xi32>,
        %dma_start3A_478 = arith.constant 0 : i32
        %dma_start3A_479 = arith.constant 0 : i32
        %dma_start3A_480 = tpu.memref_slice %arg5[%dma_start3A_478, %dma_start3A_479] : memref<2x128xi32, #tpu.memory_space<vmem>> -> memref<1x128xi32, #tpu.memory_space<vmem>>
        %dma_start3A_481 = tpu.memref_squeeze %dma_start3A_480 : memref<1x128xi32, #tpu.memory_space<vmem>> -> memref<128xi32, #tpu.memory_space<vmem>>
        %dma_start3A_482 = arith.constant 0 : i32
        %dma_start3A_483 = arith.constant 0 : i32
        %dma_start3A_484 = tpu.memref_slice %arg2[%dma_start3A_482, %dma_start3A_483] : memref<10000x128xf32, #tpu.memory_space<hbm>> -> memref<10000x128xf32, #tpu.memory_space<hbm>>
        tpu.enqueue_indirect_dma source(%dma_start3A_484 : memref<10000x128xf32, #tpu.memory_space<hbm>>) target(%arg9 : memref<128x128xf32, #tpu.memory_space<vmem>>) offsets(%dma_start3A_481 : memref<128xi32, #tpu.memory_space<vmem>>) semaphore(%arg13 : memref<!tpu.dma_semaphore, #tpu.memory_space<semaphore_mem>>)
      } else {
      }
      %add3A_390 = arith.constant 3 : i32
      %add3A_391 = arith.addi %mul3A_267, %add3A_390 : i32
      %lt3A_392 = arith.constant 78 : i32
      %lt3A_393 = arith.cmpi slt, %add3A_391, %lt3A_392 : i32
      %convert_element_type3A_394 = arith.extui %lt3A_393 : i1 to i32
      %cond3A_395 = arith.constant 0 : i32
      %cond3A_396 = arith.cmpi ne, %convert_element_type3A_394, %cond3A_395 : i32
      scf.if %cond3A_396 {
        %add3A_400 = arith.constant 3 : i32
        %add3A_401 = arith.addi %mul3A_267, %add3A_400 : i32
        %add3A_402 = arith.addi %add3A_8, %add3A_401 : i32
        %mul3A_403 = arith.constant 128 : i32
        %mul3A_404 = arith.muli %add3A_402, %mul3A_403 : i32
        %dma_start3A_405 = arith.constant 0 : i32
        %dma_start3A_406 = tpu.memref_slice %arg3[%dma_start3A_405, %mul3A_404] : memref<2x320000xi32, #tpu.memory_space<hbm>> -> memref<2x128xi32, #tpu.memory_space<hbm>>
        %dma_start3A_407 = arith.constant 0 : i32
        %dma_start3A_408 = tpu.memref_slice %arg3[%dma_start3A_407, %mul3A_404] : memref<2x320000xi32, #tpu.memory_space<hbm>> -> memref<2x128xi32, #tpu.memory_space<hbm>>
        tpu.enqueue_dma source(%dma_start3A_408 : memref<2x128xi32, #tpu.memory_space<hbm>>) target(%arg6 : memref<2x128xi32, #tpu.memory_space<vmem>>) target_semaphore(%arg18 : memref<!tpu.dma_semaphore, #tpu.memory_space<semaphore_mem>>)
      } else {
      }
      %dma_start3A_397 = arith.constant 0 : i32
      %dma_start3A_398 = arith.constant 0 : i32
      %dma_start3A_399 = tpu.memref_slice %arg12[%dma_start3A_397, %dma_start3A_398] : memref<10000x128xf32, #tpu.memory_space<vmem_shared>> -> memref<10000x128xf32, #tpu.memory_space<vmem_shared>>
      tpu.enqueue_indirect_dma source(%arg10 : memref<128x128xf32, #tpu.memory_space<vmem>>) target(%dma_start3A_399 : memref<10000x128xf32, #tpu.memory_space<vmem_shared>>) offsets(%arg8 : memref<128xi32, #tpu.memory_space<vmem>>) semaphore(%arg16 : memref<!tpu.dma_semaphore, #tpu.memory_space<semaphore_mem>>) {add = true}
    }
    %scan3A_115 = arith.constant 39 : i32
    %dma_wait3A = arith.constant 0 : i32
    %dma_wait3A_116 = arith.constant 0 : i32
    %dma_wait3A_117 = tpu.memref_slice %arg12[%dma_wait3A, %dma_wait3A_116] : memref<10000x128xf32, #tpu.memory_space<vmem_shared>> -> memref<10000x128xf32, #tpu.memory_space<vmem_shared>>
    tpu.wait_indirect_dma semaphore(%arg16 : memref<!tpu.dma_semaphore, #tpu.memory_space<semaphore_mem>>) src(%arg10 : memref<128x128xf32, #tpu.memory_space<vmem>>) dst(%dma_wait3A_117 : memref<10000x128xf32, #tpu.memory_space<vmem_shared>>)
    %gt3A = arith.constant 78 : i32
    %gt3A_118 = arith.cmpi sgt, %add3A_4, %gt3A : i32
    %convert_element_type3A = arith.extui %gt3A_118 : i1 to i32
    %cond3A = arith.constant 0 : i32
    %cond3A_119 = arith.cmpi ne, %convert_element_type3A, %cond3A : i32
    scf.if %cond3A_119 {
      %add3A_261 = arith.constant 78 : i32
      %add3A_262 = arith.addi %add3A_8, %add3A_261 : i32
      %mul3A_263 = arith.constant 128 : i32
      %mul3A_264 = arith.muli %add3A_262, %mul3A_263 : i32
      "tpu.region"() ({
        %run_scoped3A = tpu.sem_alloc : memref<!tpu.dma_semaphore, #tpu.memory_space<semaphore_mem>>
        %dma_start3A_350 = arith.constant 0 : i32
        %dma_start3A_351 = tpu.memref_slice %arg3[%dma_start3A_350, %mul3A_264] : memref<2x320000xi32, #tpu.memory_space<hbm>> -> memref<2x128xi32, #tpu.memory_space<hbm>>
        %dma_start3A_352 = arith.constant 0 : i32
        %dma_start3A_353 = tpu.memref_slice %arg3[%dma_start3A_352, %mul3A_264] : memref<2x320000xi32, #tpu.memory_space<hbm>> -> memref<2x128xi32, #tpu.memory_space<hbm>>
        tpu.enqueue_dma source(%dma_start3A_353 : memref<2x128xi32, #tpu.memory_space<hbm>>) target(%arg5 : memref<2x128xi32, #tpu.memory_space<vmem>>) target_semaphore(%run_scoped3A : memref<!tpu.dma_semaphore, #tpu.memory_space<semaphore_mem>>)
        %dma_wait3A_354 = arith.constant 0 : i32
        %dma_wait3A_355 = tpu.memref_slice %arg3[%dma_wait3A_354, %mul3A_264] : memref<2x320000xi32, #tpu.memory_space<hbm>> -> memref<2x128xi32, #tpu.memory_space<hbm>>
        %dma_wait3A_356 = arith.constant 0 : i32
        %dma_wait3A_357 = tpu.memref_slice %arg3[%dma_wait3A_356, %mul3A_264] : memref<2x320000xi32, #tpu.memory_space<hbm>> -> memref<2x128xi32, #tpu.memory_space<hbm>>
        tpu.wait_dma2 semaphore(%run_scoped3A : memref<!tpu.dma_semaphore, #tpu.memory_space<semaphore_mem>>) src(%dma_wait3A_357 : memref<2x128xi32, #tpu.memory_space<hbm>>) dst(%arg5 : memref<2x128xi32, #tpu.memory_space<vmem>>)
        tpu.yield
      }) : () -> ()
      %get3A_265 = arith.constant 1 : i32
      %get3A_266 = arith.index_cast %get3A_265 : i32 to index
      %get3A_267 = arith.constant 0 : index
      %get3A_268 = tpu.vector_load %arg5[%get3A_266, %get3A_267] {strides = array<i32>} : memref<2x128xi32, #tpu.memory_space<vmem>>, vector<1x16xi32>,
      %get3A_269 = vector.shape_cast %get3A_268 : vector<1x16xi32> to vector<16xi32>
      %swap3A_270 = arith.constant 0 : index
      %swap3A_271 = tpu.vector_load %arg7[%swap3A_270] {strides = array<i32>} : memref<128xi32, #tpu.memory_space<vmem>>, vector<16xi32>,
      %swap3A_272 = vector.shape_cast %swap3A_271 : vector<16xi32> to vector<16xi32>
      %swap3A_273 = vector.shape_cast %get3A_269 : vector<16xi32> to vector<16xi32>
      tpu.vector_store %arg7[%swap3A_270], %swap3A_273 {strides = array<i32>} : memref<128xi32, #tpu.memory_space<vmem>>, vector<16xi32>,
      %get3A_274 = arith.constant 1 : i32
      %get3A_275 = arith.index_cast %get3A_274 : i32 to index
      %get3A_276 = arith.constant 16 : index
      %get3A_277 = tpu.vector_load %arg5[%get3A_275, %get3A_276] {strides = array<i32>} : memref<2x128xi32, #tpu.memory_space<vmem>>, vector<1x16xi32>,
      %get3A_278 = vector.shape_cast %get3A_277 : vector<1x16xi32> to vector<16xi32>
      %swap3A_279 = arith.constant 16 : index
      %swap3A_280 = tpu.vector_load %arg7[%swap3A_279] {strides = array<i32>} : memref<128xi32, #tpu.memory_space<vmem>>, vector<16xi32>,
      %swap3A_281 = vector.shape_cast %swap3A_280 : vector<16xi32> to vector<16xi32>
      %swap3A_282 = vector.shape_cast %get3A_278 : vector<16xi32> to vector<16xi32>
      tpu.vector_store %arg7[%swap3A_279], %swap3A_282 {strides = array<i32>} : memref<128xi32, #tpu.memory_space<vmem>>, vector<16xi32>,
      %get3A_283 = arith.constant 1 : i32
      %get3A_284 = arith.index_cast %get3A_283 : i32 to index
      %get3A_285 = arith.constant 32 : index
      %get3A_286 = tpu.vector_load %arg5[%get3A_284, %get3A_285] {strides = array<i32>} : memref<2x128xi32, #tpu.memory_space<vmem>>, vector<1x16xi32>,
      %get3A_287 = vector.shape_cast %get3A_286 : vector<1x16xi32> to vector<16xi32>
      %swap3A_288 = arith.constant 32 : index
      %swap3A_289 = tpu.vector_load %arg7[%swap3A_288] {strides = array<i32>} : memref<128xi32, #tpu.memory_space<vmem>>, vector<16xi32>,
      %swap3A_290 = vector.shape_cast %swap3A_289 : vector<16xi32> to vector<16xi32>
      %swap3A_291 = vector.shape_cast %get3A_287 : vector<16xi32> to vector<16xi32>
      tpu.vector_store %arg7[%swap3A_288], %swap3A_291 {strides = array<i32>} : memref<128xi32, #tpu.memory_space<vmem>>, vector<16xi32>,
      %get3A_292 = arith.constant 1 : i32
      %get3A_293 = arith.index_cast %get3A_292 : i32 to index
      %get3A_294 = arith.constant 48 : index
      %get3A_295 = tpu.vector_load %arg5[%get3A_293, %get3A_294] {strides = array<i32>} : memref<2x128xi32, #tpu.memory_space<vmem>>, vector<1x16xi32>,
      %get3A_296 = vector.shape_cast %get3A_295 : vector<1x16xi32> to vector<16xi32>
      %swap3A_297 = arith.constant 48 : index
      %swap3A_298 = tpu.vector_load %arg7[%swap3A_297] {strides = array<i32>} : memref<128xi32, #tpu.memory_space<vmem>>, vector<16xi32>,
      %swap3A_299 = vector.shape_cast %swap3A_298 : vector<16xi32> to vector<16xi32>
      %swap3A_300 = vector.shape_cast %get3A_296 : vector<16xi32> to vector<16xi32>
      tpu.vector_store %arg7[%swap3A_297], %swap3A_300 {strides = array<i32>} : memref<128xi32, #tpu.memory_space<vmem>>, vector<16xi32>,
      %get3A_301 = arith.constant 1 : i32
      %get3A_302 = arith.index_cast %get3A_301 : i32 to index
      %get3A_303 = arith.constant 64 : index
      %get3A_304 = tpu.vector_load %arg5[%get3A_302, %get3A_303] {strides = array<i32>} : memref<2x128xi32, #tpu.memory_space<vmem>>, vector<1x16xi32>,
      %get3A_305 = vector.shape_cast %get3A_304 : vector<1x16xi32> to vector<16xi32>
      %swap3A_306 = arith.constant 64 : index
      %swap3A_307 = tpu.vector_load %arg7[%swap3A_306] {strides = array<i32>} : memref<128xi32, #tpu.memory_space<vmem>>, vector<16xi32>,
      %swap3A_308 = vector.shape_cast %swap3A_307 : vector<16xi32> to vector<16xi32>
      %swap3A_309 = vector.shape_cast %get3A_305 : vector<16xi32> to vector<16xi32>
      tpu.vector_store %arg7[%swap3A_306], %swap3A_309 {strides = array<i32>} : memref<128xi32, #tpu.memory_space<vmem>>, vector<16xi32>,
      %get3A_310 = arith.constant 1 : i32
      %get3A_311 = arith.index_cast %get3A_310 : i32 to index
      %get3A_312 = arith.constant 80 : index
      %get3A_313 = tpu.vector_load %arg5[%get3A_311, %get3A_312] {strides = array<i32>} : memref<2x128xi32, #tpu.memory_space<vmem>>, vector<1x16xi32>,
      %get3A_314 = vector.shape_cast %get3A_313 : vector<1x16xi32> to vector<16xi32>
      %swap3A_315 = arith.constant 80 : index
      %swap3A_316 = tpu.vector_load %arg7[%swap3A_315] {strides = array<i32>} : memref<128xi32, #tpu.memory_space<vmem>>, vector<16xi32>,
      %swap3A_317 = vector.shape_cast %swap3A_316 : vector<16xi32> to vector<16xi32>
      %swap3A_318 = vector.shape_cast %get3A_314 : vector<16xi32> to vector<16xi32>
      tpu.vector_store %arg7[%swap3A_315], %swap3A_318 {strides = array<i32>} : memref<128xi32, #tpu.memory_space<vmem>>, vector<16xi32>,
      %get3A_319 = arith.constant 1 : i32
      %get3A_320 = arith.index_cast %get3A_319 : i32 to index
      %get3A_321 = arith.constant 96 : index
      %get3A_322 = tpu.vector_load %arg5[%get3A_320, %get3A_321] {strides = array<i32>} : memref<2x128xi32, #tpu.memory_space<vmem>>, vector<1x16xi32>,
      %get3A_323 = vector.shape_cast %get3A_322 : vector<1x16xi32> to vector<16xi32>
      %swap3A_324 = arith.constant 96 : index
      %swap3A_325 = tpu.vector_load %arg7[%swap3A_324] {strides = array<i32>} : memref<128xi32, #tpu.memory_space<vmem>>, vector<16xi32>,
      %swap3A_326 = vector.shape_cast %swap3A_325 : vector<16xi32> to vector<16xi32>
      %swap3A_327 = vector.shape_cast %get3A_323 : vector<16xi32> to vector<16xi32>
      tpu.vector_store %arg7[%swap3A_324], %swap3A_327 {strides = array<i32>} : memref<128xi32, #tpu.memory_space<vmem>>, vector<16xi32>,
      %get3A_328 = arith.constant 1 : i32
      %get3A_329 = arith.index_cast %get3A_328 : i32 to index
      %get3A_330 = arith.constant 112 : index
      %get3A_331 = tpu.vector_load %arg5[%get3A_329, %get3A_330] {strides = array<i32>} : memref<2x128xi32, #tpu.memory_space<vmem>>, vector<1x16xi32>,
      %get3A_332 = vector.shape_cast %get3A_331 : vector<1x16xi32> to vector<16xi32>
      %swap3A_333 = arith.constant 112 : index
      %swap3A_334 = tpu.vector_load %arg7[%swap3A_333] {strides = array<i32>} : memref<128xi32, #tpu.memory_space<vmem>>, vector<16xi32>,
      %swap3A_335 = vector.shape_cast %swap3A_334 : vector<16xi32> to vector<16xi32>
      %swap3A_336 = vector.shape_cast %get3A_332 : vector<16xi32> to vector<16xi32>
      tpu.vector_store %arg7[%swap3A_333], %swap3A_336 {strides = array<i32>} : memref<128xi32, #tpu.memory_space<vmem>>, vector<16xi32>,
      %dma_start3A_337 = arith.constant 0 : i32
      %dma_start3A_338 = arith.constant 0 : i32
      %dma_start3A_339 = tpu.memref_slice %arg5[%dma_start3A_337, %dma_start3A_338] : memref<2x128xi32, #tpu.memory_space<vmem>> -> memref<1x128xi32, #tpu.memory_space<vmem>>
      %dma_start3A_340 = tpu.memref_squeeze %dma_start3A_339 : memref<1x128xi32, #tpu.memory_space<vmem>> -> memref<128xi32, #tpu.memory_space<vmem>>
      %dma_start3A_341 = arith.constant 0 : i32
      %dma_start3A_342 = arith.constant 0 : i32
      %dma_start3A_343 = tpu.memref_slice %arg2[%dma_start3A_341, %dma_start3A_342] : memref<10000x128xf32, #tpu.memory_space<hbm>> -> memref<10000x128xf32, #tpu.memory_space<hbm>>
      tpu.enqueue_indirect_dma source(%dma_start3A_343 : memref<10000x128xf32, #tpu.memory_space<hbm>>) target(%arg9 : memref<128x128xf32, #tpu.memory_space<vmem>>) offsets(%dma_start3A_340 : memref<128xi32, #tpu.memory_space<vmem>>) semaphore(%arg13 : memref<!tpu.dma_semaphore, #tpu.memory_space<semaphore_mem>>)
      %dma_wait3A_344 = arith.constant 0 : i32
      %dma_wait3A_345 = arith.constant 0 : i32
      %dma_wait3A_346 = tpu.memref_slice %arg2[%dma_wait3A_344, %dma_wait3A_345] : memref<10000x128xf32, #tpu.memory_space<hbm>> -> memref<128x128xf32, #tpu.memory_space<hbm>>
      %dma_wait3A_347 = arith.constant 0 : i32
      %dma_wait3A_348 = arith.constant 0 : i32
      %dma_wait3A_349 = tpu.memref_slice %arg2[%dma_wait3A_347, %dma_wait3A_348] : memref<10000x128xf32, #tpu.memory_space<hbm>> -> memref<128x128xf32, #tpu.memory_space<hbm>>
      tpu.wait_dma2 semaphore(%arg13 : memref<!tpu.dma_semaphore, #tpu.memory_space<semaphore_mem>>) src(%dma_wait3A_349 : memref<128x128xf32, #tpu.memory_space<hbm>>) dst(%arg9 : memref<128x128xf32, #tpu.memory_space<vmem>>)
      "tpu.region"() ({
        %run_scoped3A = tpu.sem_alloc : memref<!tpu.dma_semaphore, #tpu.memory_space<semaphore_mem>>
        %dma_start3A_350 = arith.constant 0 : i32
        %dma_start3A_351 = arith.constant 0 : i32
        %dma_start3A_352 = tpu.memref_slice %arg12[%dma_start3A_350, %dma_start3A_351] : memref<10000x128xf32, #tpu.memory_space<vmem_shared>> -> memref<10000x128xf32, #tpu.memory_space<vmem_shared>>
        tpu.enqueue_indirect_dma source(%arg9 : memref<128x128xf32, #tpu.memory_space<vmem>>) target(%dma_start3A_352 : memref<10000x128xf32, #tpu.memory_space<vmem_shared>>) offsets(%arg7 : memref<128xi32, #tpu.memory_space<vmem>>) semaphore(%run_scoped3A : memref<!tpu.dma_semaphore, #tpu.memory_space<semaphore_mem>>) {add = true}
        %dma_wait3A_353 = arith.constant 0 : i32
        %dma_wait3A_354 = arith.constant 0 : i32
        %dma_wait3A_355 = tpu.memref_slice %arg12[%dma_wait3A_353, %dma_wait3A_354] : memref<10000x128xf32, #tpu.memory_space<vmem_shared>> -> memref<10000x128xf32, #tpu.memory_space<vmem_shared>>
        tpu.wait_indirect_dma semaphore(%run_scoped3A : memref<!tpu.dma_semaphore, #tpu.memory_space<semaphore_mem>>) src(%arg9 : memref<128x128xf32, #tpu.memory_space<vmem>>) dst(%dma_wait3A_355 : memref<10000x128xf32, #tpu.memory_space<vmem_shared>>)
        tpu.yield
      }) : () -> ()
    } else {
    }
    %barrier3A_120 = arith.constant 0 : index
    tpu.barrier barrier_id(%barrier3A_120)
    %add3A_121 = arith.constant 0 : i32
    %add3A_122 = arith.addi %mul3A_100, %add3A_121 : i32
    "tpu.region"() ({
      %run_scoped3A = tpu.sem_alloc : memref<!tpu.dma_semaphore, #tpu.memory_space<semaphore_mem>>
      %dma_start3A_261 = arith.constant 0 : i32
      %dma_start3A_262 = arith.constant 0 : i32
      %dma_start3A_263 = tpu.memref_slice %arg9[%dma_start3A_261, %dma_start3A_262] : memref<128x128xf32, #tpu.memory_space<vmem>> -> memref<128x128xf32, #tpu.memory_space<vmem>>
      %dma_start3A_264 = arith.constant 0 : i32
      %dma_start3A_265 = tpu.memref_slice %arg12[%add3A_122, %dma_start3A_264] : memref<10000x128xf32, #tpu.memory_space<vmem_shared>> -> memref<128x128xf32, #tpu.memory_space<vmem_shared>>
      %dma_start3A_266 = arith.constant 0 : i32
      %dma_start3A_267 = arith.constant 0 : i32
      %dma_start3A_268 = tpu.memref_slice %arg9[%dma_start3A_266, %dma_start3A_267] : memref<128x128xf32, #tpu.memory_space<vmem>> -> memref<128x128xf32, #tpu.memory_space<vmem>>
      %dma_start3A_269 = arith.constant 0 : i32
      %dma_start3A_270 = tpu.memref_slice %arg12[%add3A_122, %dma_start3A_269] : memref<10000x128xf32, #tpu.memory_space<vmem_shared>> -> memref<128x128xf32, #tpu.memory_space<vmem_shared>>
      tpu.enqueue_dma source(%dma_start3A_270 : memref<128x128xf32, #tpu.memory_space<vmem_shared>>) target(%dma_start3A_268 : memref<128x128xf32, #tpu.memory_space<vmem>>) target_semaphore(%run_scoped3A : memref<!tpu.dma_semaphore, #tpu.memory_space<semaphore_mem>>)
      %dma_wait3A_271 = arith.constant 0 : i32
      %dma_wait3A_272 = arith.constant 0 : i32
      %dma_wait3A_273 = tpu.memref_slice %arg9[%dma_wait3A_271, %dma_wait3A_272] : memref<128x128xf32, #tpu.memory_space<vmem>> -> memref<128x128xf32, #tpu.memory_space<vmem>>
      %dma_wait3A_274 = arith.constant 0 : i32
      %dma_wait3A_275 = tpu.memref_slice %arg12[%add3A_122, %dma_wait3A_274] : memref<10000x128xf32, #tpu.memory_space<vmem_shared>> -> memref<128x128xf32, #tpu.memory_space<vmem_shared>>
      %dma_wait3A_276 = arith.constant 0 : i32
      %dma_wait3A_277 = arith.constant 0 : i32
      %dma_wait3A_278 = tpu.memref_slice %arg9[%dma_wait3A_276, %dma_wait3A_277] : memref<128x128xf32, #tpu.memory_space<vmem>> -> memref<128x128xf32, #tpu.memory_space<vmem>>
      %dma_wait3A_279 = arith.constant 0 : i32
      %dma_wait3A_280 = tpu.memref_slice %arg12[%add3A_122, %dma_wait3A_279] : memref<10000x128xf32, #tpu.memory_space<vmem_shared>> -> memref<128x128xf32, #tpu.memory_space<vmem_shared>>
      tpu.wait_dma2 semaphore(%run_scoped3A : memref<!tpu.dma_semaphore, #tpu.memory_space<semaphore_mem>>) src(%dma_wait3A_280 : memref<128x128xf32, #tpu.memory_space<vmem_shared>>) dst(%dma_wait3A_278 : memref<128x128xf32, #tpu.memory_space<vmem>>)
      tpu.yield
    }) : () -> ()
    %dma_start3A_123 = arith.constant 0 : i32
    %dma_start3A_124 = arith.constant 0 : i32
    %dma_start3A_125 = tpu.memref_slice %arg9[%dma_start3A_123, %dma_start3A_124] : memref<128x128xf32, #tpu.memory_space<vmem>> -> memref<128x128xf32, #tpu.memory_space<vmem>>
    %dma_start3A_126 = arith.constant 0 : i32
    %dma_start3A_127 = tpu.memref_slice %arg4[%arg0, %add3A_122, %dma_start3A_126] : memref<2x10000x128xf32, #tpu.memory_space<hbm>> -> memref<1x128x128xf32, #tpu.memory_space<hbm>>
    %dma_start3A_128 = tpu.memref_squeeze %dma_start3A_127 : memref<1x128x128xf32, #tpu.memory_space<hbm>> -> memref<128x128xf32, #tpu.memory_space<hbm>>
    %dma_start3A_129 = arith.constant 0 : i32
    %dma_start3A_130 = tpu.memref_slice %arg4[%arg0, %add3A_122, %dma_start3A_129] : memref<2x10000x128xf32, #tpu.memory_space<hbm>> -> memref<1x128x128xf32, #tpu.memory_space<hbm>>
    %dma_start3A_131 = tpu.memref_squeeze %dma_start3A_130 : memref<1x128x128xf32, #tpu.memory_space<hbm>> -> memref<128x128xf32, #tpu.memory_space<hbm>>
    %dma_start3A_132 = arith.constant 0 : i32
    %dma_start3A_133 = arith.constant 0 : i32
    %dma_start3A_134 = tpu.memref_slice %arg9[%dma_start3A_132, %dma_start3A_133] : memref<128x128xf32, #tpu.memory_space<vmem>> -> memref<128x128xf32, #tpu.memory_space<vmem>>
    tpu.enqueue_dma source(%dma_start3A_134 : memref<128x128xf32, #tpu.memory_space<vmem>>) target(%dma_start3A_131 : memref<128x128xf32, #tpu.memory_space<hbm>>) target_semaphore(%arg13 : memref<!tpu.dma_semaphore, #tpu.memory_space<semaphore_mem>>)
    %add3A_135 = arith.constant 128 : i32
    %add3A_136 = arith.addi %mul3A_100, %add3A_135 : i32
    "tpu.region"() ({
      %run_scoped3A = tpu.sem_alloc : memref<!tpu.dma_semaphore, #tpu.memory_space<semaphore_mem>>
      %dma_start3A_261 = arith.constant 0 : i32
      %dma_start3A_262 = arith.constant 0 : i32
      %dma_start3A_263 = tpu.memref_slice %arg10[%dma_start3A_261, %dma_start3A_262] : memref<128x128xf32, #tpu.memory_space<vmem>> -> memref<128x128xf32, #tpu.memory_space<vmem>>
      %dma_start3A_264 = arith.constant 0 : i32
      %dma_start3A_265 = tpu.memref_slice %arg12[%add3A_136, %dma_start3A_264] : memref<10000x128xf32, #tpu.memory_space<vmem_shared>> -> memref<128x128xf32, #tpu.memory_space<vmem_shared>>
      %dma_start3A_266 = arith.constant 0 : i32
      %dma_start3A_267 = arith.constant 0 : i32
      %dma_start3A_268 = tpu.memref_slice %arg10[%dma_start3A_266, %dma_start3A_267] : memref<128x128xf32, #tpu.memory_space<vmem>> -> memref<128x128xf32, #tpu.memory_space<vmem>>
      %dma_start3A_269 = arith.constant 0 : i32
      %dma_start3A_270 = tpu.memref_slice %arg12[%add3A_136, %dma_start3A_269] : memref<10000x128xf32, #tpu.memory_space<vmem_shared>> -> memref<128x128xf32, #tpu.memory_space<vmem_shared>>
      tpu.enqueue_dma source(%dma_start3A_270 : memref<128x128xf32, #tpu.memory_space<vmem_shared>>) target(%dma_start3A_268 : memref<128x128xf32, #tpu.memory_space<vmem>>) target_semaphore(%run_scoped3A : memref<!tpu.dma_semaphore, #tpu.memory_space<semaphore_mem>>)
      %dma_wait3A_271 = arith.constant 0 : i32
      %dma_wait3A_272 = arith.constant 0 : i32
      %dma_wait3A_273 = tpu.memref_slice %arg10[%dma_wait3A_271, %dma_wait3A_272] : memref<128x128xf32, #tpu.memory_space<vmem>> -> memref<128x128xf32, #tpu.memory_space<vmem>>
      %dma_wait3A_274 = arith.constant 0 : i32
      %dma_wait3A_275 = tpu.memref_slice %arg12[%add3A_136, %dma_wait3A_274] : memref<10000x128xf32, #tpu.memory_space<vmem_shared>> -> memref<128x128xf32, #tpu.memory_space<vmem_shared>>
      %dma_wait3A_276 = arith.constant 0 : i32
      %dma_wait3A_277 = arith.constant 0 : i32
      %dma_wait3A_278 = tpu.memref_slice %arg10[%dma_wait3A_276, %dma_wait3A_277] : memref<128x128xf32, #tpu.memory_space<vmem>> -> memref<128x128xf32, #tpu.memory_space<vmem>>
      %dma_wait3A_279 = arith.constant 0 : i32
      %dma_wait3A_280 = tpu.memref_slice %arg12[%add3A_136, %dma_wait3A_279] : memref<10000x128xf32, #tpu.memory_space<vmem_shared>> -> memref<128x128xf32, #tpu.memory_space<vmem_shared>>
      tpu.wait_dma2 semaphore(%run_scoped3A : memref<!tpu.dma_semaphore, #tpu.memory_space<semaphore_mem>>) src(%dma_wait3A_280 : memref<128x128xf32, #tpu.memory_space<vmem_shared>>) dst(%dma_wait3A_278 : memref<128x128xf32, #tpu.memory_space<vmem>>)
      tpu.yield
    }) : () -> ()
    %dma_start3A_137 = arith.constant 0 : i32
    %dma_start3A_138 = arith.constant 0 : i32
    %dma_start3A_139 = tpu.memref_slice %arg10[%dma_start3A_137, %dma_start3A_138] : memref<128x128xf32, #tpu.memory_space<vmem>> -> memref<128x128xf32, #tpu.memory_space<vmem>>
    %dma_start3A_140 = arith.constant 0 : i32
    %dma_start3A_141 = tpu.memref_slice %arg4[%arg0, %add3A_136, %dma_start3A_140] : memref<2x10000x128xf32, #tpu.memory_space<hbm>> -> memref<1x128x128xf32, #tpu.memory_space<hbm>>
    %dma_start3A_142 = tpu.memref_squeeze %dma_start3A_141 : memref<1x128x128xf32, #tpu.memory_space<hbm>> -> memref<128x128xf32, #tpu.memory_space<hbm>>
    %dma_start3A_143 = arith.constant 0 : i32
    %dma_start3A_144 = tpu.memref_slice %arg4[%arg0, %add3A_136, %dma_start3A_143] : memref<2x10000x128xf32, #tpu.memory_space<hbm>> -> memref<1x128x128xf32, #tpu.memory_space<hbm>>
    %dma_start3A_145 = tpu.memref_squeeze %dma_start3A_144 : memref<1x128x128xf32, #tpu.memory_space<hbm>> -> memref<128x128xf32, #tpu.memory_space<hbm>>
    %dma_start3A_146 = arith.constant 0 : i32
    %dma_start3A_147 = arith.constant 0 : i32
    %dma_start3A_148 = tpu.memref_slice %arg10[%dma_start3A_146, %dma_start3A_147] : memref<128x128xf32, #tpu.memory_space<vmem>> -> memref<128x128xf32, #tpu.memory_space<vmem>>
    tpu.enqueue_dma source(%dma_start3A_148 : memref<128x128xf32, #tpu.memory_space<vmem>>) target(%dma_start3A_145 : memref<128x128xf32, #tpu.memory_space<hbm>>) target_semaphore(%arg14 : memref<!tpu.dma_semaphore, #tpu.memory_space<semaphore_mem>>)
    %add3A_149 = arith.constant 256 : i32
    %add3A_150 = arith.addi %mul3A_100, %add3A_149 : i32
    %add3A_151 = arith.constant 0 : i32
    %add3A_152 = arith.addi %mul3A_100, %add3A_151 : i32
    %dma_wait3A_153 = arith.constant 0 : i32
    %dma_wait3A_154 = arith.constant 0 : i32
    %dma_wait3A_155 = tpu.memref_slice %arg9[%dma_wait3A_153, %dma_wait3A_154] : memref<128x128xf32, #tpu.memory_space<vmem>> -> memref<128x128xf32, #tpu.memory_space<vmem>>
    %dma_wait3A_156 = arith.constant 0 : i32
    %dma_wait3A_157 = tpu.memref_slice %arg4[%arg0, %add3A_152, %dma_wait3A_156] : memref<2x10000x128xf32, #tpu.memory_space<hbm>> -> memref<1x128x128xf32, #tpu.memory_space<hbm>>
    %dma_wait3A_158 = tpu.memref_squeeze %dma_wait3A_157 : memref<1x128x128xf32, #tpu.memory_space<hbm>> -> memref<128x128xf32, #tpu.memory_space<hbm>>
    %dma_wait3A_159 = arith.constant 0 : i32
    %dma_wait3A_160 = tpu.memref_slice %arg4[%arg0, %add3A_152, %dma_wait3A_159] : memref<2x10000x128xf32, #tpu.memory_space<hbm>> -> memref<1x128x128xf32, #tpu.memory_space<hbm>>
    %dma_wait3A_161 = tpu.memref_squeeze %dma_wait3A_160 : memref<1x128x128xf32, #tpu.memory_space<hbm>> -> memref<128x128xf32, #tpu.memory_space<hbm>>
    %dma_wait3A_162 = arith.constant 0 : i32
    %dma_wait3A_163 = arith.constant 0 : i32
    %dma_wait3A_164 = tpu.memref_slice %arg9[%dma_wait3A_162, %dma_wait3A_163] : memref<128x128xf32, #tpu.memory_space<vmem>> -> memref<128x128xf32, #tpu.memory_space<vmem>>
    tpu.wait_dma2 semaphore(%arg13 : memref<!tpu.dma_semaphore, #tpu.memory_space<semaphore_mem>>) src(%dma_wait3A_164 : memref<128x128xf32, #tpu.memory_space<vmem>>) dst(%dma_wait3A_161 : memref<128x128xf32, #tpu.memory_space<hbm>>)
    "tpu.region"() ({
      %run_scoped3A = tpu.sem_alloc : memref<!tpu.dma_semaphore, #tpu.memory_space<semaphore_mem>>
      %dma_start3A_261 = arith.constant 0 : i32
      %dma_start3A_262 = arith.constant 0 : i32
      %dma_start3A_263 = tpu.memref_slice %arg9[%dma_start3A_261, %dma_start3A_262] : memref<128x128xf32, #tpu.memory_space<vmem>> -> memref<128x128xf32, #tpu.memory_space<vmem>>
      %dma_start3A_264 = arith.constant 0 : i32
      %dma_start3A_265 = tpu.memref_slice %arg12[%add3A_150, %dma_start3A_264] : memref<10000x128xf32, #tpu.memory_space<vmem_shared>> -> memref<128x128xf32, #tpu.memory_space<vmem_shared>>
      %dma_start3A_266 = arith.constant 0 : i32
      %dma_start3A_267 = arith.constant 0 : i32
      %dma_start3A_268 = tpu.memref_slice %arg9[%dma_start3A_266, %dma_start3A_267] : memref<128x128xf32, #tpu.memory_space<vmem>> -> memref<128x128xf32, #tpu.memory_space<vmem>>
      %dma_start3A_269 = arith.constant 0 : i32
      %dma_start3A_270 = tpu.memref_slice %arg12[%add3A_150, %dma_start3A_269] : memref<10000x128xf32, #tpu.memory_space<vmem_shared>> -> memref<128x128xf32, #tpu.memory_space<vmem_shared>>
      tpu.enqueue_dma source(%dma_start3A_270 : memref<128x128xf32, #tpu.memory_space<vmem_shared>>) target(%dma_start3A_268 : memref<128x128xf32, #tpu.memory_space<vmem>>) target_semaphore(%run_scoped3A : memref<!tpu.dma_semaphore, #tpu.memory_space<semaphore_mem>>)
      %dma_wait3A_271 = arith.constant 0 : i32
      %dma_wait3A_272 = arith.constant 0 : i32
      %dma_wait3A_273 = tpu.memref_slice %arg9[%dma_wait3A_271, %dma_wait3A_272] : memref<128x128xf32, #tpu.memory_space<vmem>> -> memref<128x128xf32, #tpu.memory_space<vmem>>
      %dma_wait3A_274 = arith.constant 0 : i32
      %dma_wait3A_275 = tpu.memref_slice %arg12[%add3A_150, %dma_wait3A_274] : memref<10000x128xf32, #tpu.memory_space<vmem_shared>> -> memref<128x128xf32, #tpu.memory_space<vmem_shared>>
      %dma_wait3A_276 = arith.constant 0 : i32
      %dma_wait3A_277 = arith.constant 0 : i32
      %dma_wait3A_278 = tpu.memref_slice %arg9[%dma_wait3A_276, %dma_wait3A_277] : memref<128x128xf32, #tpu.memory_space<vmem>> -> memref<128x128xf32, #tpu.memory_space<vmem>>
      %dma_wait3A_279 = arith.constant 0 : i32
      %dma_wait3A_280 = tpu.memref_slice %arg12[%add3A_150, %dma_wait3A_279] : memref<10000x128xf32, #tpu.memory_space<vmem_shared>> -> memref<128x128xf32, #tpu.memory_space<vmem_shared>>
      tpu.wait_dma2 semaphore(%run_scoped3A : memref<!tpu.dma_semaphore, #tpu.memory_space<semaphore_mem>>) src(%dma_wait3A_280 : memref<128x128xf32, #tpu.memory_space<vmem_shared>>) dst(%dma_wait3A_278 : memref<128x128xf32, #tpu.memory_space<vmem>>)
      tpu.yield
    }) : () -> ()
    %dma_start3A_165 = arith.constant 0 : i32
    %dma_start3A_166 = arith.constant 0 : i32
    %dma_start3A_167 = tpu.memref_slice %arg9[%dma_start3A_165, %dma_start3A_166] : memref<128x128xf32, #tpu.memory_space<vmem>> -> memref<128x128xf32, #tpu.memory_space<vmem>>
    %dma_start3A_168 = arith.constant 0 : i32
    %dma_start3A_169 = tpu.memref_slice %arg4[%arg0, %add3A_150, %dma_start3A_168] : memref<2x10000x128xf32, #tpu.memory_space<hbm>> -> memref<1x128x128xf32, #tpu.memory_space<hbm>>
    %dma_start3A_170 = tpu.memref_squeeze %dma_start3A_169 : memref<1x128x128xf32, #tpu.memory_space<hbm>> -> memref<128x128xf32, #tpu.memory_space<hbm>>
    %dma_start3A_171 = arith.constant 0 : i32
    %dma_start3A_172 = tpu.memref_slice %arg4[%arg0, %add3A_150, %dma_start3A_171] : memref<2x10000x128xf32, #tpu.memory_space<hbm>> -> memref<1x128x128xf32, #tpu.memory_space<hbm>>
    %dma_start3A_173 = tpu.memref_squeeze %dma_start3A_172 : memref<1x128x128xf32, #tpu.memory_space<hbm>> -> memref<128x128xf32, #tpu.memory_space<hbm>>
    %dma_start3A_174 = arith.constant 0 : i32
    %dma_start3A_175 = arith.constant 0 : i32
    %dma_start3A_176 = tpu.memref_slice %arg9[%dma_start3A_174, %dma_start3A_175] : memref<128x128xf32, #tpu.memory_space<vmem>> -> memref<128x128xf32, #tpu.memory_space<vmem>>
    tpu.enqueue_dma source(%dma_start3A_176 : memref<128x128xf32, #tpu.memory_space<vmem>>) target(%dma_start3A_173 : memref<128x128xf32, #tpu.memory_space<hbm>>) target_semaphore(%arg13 : memref<!tpu.dma_semaphore, #tpu.memory_space<semaphore_mem>>)
    %add3A_177 = arith.constant 384 : i32
    %add3A_178 = arith.addi %mul3A_100, %add3A_177 : i32
    %add3A_179 = arith.constant 128 : i32
    %add3A_180 = arith.addi %mul3A_100, %add3A_179 : i32
    %dma_wait3A_181 = arith.constant 0 : i32
    %dma_wait3A_182 = arith.constant 0 : i32
    %dma_wait3A_183 = tpu.memref_slice %arg10[%dma_wait3A_181, %dma_wait3A_182] : memref<128x128xf32, #tpu.memory_space<vmem>> -> memref<128x128xf32, #tpu.memory_space<vmem>>
    %dma_wait3A_184 = arith.constant 0 : i32
    %dma_wait3A_185 = tpu.memref_slice %arg4[%arg0, %add3A_180, %dma_wait3A_184] : memref<2x10000x128xf32, #tpu.memory_space<hbm>> -> memref<1x128x128xf32, #tpu.memory_space<hbm>>
    %dma_wait3A_186 = tpu.memref_squeeze %dma_wait3A_185 : memref<1x128x128xf32, #tpu.memory_space<hbm>> -> memref<128x128xf32, #tpu.memory_space<hbm>>
    %dma_wait3A_187 = arith.constant 0 : i32
    %dma_wait3A_188 = tpu.memref_slice %arg4[%arg0, %add3A_180, %dma_wait3A_187] : memref<2x10000x128xf32, #tpu.memory_space<hbm>> -> memref<1x128x128xf32, #tpu.memory_space<hbm>>
    %dma_wait3A_189 = tpu.memref_squeeze %dma_wait3A_188 : memref<1x128x128xf32, #tpu.memory_space<hbm>> -> memref<128x128xf32, #tpu.memory_space<hbm>>
    %dma_wait3A_190 = arith.constant 0 : i32
    %dma_wait3A_191 = arith.constant 0 : i32
    %dma_wait3A_192 = tpu.memref_slice %arg10[%dma_wait3A_190, %dma_wait3A_191] : memref<128x128xf32, #tpu.memory_space<vmem>> -> memref<128x128xf32, #tpu.memory_space<vmem>>
    tpu.wait_dma2 semaphore(%arg14 : memref<!tpu.dma_semaphore, #tpu.memory_space<semaphore_mem>>) src(%dma_wait3A_192 : memref<128x128xf32, #tpu.memory_space<vmem>>) dst(%dma_wait3A_189 : memref<128x128xf32, #tpu.memory_space<hbm>>)
    "tpu.region"() ({
      %run_scoped3A = tpu.sem_alloc : memref<!tpu.dma_semaphore, #tpu.memory_space<semaphore_mem>>
      %dma_start3A_261 = arith.constant 0 : i32
      %dma_start3A_262 = arith.constant 0 : i32
      %dma_start3A_263 = tpu.memref_slice %arg10[%dma_start3A_261, %dma_start3A_262] : memref<128x128xf32, #tpu.memory_space<vmem>> -> memref<128x128xf32, #tpu.memory_space<vmem>>
      %dma_start3A_264 = arith.constant 0 : i32
      %dma_start3A_265 = tpu.memref_slice %arg12[%add3A_178, %dma_start3A_264] : memref<10000x128xf32, #tpu.memory_space<vmem_shared>> -> memref<128x128xf32, #tpu.memory_space<vmem_shared>>
      %dma_start3A_266 = arith.constant 0 : i32
      %dma_start3A_267 = arith.constant 0 : i32
      %dma_start3A_268 = tpu.memref_slice %arg10[%dma_start3A_266, %dma_start3A_267] : memref<128x128xf32, #tpu.memory_space<vmem>> -> memref<128x128xf32, #tpu.memory_space<vmem>>
      %dma_start3A_269 = arith.constant 0 : i32
      %dma_start3A_270 = tpu.memref_slice %arg12[%add3A_178, %dma_start3A_269] : memref<10000x128xf32, #tpu.memory_space<vmem_shared>> -> memref<128x128xf32, #tpu.memory_space<vmem_shared>>
      tpu.enqueue_dma source(%dma_start3A_270 : memref<128x128xf32, #tpu.memory_space<vmem_shared>>) target(%dma_start3A_268 : memref<128x128xf32, #tpu.memory_space<vmem>>) target_semaphore(%run_scoped3A : memref<!tpu.dma_semaphore, #tpu.memory_space<semaphore_mem>>)
      %dma_wait3A_271 = arith.constant 0 : i32
      %dma_wait3A_272 = arith.constant 0 : i32
      %dma_wait3A_273 = tpu.memref_slice %arg10[%dma_wait3A_271, %dma_wait3A_272] : memref<128x128xf32, #tpu.memory_space<vmem>> -> memref<128x128xf32, #tpu.memory_space<vmem>>
      %dma_wait3A_274 = arith.constant 0 : i32
      %dma_wait3A_275 = tpu.memref_slice %arg12[%add3A_178, %dma_wait3A_274] : memref<10000x128xf32, #tpu.memory_space<vmem_shared>> -> memref<128x128xf32, #tpu.memory_space<vmem_shared>>
      %dma_wait3A_276 = arith.constant 0 : i32
      %dma_wait3A_277 = arith.constant 0 : i32
      %dma_wait3A_278 = tpu.memref_slice %arg10[%dma_wait3A_276, %dma_wait3A_277] : memref<128x128xf32, #tpu.memory_space<vmem>> -> memref<128x128xf32, #tpu.memory_space<vmem>>
      %dma_wait3A_279 = arith.constant 0 : i32
      %dma_wait3A_280 = tpu.memref_slice %arg12[%add3A_178, %dma_wait3A_279] : memref<10000x128xf32, #tpu.memory_space<vmem_shared>> -> memref<128x128xf32, #tpu.memory_space<vmem_shared>>
      tpu.wait_dma2 semaphore(%run_scoped3A : memref<!tpu.dma_semaphore, #tpu.memory_space<semaphore_mem>>) src(%dma_wait3A_280 : memref<128x128xf32, #tpu.memory_space<vmem_shared>>) dst(%dma_wait3A_278 : memref<128x128xf32, #tpu.memory_space<vmem>>)
      tpu.yield
    }) : () -> ()
    %dma_start3A_193 = arith.constant 0 : i32
    %dma_start3A_194 = arith.constant 0 : i32
    %dma_start3A_195 = tpu.memref_slice %arg10[%dma_start3A_193, %dma_start3A_194] : memref<128x128xf32, #tpu.memory_space<vmem>> -> memref<128x128xf32, #tpu.memory_space<vmem>>
    %dma_start3A_196 = arith.constant 0 : i32
    %dma_start3A_197 = tpu.memref_slice %arg4[%arg0, %add3A_178, %dma_start3A_196] : memref<2x10000x128xf32, #tpu.memory_space<hbm>> -> memref<1x128x128xf32, #tpu.memory_space<hbm>>
    %dma_start3A_198 = tpu.memref_squeeze %dma_start3A_197 : memref<1x128x128xf32, #tpu.memory_space<hbm>> -> memref<128x128xf32, #tpu.memory_space<hbm>>
    %dma_start3A_199 = arith.constant 0 : i32
    %dma_start3A_200 = tpu.memref_slice %arg4[%arg0, %add3A_178, %dma_start3A_199] : memref<2x10000x128xf32, #tpu.memory_space<hbm>> -> memref<1x128x128xf32, #tpu.memory_space<hbm>>
    %dma_start3A_201 = tpu.memref_squeeze %dma_start3A_200 : memref<1x128x128xf32, #tpu.memory_space<hbm>> -> memref<128x128xf32, #tpu.memory_space<hbm>>
    %dma_start3A_202 = arith.constant 0 : i32
    %dma_start3A_203 = arith.constant 0 : i32
    %dma_start3A_204 = tpu.memref_slice %arg10[%dma_start3A_202, %dma_start3A_203] : memref<128x128xf32, #tpu.memory_space<vmem>> -> memref<128x128xf32, #tpu.memory_space<vmem>>
    tpu.enqueue_dma source(%dma_start3A_204 : memref<128x128xf32, #tpu.memory_space<vmem>>) target(%dma_start3A_201 : memref<128x128xf32, #tpu.memory_space<hbm>>) target_semaphore(%arg14 : memref<!tpu.dma_semaphore, #tpu.memory_space<semaphore_mem>>)
    %add3A_205 = arith.constant 512 : i32
    %add3A_206 = arith.addi %mul3A_100, %add3A_205 : i32
    %add3A_207 = arith.constant 256 : i32
    %add3A_208 = arith.addi %mul3A_100, %add3A_207 : i32
    %dma_wait3A_209 = arith.constant 0 : i32
    %dma_wait3A_210 = arith.constant 0 : i32
    %dma_wait3A_211 = tpu.memref_slice %arg9[%dma_wait3A_209, %dma_wait3A_210] : memref<128x128xf32, #tpu.memory_space<vmem>> -> memref<128x128xf32, #tpu.memory_space<vmem>>
    %dma_wait3A_212 = arith.constant 0 : i32
    %dma_wait3A_213 = tpu.memref_slice %arg4[%arg0, %add3A_208, %dma_wait3A_212] : memref<2x10000x128xf32, #tpu.memory_space<hbm>> -> memref<1x128x128xf32, #tpu.memory_space<hbm>>
    %dma_wait3A_214 = tpu.memref_squeeze %dma_wait3A_213 : memref<1x128x128xf32, #tpu.memory_space<hbm>> -> memref<128x128xf32, #tpu.memory_space<hbm>>
    %dma_wait3A_215 = arith.constant 0 : i32
    %dma_wait3A_216 = tpu.memref_slice %arg4[%arg0, %add3A_208, %dma_wait3A_215] : memref<2x10000x128xf32, #tpu.memory_space<hbm>> -> memref<1x128x128xf32, #tpu.memory_space<hbm>>
    %dma_wait3A_217 = tpu.memref_squeeze %dma_wait3A_216 : memref<1x128x128xf32, #tpu.memory_space<hbm>> -> memref<128x128xf32, #tpu.memory_space<hbm>>
    %dma_wait3A_218 = arith.constant 0 : i32
    %dma_wait3A_219 = arith.constant 0 : i32
    %dma_wait3A_220 = tpu.memref_slice %arg9[%dma_wait3A_218, %dma_wait3A_219] : memref<128x128xf32, #tpu.memory_space<vmem>> -> memref<128x128xf32, #tpu.memory_space<vmem>>
    tpu.wait_dma2 semaphore(%arg13 : memref<!tpu.dma_semaphore, #tpu.memory_space<semaphore_mem>>) src(%dma_wait3A_220 : memref<128x128xf32, #tpu.memory_space<vmem>>) dst(%dma_wait3A_217 : memref<128x128xf32, #tpu.memory_space<hbm>>)
    "tpu.region"() ({
      %run_scoped3A = tpu.sem_alloc : memref<!tpu.dma_semaphore, #tpu.memory_space<semaphore_mem>>
      %dma_start3A_261 = arith.constant 0 : i32
      %dma_start3A_262 = arith.constant 0 : i32
      %dma_start3A_263 = tpu.memref_slice %arg9[%dma_start3A_261, %dma_start3A_262] : memref<128x128xf32, #tpu.memory_space<vmem>> -> memref<128x128xf32, #tpu.memory_space<vmem>>
      %dma_start3A_264 = arith.constant 0 : i32
      %dma_start3A_265 = tpu.memref_slice %arg12[%add3A_206, %dma_start3A_264] : memref<10000x128xf32, #tpu.memory_space<vmem_shared>> -> memref<128x128xf32, #tpu.memory_space<vmem_shared>>
      %dma_start3A_266 = arith.constant 0 : i32
      %dma_start3A_267 = arith.constant 0 : i32
      %dma_start3A_268 = tpu.memref_slice %arg9[%dma_start3A_266, %dma_start3A_267] : memref<128x128xf32, #tpu.memory_space<vmem>> -> memref<128x128xf32, #tpu.memory_space<vmem>>
      %dma_start3A_269 = arith.constant 0 : i32
      %dma_start3A_270 = tpu.memref_slice %arg12[%add3A_206, %dma_start3A_269] : memref<10000x128xf32, #tpu.memory_space<vmem_shared>> -> memref<128x128xf32, #tpu.memory_space<vmem_shared>>
      tpu.enqueue_dma source(%dma_start3A_270 : memref<128x128xf32, #tpu.memory_space<vmem_shared>>) target(%dma_start3A_268 : memref<128x128xf32, #tpu.memory_space<vmem>>) target_semaphore(%run_scoped3A : memref<!tpu.dma_semaphore, #tpu.memory_space<semaphore_mem>>)
      %dma_wait3A_271 = arith.constant 0 : i32
      %dma_wait3A_272 = arith.constant 0 : i32
      %dma_wait3A_273 = tpu.memref_slice %arg9[%dma_wait3A_271, %dma_wait3A_272] : memref<128x128xf32, #tpu.memory_space<vmem>> -> memref<128x128xf32, #tpu.memory_space<vmem>>
      %dma_wait3A_274 = arith.constant 0 : i32
      %dma_wait3A_275 = tpu.memref_slice %arg12[%add3A_206, %dma_wait3A_274] : memref<10000x128xf32, #tpu.memory_space<vmem_shared>> -> memref<128x128xf32, #tpu.memory_space<vmem_shared>>
      %dma_wait3A_276 = arith.constant 0 : i32
      %dma_wait3A_277 = arith.constant 0 : i32
      %dma_wait3A_278 = tpu.memref_slice %arg9[%dma_wait3A_276, %dma_wait3A_277] : memref<128x128xf32, #tpu.memory_space<vmem>> -> memref<128x128xf32, #tpu.memory_space<vmem>>
      %dma_wait3A_279 = arith.constant 0 : i32
      %dma_wait3A_280 = tpu.memref_slice %arg12[%add3A_206, %dma_wait3A_279] : memref<10000x128xf32, #tpu.memory_space<vmem_shared>> -> memref<128x128xf32, #tpu.memory_space<vmem_shared>>
      tpu.wait_dma2 semaphore(%run_scoped3A : memref<!tpu.dma_semaphore, #tpu.memory_space<semaphore_mem>>) src(%dma_wait3A_280 : memref<128x128xf32, #tpu.memory_space<vmem_shared>>) dst(%dma_wait3A_278 : memref<128x128xf32, #tpu.memory_space<vmem>>)
      tpu.yield
    }) : () -> ()
    %dma_start3A_221 = arith.constant 0 : i32
    %dma_start3A_222 = arith.constant 0 : i32
    %dma_start3A_223 = tpu.memref_slice %arg9[%dma_start3A_221, %dma_start3A_222] : memref<128x128xf32, #tpu.memory_space<vmem>> -> memref<128x128xf32, #tpu.memory_space<vmem>>
    %dma_start3A_224 = arith.constant 0 : i32
    %dma_start3A_225 = tpu.memref_slice %arg4[%arg0, %add3A_206, %dma_start3A_224] : memref<2x10000x128xf32, #tpu.memory_space<hbm>> -> memref<1x128x128xf32, #tpu.memory_space<hbm>>
    %dma_start3A_226 = tpu.memref_squeeze %dma_start3A_225 : memref<1x128x128xf32, #tpu.memory_space<hbm>> -> memref<128x128xf32, #tpu.memory_space<hbm>>
    %dma_start3A_227 = arith.constant 0 : i32
    %dma_start3A_228 = tpu.memref_slice %arg4[%arg0, %add3A_206, %dma_start3A_227] : memref<2x10000x128xf32, #tpu.memory_space<hbm>> -> memref<1x128x128xf32, #tpu.memory_space<hbm>>
    %dma_start3A_229 = tpu.memref_squeeze %dma_start3A_228 : memref<1x128x128xf32, #tpu.memory_space<hbm>> -> memref<128x128xf32, #tpu.memory_space<hbm>>
    %dma_start3A_230 = arith.constant 0 : i32
    %dma_start3A_231 = arith.constant 0 : i32
    %dma_start3A_232 = tpu.memref_slice %arg9[%dma_start3A_230, %dma_start3A_231] : memref<128x128xf32, #tpu.memory_space<vmem>> -> memref<128x128xf32, #tpu.memory_space<vmem>>
    tpu.enqueue_dma source(%dma_start3A_232 : memref<128x128xf32, #tpu.memory_space<vmem>>) target(%dma_start3A_229 : memref<128x128xf32, #tpu.memory_space<hbm>>) target_semaphore(%arg13 : memref<!tpu.dma_semaphore, #tpu.memory_space<semaphore_mem>>)
    %add3A_233 = arith.constant 384 : i32
    %add3A_234 = arith.addi %mul3A_100, %add3A_233 : i32
    %dma_wait3A_235 = arith.constant 0 : i32
    %dma_wait3A_236 = arith.constant 0 : i32
    %dma_wait3A_237 = tpu.memref_slice %arg10[%dma_wait3A_235, %dma_wait3A_236] : memref<128x128xf32, #tpu.memory_space<vmem>> -> memref<128x128xf32, #tpu.memory_space<vmem>>
    %dma_wait3A_238 = arith.constant 0 : i32
    %dma_wait3A_239 = tpu.memref_slice %arg4[%arg0, %add3A_234, %dma_wait3A_238] : memref<2x10000x128xf32, #tpu.memory_space<hbm>> -> memref<1x128x128xf32, #tpu.memory_space<hbm>>
    %dma_wait3A_240 = tpu.memref_squeeze %dma_wait3A_239 : memref<1x128x128xf32, #tpu.memory_space<hbm>> -> memref<128x128xf32, #tpu.memory_space<hbm>>
    %dma_wait3A_241 = arith.constant 0 : i32
    %dma_wait3A_242 = tpu.memref_slice %arg4[%arg0, %add3A_234, %dma_wait3A_241] : memref<2x10000x128xf32, #tpu.memory_space<hbm>> -> memref<1x128x128xf32, #tpu.memory_space<hbm>>
    %dma_wait3A_243 = tpu.memref_squeeze %dma_wait3A_242 : memref<1x128x128xf32, #tpu.memory_space<hbm>> -> memref<128x128xf32, #tpu.memory_space<hbm>>
    %dma_wait3A_244 = arith.constant 0 : i32
    %dma_wait3A_245 = arith.constant 0 : i32
    %dma_wait3A_246 = tpu.memref_slice %arg10[%dma_wait3A_244, %dma_wait3A_245] : memref<128x128xf32, #tpu.memory_space<vmem>> -> memref<128x128xf32, #tpu.memory_space<vmem>>
    tpu.wait_dma2 semaphore(%arg14 : memref<!tpu.dma_semaphore, #tpu.memory_space<semaphore_mem>>) src(%dma_wait3A_246 : memref<128x128xf32, #tpu.memory_space<vmem>>) dst(%dma_wait3A_243 : memref<128x128xf32, #tpu.memory_space<hbm>>)
    %add3A_247 = arith.constant 512 : i32
    %add3A_248 = arith.addi %mul3A_100, %add3A_247 : i32
    %dma_wait3A_249 = arith.constant 0 : i32
    %dma_wait3A_250 = arith.constant 0 : i32
    %dma_wait3A_251 = tpu.memref_slice %arg9[%dma_wait3A_249, %dma_wait3A_250] : memref<128x128xf32, #tpu.memory_space<vmem>> -> memref<128x128xf32, #tpu.memory_space<vmem>>
    %dma_wait3A_252 = arith.constant 0 : i32
    %dma_wait3A_253 = tpu.memref_slice %arg4[%arg0, %add3A_248, %dma_wait3A_252] : memref<2x10000x128xf32, #tpu.memory_space<hbm>> -> memref<1x128x128xf32, #tpu.memory_space<hbm>>
    %dma_wait3A_254 = tpu.memref_squeeze %dma_wait3A_253 : memref<1x128x128xf32, #tpu.memory_space<hbm>> -> memref<128x128xf32, #tpu.memory_space<hbm>>
    %dma_wait3A_255 = arith.constant 0 : i32
    %dma_wait3A_256 = tpu.memref_slice %arg4[%arg0, %add3A_248, %dma_wait3A_255] : memref<2x10000x128xf32, #tpu.memory_space<hbm>> -> memref<1x128x128xf32, #tpu.memory_space<hbm>>
    %dma_wait3A_257 = tpu.memref_squeeze %dma_wait3A_256 : memref<1x128x128xf32, #tpu.memory_space<hbm>> -> memref<128x128xf32, #tpu.memory_space<hbm>>
    %dma_wait3A_258 = arith.constant 0 : i32
    %dma_wait3A_259 = arith.constant 0 : i32
    %dma_wait3A_260 = tpu.memref_slice %arg9[%dma_wait3A_258, %dma_wait3A_259] : memref<128x128xf32, #tpu.memory_space<vmem>> -> memref<128x128xf32, #tpu.memory_space<vmem>>
    tpu.wait_dma2 semaphore(%arg13 : memref<!tpu.dma_semaphore, #tpu.memory_space<semaphore_mem>>) src(%dma_wait3A_260 : memref<128x128xf32, #tpu.memory_space<vmem>>) dst(%dma_wait3A_257 : memref<128x128xf32, #tpu.memory_space<hbm>>)
    return
  }
}

module attributes {stable_mosaic.version = 14 : i64} {
  func.func @body(%arg0: i32, %arg1: memref<2x1000x128xf32, #tpu.memory_space<vmem>>, %arg2: memref<1000x128xf32, #tpu.memory_space<vmem>>, %arg3: memref<1000x128xf32, #tpu.memory_space<vmem>>, %arg4: memref<128x128xf32, #tpu.memory_space<vmem>>, %arg5: memref<128x128xf32, #tpu.memory_space<vmem>>, %arg6: memref<1x128xf32, #tpu.memory_space<vmem>>, %arg7: memref<1000x128xf32, #tpu.memory_space<vmem>>) attributes {dimension_semantics = [#tpu.dimension_semantics<arbitrary>], iteration_bounds = array<i64: 10>, scalar_prefetch = 0 : i64, scratch_operands = 0 : i64, tpu.core_type = #tpu.core_type<tc>, window_params = [{transform_indices = @transform_0, window_bounds = array<i64: 2, 1000, 128>}, {transform_indices = @transform_1, window_bounds = array<i64: 1000, 128>}, {transform_indices = @transform_2, window_bounds = array<i64: 1000, 128>}, {pipeline_mode = #tpu.pipeline_mode<synchronous>, transform_indices = @transform_3, window_bounds = array<i64: 128, 128>}, {pipeline_mode = #tpu.pipeline_mode<synchronous>, transform_indices = @transform_4, window_bounds = array<i64: 128, 128>}, {pipeline_mode = #tpu.pipeline_mode<synchronous>, transform_indices = @transform_5, window_bounds = array<i64: 1, 128>}, {transform_indices = @transform_6, window_bounds = array<i64: 1000, 128>}]} {
    %get3A = arith.constant 0 : index
    %get3A_0 = arith.constant 0 : index
    %get3A_1 = arith.constant 0 : index
    %get3A_2 = vector.load %arg1[%get3A, %get3A_0, %get3A_1] : memref<2x1000x128xf32, #tpu.memory_space<vmem>>, vector<1x1000x128xf32>
    %get3A_3 = vector.shape_cast %get3A_2 : vector<1x1000x128xf32> to vector<1000x128xf32>
    %get3A_4 = arith.constant 1 : index
    %get3A_5 = arith.constant 0 : index
    %get3A_6 = arith.constant 0 : index
    %get3A_7 = vector.load %arg1[%get3A_4, %get3A_5, %get3A_6] : memref<2x1000x128xf32, #tpu.memory_space<vmem>>, vector<1x1000x128xf32>
    %get3A_8 = vector.shape_cast %get3A_7 : vector<1x1000x128xf32> to vector<1000x128xf32>
    %add3A = arith.addf %get3A_3, %get3A_8 : vector<1000x128xf32>
    %get3A_9 = arith.constant 0 : index
    %get3A_10 = arith.constant 0 : index
    %get3A_11 = vector.load %arg2[%get3A_9, %get3A_10] : memref<1000x128xf32, #tpu.memory_space<vmem>>, vector<1000x128xf32>
    %mul3A = arith.mulf %add3A, %get3A_11 : vector<1000x128xf32>
    %get3A_12 = arith.constant 0 : index
    %get3A_13 = arith.constant 0 : index
    %get3A_14 = vector.load %arg4[%get3A_12, %get3A_13] : memref<128x128xf32, #tpu.memory_space<vmem>>, vector<128x128xf32>
    %dot_general3A = arith.constant dense<0.000000e+00> : vector<1000x128xf32>
    %dot_general3A_15 = tpu.matmul %mul3A, %get3A_14, %dot_general3A {dimension_numbers = #tpu.dot_dimension_numbers<[1], [1], [0], [0], [0, 0, 1, 0], [], []>, transpose_lhs_hint = false} : vector<1000x128xf32>, vector<128x128xf32>, vector<1000x128xf32> -> vector<1000x128xf32>
    %get3A_16 = arith.constant 0 : index
    %get3A_17 = arith.constant 0 : index
    %get3A_18 = vector.load %arg3[%get3A_16, %get3A_17] : memref<1000x128xf32, #tpu.memory_space<vmem>>, vector<1000x128xf32>
    %get3A_19 = arith.constant 0 : index
    %get3A_20 = arith.constant 0 : index
    %get3A_21 = vector.load %arg5[%get3A_19, %get3A_20] : memref<128x128xf32, #tpu.memory_space<vmem>>, vector<128x128xf32>
    %dot_general3A_22 = arith.constant dense<0.000000e+00> : vector<1000x128xf32>
    %dot_general3A_23 = tpu.matmul %get3A_18, %get3A_21, %dot_general3A_22 {dimension_numbers = #tpu.dot_dimension_numbers<[1], [1], [0], [0], [0, 0, 1, 0], [], []>, transpose_lhs_hint = false} : vector<1000x128xf32>, vector<128x128xf32>, vector<1000x128xf32> -> vector<1000x128xf32>
    %add3A_24 = arith.addf %dot_general3A_15, %dot_general3A_23 : vector<1000x128xf32>
    %get3A_25 = arith.constant 0 : index
    %get3A_26 = arith.constant 0 : index
    %get3A_27 = vector.load %arg6[%get3A_25, %get3A_26] : memref<1x128xf32, #tpu.memory_space<vmem>>, vector<1x128xf32>
    %add3A_28 = vector.broadcast %get3A_27 : vector<1x128xf32> to vector<1000x128xf32>
    %add3A_29 = arith.addf %add3A_24, %add3A_28 : vector<1000x128xf32>
    %swap3A = arith.constant 0 : index
    %swap3A_30 = arith.constant 0 : index
    %swap3A_31 = vector.load %arg7[%swap3A, %swap3A_30] : memref<1000x128xf32, #tpu.memory_space<vmem>>, vector<1000x128xf32>
    tpu.vector_store %arg7[%swap3A, %swap3A_30], %add3A_29 {strides = array<i32>} : memref<1000x128xf32, #tpu.memory_space<vmem>>, vector<1000x128xf32>,
    return
  }
  func.func @transform_0(%arg0: i32) -> (i32, i32, i32) {
    %c0_i32 = arith.constant 0 : i32
    %c0_i32_0 = arith.constant 0 : i32
    %c0_i32_1 = arith.constant 0 : i32
    return %c0_i32, %arg0, %c0_i32_0 : i32, i32, i32
  }
  func.func @transform_1(%arg0: i32) -> (i32, i32) {
    %c0_i32 = arith.constant 0 : i32
    %c0_i32_0 = arith.constant 0 : i32
    return %arg0, %c0_i32 : i32, i32
  }
  func.func @transform_2(%arg0: i32) -> (i32, i32) {
    %c0_i32 = arith.constant 0 : i32
    %c0_i32_0 = arith.constant 0 : i32
    return %arg0, %c0_i32 : i32, i32
  }
  func.func @transform_3(%arg0: i32) -> (i32, i32) {
    %c0_i32 = arith.constant 0 : i32
    %c0_i32_0 = arith.constant 0 : i32
    %c0_i32_1 = arith.constant 0 : i32
    return %c0_i32, %c0_i32_0 : i32, i32
  }
  func.func @transform_4(%arg0: i32) -> (i32, i32) {
    %c0_i32 = arith.constant 0 : i32
    %c0_i32_0 = arith.constant 0 : i32
    %c0_i32_1 = arith.constant 0 : i32
    return %c0_i32, %c0_i32_0 : i32, i32
  }
  func.func @transform_5(%arg0: i32) -> (i32, i32) {
    %c0_i32 = arith.constant 0 : i32
    %c0_i32_0 = arith.constant 0 : i32
    %c0_i32_1 = arith.constant 0 : i32
    return %c0_i32, %c0_i32_0 : i32, i32
  }
  func.func @transform_6(%arg0: i32) -> (i32, i32) {
    %c0_i32 = arith.constant 0 : i32
    %c0_i32_0 = arith.constant 0 : i32
    return %arg0, %c0_i32 : i32, i32
  }
}

module attributes {stable_mosaic.version = 14 : i64} {
  func.func @body(%arg0: i32, %arg1: memref<2x1000x128xf32, #tpu.memory_space<vmem>>, %arg2: memref<1000x128xf32, #tpu.memory_space<vmem>>, %arg3: memref<1000x128xf32, #tpu.memory_space<vmem>>, %arg4: memref<128x128xf32, #tpu.memory_space<vmem>>, %arg5: memref<128x128xf32, #tpu.memory_space<vmem>>, %arg6: memref<1x128xf32, #tpu.memory_space<vmem>>, %arg7: memref<1x128xf32, #tpu.memory_space<vmem>>, %arg8: memref<1x128xf32, #tpu.memory_space<vmem>>, %arg9: memref<1x128xf32, #tpu.memory_space<vmem>>, %arg10: memref<1x128xf32, #tpu.memory_space<vmem>>, %arg11: memref<1000x128xf32, #tpu.memory_space<vmem>>) attributes {dimension_semantics = [#tpu.dimension_semantics<arbitrary>], iteration_bounds = array<i64: 10>, scalar_prefetch = 0 : i64, scratch_operands = 0 : i64, tpu.core_type = #tpu.core_type<tc>, window_params = [{transform_indices = @transform_0, window_bounds = array<i64: 2, 1000, 128>}, {transform_indices = @transform_1, window_bounds = array<i64: 1000, 128>}, {transform_indices = @transform_2, window_bounds = array<i64: 1000, 128>}, {pipeline_mode = #tpu.pipeline_mode<synchronous>, transform_indices = @transform_3, window_bounds = array<i64: 128, 128>}, {pipeline_mode = #tpu.pipeline_mode<synchronous>, transform_indices = @transform_4, window_bounds = array<i64: 128, 128>}, {pipeline_mode = #tpu.pipeline_mode<synchronous>, transform_indices = @transform_5, window_bounds = array<i64: 1, 128>}, {pipeline_mode = #tpu.pipeline_mode<synchronous>, transform_indices = @transform_6, window_bounds = array<i64: 1, 128>}, {pipeline_mode = #tpu.pipeline_mode<synchronous>, transform_indices = @transform_7, window_bounds = array<i64: 1, 128>}, {pipeline_mode = #tpu.pipeline_mode<synchronous>, transform_indices = @transform_8, window_bounds = array<i64: 1, 128>}, {pipeline_mode = #tpu.pipeline_mode<synchronous>, transform_indices = @transform_9, window_bounds = array<i64: 1, 128>}, {transform_indices = @transform_10, window_bounds = array<i64: 1000, 128>}]} {
    %get3A = arith.constant 0 : index
    %get3A_0 = arith.constant 0 : index
    %get3A_1 = arith.constant 0 : index
    %get3A_2 = vector.load %arg1[%get3A, %get3A_0, %get3A_1] : memref<2x1000x128xf32, #tpu.memory_space<vmem>>, vector<1x1000x128xf32>
    %get3A_3 = vector.shape_cast %get3A_2 : vector<1x1000x128xf32> to vector<1000x128xf32>
    %get3A_4 = arith.constant 1 : index
    %get3A_5 = arith.constant 0 : index
    %get3A_6 = arith.constant 0 : index
    %get3A_7 = vector.load %arg1[%get3A_4, %get3A_5, %get3A_6] : memref<2x1000x128xf32, #tpu.memory_space<vmem>>, vector<1x1000x128xf32>
    %get3A_8 = vector.shape_cast %get3A_7 : vector<1x1000x128xf32> to vector<1000x128xf32>
    %add3A = arith.addf %get3A_3, %get3A_8 : vector<1000x128xf32>
    %get3A_9 = arith.constant 0 : index
    %get3A_10 = arith.constant 0 : index
    %get3A_11 = vector.load %arg2[%get3A_9, %get3A_10] : memref<1000x128xf32, #tpu.memory_space<vmem>>, vector<1000x128xf32>
    %mul3A = arith.mulf %add3A, %get3A_11 : vector<1000x128xf32>
    %get3A_12 = arith.constant 0 : index
    %get3A_13 = arith.constant 0 : index
    %get3A_14 = vector.load %arg4[%get3A_12, %get3A_13] : memref<128x128xf32, #tpu.memory_space<vmem>>, vector<128x128xf32>
    %dot_general3A = arith.constant dense<0.000000e+00> : vector<1000x128xf32>
    %dot_general3A_15 = tpu.matmul %mul3A, %get3A_14, %dot_general3A {dimension_numbers = #tpu.dot_dimension_numbers<[1], [1], [0], [0], [0, 0, 1, 0], [], []>, transpose_lhs_hint = false} : vector<1000x128xf32>, vector<128x128xf32>, vector<1000x128xf32> -> vector<1000x128xf32>
    %get3A_16 = arith.constant 0 : index
    %get3A_17 = arith.constant 0 : index
    %get3A_18 = vector.load %arg3[%get3A_16, %get3A_17] : memref<1000x128xf32, #tpu.memory_space<vmem>>, vector<1000x128xf32>
    %get3A_19 = arith.constant 0 : index
    %get3A_20 = arith.constant 0 : index
    %get3A_21 = vector.load %arg5[%get3A_19, %get3A_20] : memref<128x128xf32, #tpu.memory_space<vmem>>, vector<128x128xf32>
    %dot_general3A_22 = arith.constant dense<0.000000e+00> : vector<1000x128xf32>
    %dot_general3A_23 = tpu.matmul %get3A_18, %get3A_21, %dot_general3A_22 {dimension_numbers = #tpu.dot_dimension_numbers<[1], [1], [0], [0], [0, 0, 1, 0], [], []>, transpose_lhs_hint = false} : vector<1000x128xf32>, vector<128x128xf32>, vector<1000x128xf32> -> vector<1000x128xf32>
    %add3A_24 = arith.addf %dot_general3A_15, %dot_general3A_23 : vector<1000x128xf32>
    %get3A_25 = arith.constant 0 : index
    %get3A_26 = arith.constant 0 : index
    %get3A_27 = vector.load %arg7[%get3A_25, %get3A_26] : memref<1x128xf32, #tpu.memory_space<vmem>>, vector<1x128xf32>
    %get3A_28 = arith.constant 0 : index
    %get3A_29 = arith.constant 0 : index
    %get3A_30 = vector.load %arg10[%get3A_28, %get3A_29] : memref<1x128xf32, #tpu.memory_space<vmem>>, vector<1x128xf32>
    %add3A_31 = arith.constant 9.99999974E-6 : f32
    %add3A_32 = vector.broadcast %add3A_31 : f32 to vector<1x128xf32>
    %add3A_33 = arith.addf %get3A_30, %add3A_32 : vector<1x128xf32>
    %rsqrt3A = math.rsqrt %add3A_33 : vector<1x128xf32>
    %mul3A_34 = arith.mulf %get3A_27, %rsqrt3A : vector<1x128xf32>
    %get3A_35 = arith.constant 0 : index
    %get3A_36 = arith.constant 0 : index
    %get3A_37 = vector.load %arg6[%get3A_35, %get3A_36] : memref<1x128xf32, #tpu.memory_space<vmem>>, vector<1x128xf32>
    %add3A_38 = vector.broadcast %get3A_37 : vector<1x128xf32> to vector<1000x128xf32>
    %add3A_39 = arith.addf %add3A_24, %add3A_38 : vector<1000x128xf32>
    %get3A_40 = arith.constant 0 : index
    %get3A_41 = arith.constant 0 : index
    %get3A_42 = vector.load %arg9[%get3A_40, %get3A_41] : memref<1x128xf32, #tpu.memory_space<vmem>>, vector<1x128xf32>
    %sub3A = vector.broadcast %get3A_42 : vector<1x128xf32> to vector<1000x128xf32>
    %sub3A_43 = arith.subf %add3A_39, %sub3A : vector<1000x128xf32>
    %mul3A_44 = vector.broadcast %mul3A_34 : vector<1x128xf32> to vector<1000x128xf32>
    %mul3A_45 = arith.mulf %sub3A_43, %mul3A_44 : vector<1000x128xf32>
    %get3A_46 = arith.constant 0 : index
    %get3A_47 = arith.constant 0 : index
    %get3A_48 = vector.load %arg8[%get3A_46, %get3A_47] : memref<1x128xf32, #tpu.memory_space<vmem>>, vector<1x128xf32>
    %add3A_49 = vector.broadcast %get3A_48 : vector<1x128xf32> to vector<1000x128xf32>
    %add3A_50 = arith.addf %mul3A_45, %add3A_49 : vector<1000x128xf32>
    %max3A = arith.constant 0.000000e+00 : f32
    %max3A_51 = vector.broadcast %max3A : f32 to vector<1000x128xf32>
    %max3A_52 = arith.maximumf %add3A_50, %max3A_51 : vector<1000x128xf32>
    %swap3A = arith.constant 0 : index
    %swap3A_53 = arith.constant 0 : index
    %swap3A_54 = vector.load %arg11[%swap3A, %swap3A_53] : memref<1000x128xf32, #tpu.memory_space<vmem>>, vector<1000x128xf32>
    tpu.vector_store %arg11[%swap3A, %swap3A_53], %max3A_52 {strides = array<i32>} : memref<1000x128xf32, #tpu.memory_space<vmem>>, vector<1000x128xf32>,
    return
  }
  func.func @transform_0(%arg0: i32) -> (i32, i32, i32) {
    %c0_i32 = arith.constant 0 : i32
    %c0_i32_0 = arith.constant 0 : i32
    %c0_i32_1 = arith.constant 0 : i32
    return %c0_i32, %arg0, %c0_i32_0 : i32, i32, i32
  }
  func.func @transform_1(%arg0: i32) -> (i32, i32) {
    %c0_i32 = arith.constant 0 : i32
    %c0_i32_0 = arith.constant 0 : i32
    return %arg0, %c0_i32 : i32, i32
  }
  func.func @transform_2(%arg0: i32) -> (i32, i32) {
    %c0_i32 = arith.constant 0 : i32
    %c0_i32_0 = arith.constant 0 : i32
    return %arg0, %c0_i32 : i32, i32
  }
  func.func @transform_3(%arg0: i32) -> (i32, i32) {
    %c0_i32 = arith.constant 0 : i32
    %c0_i32_0 = arith.constant 0 : i32
    %c0_i32_1 = arith.constant 0 : i32
    return %c0_i32, %c0_i32_0 : i32, i32
  }
  func.func @transform_4(%arg0: i32) -> (i32, i32) {
    %c0_i32 = arith.constant 0 : i32
    %c0_i32_0 = arith.constant 0 : i32
    %c0_i32_1 = arith.constant 0 : i32
    return %c0_i32, %c0_i32_0 : i32, i32
  }
  func.func @transform_5(%arg0: i32) -> (i32, i32) {
    %c0_i32 = arith.constant 0 : i32
    %c0_i32_0 = arith.constant 0 : i32
    %c0_i32_1 = arith.constant 0 : i32
    return %c0_i32, %c0_i32_0 : i32, i32
  }
  func.func @transform_6(%arg0: i32) -> (i32, i32) {
    %c0_i32 = arith.constant 0 : i32
    %c0_i32_0 = arith.constant 0 : i32
    %c0_i32_1 = arith.constant 0 : i32
    return %c0_i32, %c0_i32_0 : i32, i32
  }
  func.func @transform_7(%arg0: i32) -> (i32, i32) {
    %c0_i32 = arith.constant 0 : i32
    %c0_i32_0 = arith.constant 0 : i32
    %c0_i32_1 = arith.constant 0 : i32
    return %c0_i32, %c0_i32_0 : i32, i32
  }
  func.func @transform_8(%arg0: i32) -> (i32, i32) {
    %c0_i32 = arith.constant 0 : i32
    %c0_i32_0 = arith.constant 0 : i32
    %c0_i32_1 = arith.constant 0 : i32
    return %c0_i32, %c0_i32_0 : i32, i32
  }
  func.func @transform_9(%arg0: i32) -> (i32, i32) {
    %c0_i32 = arith.constant 0 : i32
    %c0_i32_0 = arith.constant 0 : i32
    %c0_i32_1 = arith.constant 0 : i32
    return %c0_i32, %c0_i32_0 : i32, i32
  }
  func.func @transform_10(%arg0: i32) -> (i32, i32) {
    %c0_i32 = arith.constant 0 : i32
    %c0_i32_0 = arith.constant 0 : i32
    return %arg0, %c0_i32 : i32, i32
  }
}

</mosaic_0001>

<sc_bundles>
// kernel: kernel.6.cloned.1.call-start
scs
__scs_entry_jumppad:
0x0: {  	(pc) =	sbr.rel $0x88, $3  }
0x1: {  	(tag) =	ssettag $0x0;
	lr =	simm.s32 $0x1  }
0x2: {  	[smem:$0x3F95] =	sst lr;
	_ =	strace $0xD0000000  }
0x3: {  	_ = 	snop  }
0x4: {  	_ = 	snop  }
0x5: {  	_ = 	snop  }
0x6: {  	_ = 	snop  }
0x7: {  	_ = 	snop  }
__scs_overlays_trampoline_lowered:
0x8: {  	[smem:$0x3FA4] =	sst s0  }
0x9: {  	[smem:$0x3FA5] =	sst s1  }
0xa: {  	[smem:$0x3FA6] =	sst s2  }
0xb: {  	[smem:$0x3FA7] =	sst s3  }
0xc: {  	[smem:$0x3FA8] =	sst s4  }
0xd: {  	[smem:$0x3FA9] =	sst s5  }
0xe: {  	[smem:$0x3FAA] =	sst s6  }
0xf: {  	[smem:$0x3FAB] =	sst s7  }
0x10: {  	[smem:$0x3FAC] =	sst s8  }
0x11: {  	[smem:$0x3FAD] =	sst s9;
	s0 =	simm.s32 @!p0 $0x0  }
0x12: {  	s1 =	sld [smem:$0x3F93];
	s0 =	simm.s32 @p0 $0x1  }
0x13: {  	[smem:$0x3FAE] =	sst s0;
	s0 =	simm.s32 @!p1 $0x0  }
0x14: {  	s2 =	sld [smem:$0x3F92];
	s0 =	simm.s32 @p1 $0x1  }
0x15: {  	[smem:$0x3FAF] =	sst s0;
	s0 =	simm.s32 @!p2 $0x0  }
0x16: {  	s3 =	sld [smem:$0x3FDB];
	s0 =	simm.s32 @p2 $0x1  }
0x17: {  	s4 =	simm.s32 $0x1BF5;
	[smem:$0x3FB1] =	sst s0  }
0x18: {  	s0 =	sld [smem:$0x3F94];
	_ =	swait.ge [sflag:s4], $0x0  }
0x19: {  	s7 =	sld [smem:$0x3F95]  }
0x1a: {  	s8 =	sadd.s32 $0xFFFFE003, lr  }
0x1b: {  	s9 =	sadd.s32 $0xFFFFFEF7, lr;
	s5 =	simm.s32 $0xFFFFFFFF;
	p2 =	slt.u32 s8, $0xFFFFF086  }
0x1c: {  	p1 =	slt.u32 s9, $0xF7A;
	s5 =	simm.s32 @!p2 $0x0  }
0x1d: {  	s5 =	simm.s32 @p1 $0x1;
	p0 =	seq.s32 s7, s2  }
0x1e: {  	s7 =	smul.u32 @!p0 $0xF7A, s2;
	p2 =	seq.s32 @!p0 s5, $0x0  }
0x1f: {  	s9 =	smul.u32 $0xF7A, s1;
	s8 =	simm.s32 @!p0 $0x1BF5;
	p2 =	por !p2, p0  }
0x20: {  	[sflag:s8] =	ssyncset.s32 @!p0 $0xFFFFF086;
	s6 =	sadd.s32 @!p0 s3, s7;
	s7 =	simm.s32 @!p0 $0x108  }
0x21: {  	s3 =	sadd.s32 s3, s9;
	s6 =	sadd.s32 @!p0 $0x88, s6;
	s7 =	simm.s32 @p2 $0x1082  }
0x22: {  	[simem:s7], [sflag:s8] =	dma.local @!p0 [hbm:s6], $0xF7A  }
0x23: {  	s9 =	sor.u32 $0xD0000000, s2;
	s6 =	simm.s32 $0x108;
	_ =	swait.ge @!p0 [sflag:s8], $0x0  }
0x24: {  	s3 =	sadd.s32 $0x88, s3;
	s6 =	simm.s32 @!p1 $0x1082;
	[sflag:s4] =	ssyncset.s32 $0xFFFFF086  }
0x25: {  	[simem:s6], [sflag:s4] =	dma.local [hbm:s3], $0xF7A  }
0x26: {  	[smem:$0x3F95] =	sst s1;
	(tag) =	ssettag s2;
	_ =	strace s9  }
0x27: {  	s1 =	sld [smem:$0x3FA5]  }
0x28: {  	s2 =	sld [smem:$0x3FA6]  }
0x29: {  	s4 =	sld [smem:$0x3FA8]  }
0x2a: {  	p0 =	seq.s32 s5, $0x0;
	s5 =	sld [smem:$0x3FA9]  }
0x2b: {  	s6 =	sld [smem:$0x3FAA]  }
0x2c: {  	s7 =	sld [smem:$0x3FAB]  }
0x2d: {  	s3 =	simm.s32 $0x108;
	s8 =	sld [smem:$0x3FAC]  }
0x2e: {  	s3 =	simm.s32 @!p0 $0x1082;
	s9 =	sld [smem:$0x3FAD]  }
0x2f: {  	lr =	sadd.s32 s0, s3;
	s0 =	sld [smem:$0x3FA4]  }
0x30: {  	s3 =	sld [smem:$0x3FA7]  }
0x31: {  	[smem:$0x3FB0] =	sst s10  }
0x32: {  	s10 =	sld [smem:$0x3FAE];
	_ =	sdelay $0x3  }
0x33: {  	p0 =	seq.s32 s10, $0x1;
	s10 =	sld [smem:$0x3FB0];
	_ =	sdelay $0x3  }
0x34: {  	[smem:$0x3FB0] =	sst s10  }
0x35: {  	s10 =	sld [smem:$0x3FAF];
	_ =	sdelay $0x3  }
0x36: {  	p1 =	seq.s32 s10, $0x1;
	s10 =	sld [smem:$0x3FB0];
	_ =	sdelay $0x3  }
0x37: {  	[smem:$0x3FB0] =	sst s10  }
0x38: {  	s10 =	sld [smem:$0x3FB1]  }
0x39: {  	_ = 	snop;
	(pc) =	sbr.ind lr, $3  }
0x3a: {  	_ = 	snop  }
0x3b: {  	_ = 	snop  }
0x3c: {  	p2 =	seq.s32 s10, $0x1;
	s10 =	sld [smem:$0x3FB0]  }
0x3d: {  	_ =	shalt  }
0x3e: {  	_ =	shalt  }
0x3f: {  	_ =	shalt  }
0x40: {  	_ =	shalt  }
0x41: {  	_ =	shalt  }
0x42: {  	_ =	shalt  }
0x43: {  	_ =	shalt  }
0x44: {  	_ =	shalt  }
0x45: {  	_ =	shalt  }
0x46: {  	_ =	shalt  }
0x47: {  	_ =	shalt  }
0x48: {  	_ =	shalt  }
0x49: {  	_ =	shalt  }
0x4a: {  	_ =	shalt  }
0x4b: {  	_ =	shalt  }
0x4c: {  	_ =	shalt  }
0x4d: {  	_ =	shalt  }
0x4e: {  	_ =	shalt  }
0x4f: {  	_ =	shalt  }
0x50: {  	_ =	shalt  }
0x51: {  	_ =	shalt  }
0x52: {  	_ =	shalt  }
0x53: {  	_ =	shalt  }
0x54: {  	_ =	shalt  }
0x55: {  	_ =	shalt  }
0x56: {  	_ =	shalt  }
0x57: {  	_ =	shalt  }
0x58: {  	_ =	shalt  }
0x59: {  	_ =	shalt  }
0x5a: {  	_ =	shalt  }
0x5b: {  	_ =	shalt  }
0x5c: {  	_ =	shalt  }
0x5d: {  	_ =	shalt  }
0x5e: {  	_ =	shalt  }
0x5f: {  	_ =	shalt  }
0x60: {  	_ =	shalt  }
0x61: {  	_ =	shalt  }
0x62: {  	_ =	shalt  }
0x63: {  	_ =	shalt  }
0x64: {  	_ =	shalt  }
0x65: {  	_ =	shalt  }
0x66: {  	_ =	shalt  }
0x67: {  	_ =	shalt  }
0x68: {  	_ =	shalt  }
0x69: {  	_ =	shalt  }
0x6a: {  	_ =	shalt  }
0x6b: {  	_ =	shalt  }
0x6c: {  	_ =	shalt  }
0x6d: {  	_ =	shalt  }
0x6e: {  	_ =	shalt  }
0x6f: {  	_ =	shalt  }
0x70: {  	_ =	shalt  }
0x71: {  	_ =	shalt  }
0x72: {  	_ =	shalt  }
0x73: {  	_ =	shalt  }
0x74: {  	_ =	shalt  }
0x75: {  	_ =	shalt  }
0x76: {  	_ =	shalt  }
0x77: {  	_ =	shalt  }
0x78: {  	_ =	shalt  }
0x79: {  	_ =	shalt  }
0x7a: {  	_ =	shalt  }
0x7b: {  	_ =	shalt  }
0x7c: {  	_ =	shalt  }
0x7d: {  	_ =	shalt  }
0x7e: {  	_ =	shalt  }
0x7f: {  	_ =	shalt  }
0x80: {  	_ =	shalt  }
0x81: {  	_ =	shalt  }
0x82: {  	_ =	shalt  }
0x83: {  	_ =	shalt  }
0x84: {  	_ =	shalt  }
0x85: {  	_ =	shalt  }
0x86: {  	_ =	shalt  }
0x87: {  	_ =	shalt  }
.Lfunc_end0:
.L_simem_size_0:
called_computation_lowered:
.L_overlay_start_0:
0x88: {  	s2 =	sld [smem:$0x3FD9]  }
0x89: {  	s3 =	sld [smem:$0x3FFE];
	_ =	sdelay $0x1  }
0x8a: {  	s1 =	srdreg.scid  }
0x8b: {  	s0 =	sand.u32 $0x1, s1  }
0x8c: {  	s17 =	sshll.u32 s0, $0xA;
	s2 =	sadd.s32 s3, s2  }
0x8d: {  	s2 =	sadd.s32 s2, s17  }
0x8e: {  	[smem:$0x3FBC] =	sst s2  }
0x8f: {  	_ = 	snop  }
0x90: {  	s2 =	sld [smem:$0x3FC9]  }
0x91: {  	s18 =	sld [smem:$0x3FC8]  }
0x92: {  	s4 =	sld [smem:$0x3FD0];
	(tm) =	ssettm $0x1  }
0x93: {  	s5 =	sld [smem:$0x3FFB];
	_ =	sdelay $0x3  }
0x94: {  	_ =	strace s5  }
0x95: {  	s5 =	sld [smem:$0x3FFC];
	_ =	sdelay $0x3  }
0x96: {  	_ =	strace s5  }
0x97: {  	s5 =	sld [smem:$0x3FFD];
	_ =	sdelay $0x3  }
0x98: {  	_ =	strace s5  }
0x99: {  	_ =	strace $0x8FFFFFFF  }
0x9a: {  	s19 =	sld [smem:$0x3FDB];
	_ =	sdelay $0x1  }
0x9b: {  	s6 =	simm.s32 $_scs_section_size  }
0x9c: {  	s7 =	simm.s32 $_size__tile_overlayer_lowered;
	s8 =	simm.s32 $_tile_overlayer_lowered  }
0x9d: {  	s22 =	simm.s32 $0x1BFF;
	s21 =	sshll.u32 s8, $0x1;
	s5 =	sadd.s32 s6, s19  }
0x9e: {  	s9 =	simm.s32 $0x0;
	s20 =	sshll.u32 s7, $0x1;
	s7 =	sadd.s32 s21, s5  }
0x9f: {  	[timem:s9], [sflag:s22] =	dma.local [hbm:s7], s20  }
0xa0: {  	_ =	swait.ge [sflag:s22], s20  }
0xa1: {  	s6 =	ssub.s32 $0x0, s20;
	[sflag:s22] =	ssyncset.done $0x0  }
0xa2: {  	[sflag:s22] =	ssyncadd.s32 s6;
	_ =	sdelay $0x1  }
0xa3: {  	s23 =	simm.s32 $0x1B8B  }
0xa4: {  	_ =	swait.ge [sflag:s23], $0x1  }
0xa5: {  	[sflag:s23] =	ssyncset.done $0x0  }
0xa6: {  	s25 =	simm.s32 $0x1B8E;
	s24 =	sld [smem:$0x3FFE];
	[sflag:s23] =	ssyncadd.s32 $0xFFFFFFFF  }
0xa7: {  	s26 =	simm.s32 $execute0_lowered;
	[smem:$0x3FD2] =	sst s25  }
0xa8: {  	s7 =	sshll.u32 s26, $0x1;
	_ =	strace $0x80000046;
	[dreg:$0x1] =	wrdreg $0xFFFFFFFF  }
0xa9: {  	s28 =	simm.s32 $_size_execute0_lowered;
	s5 =	sadd.s32 s5, s7;
	[dreg:$0x0] =	wrdreg $0x0  }
0xaa: {  	s7 =	sshll.u32 s28, $0x1;
	[dreg:$0x2] =	wrdreg s5  }
0xab: {  	[dreg:$0x3] =	wrdreg s7  }
0xac: {  	[dreg:$0x4] =	wrdreg $0xC0  }
0xad: {  	_ =	task [dreg:s9], $0x5FFFF  }
0xae: {  	[dreg:$0x1] =	wrdreg $0xFFFFFFFF  }
0xaf: {  	[dreg:$0x0] =	wrdreg $0x60  }
0xb0: {  	[dreg:$0x2] =	wrdreg s2  }
0xb1: {  	[dreg:$0x3] =	wrdreg s18  }
0xb2: {  	[dreg:$0x4] =	wrdreg s24  }
0xb3: {  	[dreg:$0x5] =	wrdreg s4  }
0xb4: {  	[dreg:$0x6] =	wrdreg $0x8B000  }
0xb5: {  	[dreg:$0x7] =	wrdreg $0x1C6800  }
0xb6: {  	[dreg:$0x8] =	wrdreg $0x9  }
0xb7: {  	_ =	task.clear_ibuf [dreg:s9], $0x9FFFF;
	_ =	strace $0x90000046  }
0xb8: {  	s29 =	simm.s32 $0x9;
	_ =	strace $0x80000048  }
0xb9: {  	_ =	swait.ge [sflag:s29], $0x1  }
0xba: {  	[sflag:s29] =	ssyncadd.s32 $0xFFFFFFFF  }
0xbb: {  	_ =	strace $0x90000048  }
0xbc: {  	_ =	sfence  }
0xbd: {  	s30 =	sld [smem:$0x0];
	_ =	sdelay $0x2  }
0xbe: {  	s31 =	sshll.u32 s1, $0xD;
	s1 =	sshrl.u32 s1, $0x2  }
0xbf: {  	s3 =	sand.u32 $0x4000, s31;
	s1 =	sadd.s32 s1, s30  }
0xc0: {  	s0 =	sor.u32 s3, s0;
	s1 =	sshll.u32 s1, $0x11  }
0xc1: {  	s0 =	sor.u32 s1, s0  }
0xc2: {  	s0 =	sadd.s32 $0x8F2B, s0  }
0xc3: {  	[sflag:s0] =	ssyncadd.remote.s32 $0x1  }
0xc4: {  	_ =	sfence.sel $0xFFFF  }
0xc5: {  	[dreg:$0x0] =	wrdreg $0xFFFFFFFF;
	(pc) =	sbr.abs _section_cstart, $3  }
0xc6: {  	[dreg:$0x1] =	wrdreg $0xFFFFFFFF  }
0xc7: {  	_ =	task.clear_ibuf [dreg:s9], $0x2FFFF;
	_ =	strace $0x9FFFFFFF  }
0xc8: {  	(tm) =	ssettm $0x7FFFFFFF  }
0xc9: {  	_ =	shalt  }
tec
execute0_lowered:
.L_overlay_start_1:
0x0: {  	(tag) =	ssettag $0x1  }
0x1: {  	s0 =	rddreg [dreg:$0x0]  }
0x2: {  	s1 =	rddreg [dreg:$0x1]  }
0x3: {  	s2 =	rddreg [dreg:$0x2]  }
0x4: {  	s6 =	rddreg [dreg:$0x3];
	s4 =	srdreg.scid  }
0x5: {  	s3 =	rddreg [dreg:$0x4];
	s21 =	stileid.u32  }
0x6: {  	s5 =	simm.s32 $0x0;
	s7 =	sand.u32 $0x1, s4;
	s10 =	smul.u32 $0x270, s21  }
0x7: {  	s4 =	rddreg [dreg:$0x5];
	s15 =	smul.u32 $0x13800, s21;
	s8 =	sshll.u32 s7, $0x4  }
0x8: {  	[smem:$0x7FF] =	sst s5;
	s13 =	smul.u32 $0x138800, s7;
	s8 =	sor.u32 s21, s8  }
0x9: {  	s2 =	sadd.s32 $0x2A00, s2;
	_ =	strace $0x80000047;
	s9 =	smul.u32 $0x4E, s8  }
0xa: {  	s26 =	sshll.u32 s10, $0x7;
	s12 =	smin.u32 s8, $0x4;
	s25 =	sadd.s32 s15, s13  }
0xb: {  	s16 =	sadd.s32 $0x4000, s26;
	s17 =	sadd.s32 $0x8000, s26;
	s9 =	sadd.s32 s12, s9  }
0xc: {  	s19 =	sadd.s32 $0xC000, s26;
	s20 =	sadd.s32 s13, s16;
	s9 =	sshll.u32 s9, $0x5  }
0xd: {  	s18 =	sadd.s32 s13, s17;
	s22 =	sadd.s32 s1, s9;
	s9 =	sshrl.u32 s25, $0x3  }
0xe: {  	s24 =	sadd.s32 s13, s19;
	s9 =	sadd.s32 s2, s9;
	[dreg:$0x7] =	wrdreg s22  }
0xf: {  	s23 =	sshrl.u32 s18, $0x3;
	s18 =	sshrl.u32 s24, $0x3;
	[dreg:$0x8] =	wrdreg s9  }
0x10: {  	s9 =	sshrl.u32 s20, $0x3;
	s20 =	sadd.s32 $0x10000, s26;
	s26 =	sadd.s32 s2, s18  }
0x11: {  	s11 =	ssub.s32 $0x2, s7;
	s9 =	sadd.s32 s2, s9;
	[dreg:$0xb] =	wrdreg s26  }
0x12: {  	s25 =	smul.u32 $0x2710, s7;
	s26 =	sadd.s32 $0x20, s22;
	[dreg:$0x9] =	wrdreg s9  }
0x13: {  	s18 =	sadd.s32 s13, s20;
	s13 =	sadd.s32 $0x9C0, s22;
	[dreg:$0xe] =	wrdreg s26  }
0x14: {  	s15 =	smul.u32 $0x4E000, s21;
	s22 =	sadd.s32 s19, s3;
	[dreg:$0xf] =	wrdreg s13  }
0x15: {  	s9 =	sadd.s32 s2, s23;
	s23 =	sadd.s32 s10, s25;
	[dreg:$0x12] =	wrdreg s22  }
0x16: {  	s25 =	smul.u32 $0x4E, s21;
	s21 =	sadd.s32 s17, s3;
	[dreg:$0xa] =	wrdreg s9  }
0x17: {  	s9 =	sshrl.u32 s18, $0x3;
	s18 =	sadd.s32 s16, s3;
	[dreg:$0x11] =	wrdreg s21  }
0x18: {  	s24 =	sshrl.u32 s23, $0x3;
	s23 =	sadd.s32 s20, s3;
	[dreg:$0x10] =	wrdreg s18  }
0x19: {  	s14 =	sshrl.u32 s11, $0x1;
	s2 =	sadd.s32 s2, s9;
	[dreg:$0x13] =	wrdreg s23  }
0x1a: {  	s11 =	ssub.s32 s11, s14;
	s7 =	smul.u32 $0x4E0, s7;
	[dreg:$0xc] =	wrdreg s2  }
0x1b: {  	s2 =	sadd.s32 s6, s24;
	s6 =	sshrl.u32 s15, $0x2;
	s15 =	sadd.s32 s10, s4  }
0x1c: {  	s24 =	smax.u32 s11, $0x1;
	[dreg:$0xd] =	wrdreg s2;
	s14 =	sadd.s32 s6, s3  }
0x1d: {  	s10 =	sadd.s32 s25, s7;
	[dreg:$0x14] =	wrdreg s24;
	s25 =	sadd.s32 $0x800, s14  }
0x1e: {  	s26 =	sadd.s32 $0x1000, s14;
	[dreg:$0x15] =	wrdreg s25  }
0x1f: {  	s6 =	sadd.s32 $0x2000, s14;
	[dreg:$0x16] =	wrdreg s26  }
0x20: {  	s7 =	sadd.s32 $0x2800, s14;
	[dreg:$0x18] =	wrdreg s6  }
0x21: {  	p0 =	sgt.u32 s8, $0x3;
	s8 =	sadd.s32 $0x3000, s14;
	[dreg:$0x19] =	wrdreg s7  }
0x22: {  	s9 =	sadd.s32 $0x3800, s14;
	[dreg:$0x1a] =	wrdreg s8  }
0x23: {  	s2 =	sadd.s32 s12, s10;
	s10 =	sadd.s32 $0x4000, s14;
	[dreg:$0x1b] =	wrdreg s9  }
0x24: {  	s11 =	sadd.s32 $0x4800, s14;
	[dreg:$0x1c] =	wrdreg s10  }
0x25: {  	s12 =	sadd.s32 $0x5000, s14;
	[dreg:$0x1d] =	wrdreg s11  }
0x26: {  	s13 =	sadd.s32 $0x5800, s14;
	[dreg:$0x1e] =	wrdreg s12  }
0x27: {  	s16 =	sadd.s32 $0x6000, s14;
	[dreg:$0x1f] =	wrdreg s13  }
0x28: {  	s17 =	sadd.s32 $0x6800, s14;
	[smem:$0x7E3] =	sst s16  }
0x29: {  	s18 =	sadd.s32 $0x7000, s14;
	[smem:$0x7E4] =	sst s17  }
0x2a: {  	s19 =	sadd.s32 $0x7800, s14;
	[smem:$0x7E5] =	sst s18  }
0x2b: {  	s20 =	sadd.s32 $0x8000, s14;
	[smem:$0x7E6] =	sst s19  }
0x2c: {  	s21 =	sadd.s32 $0x8800, s14;
	[smem:$0x7E7] =	sst s20  }
0x2d: {  	s22 =	sadd.s32 $0x9000, s14;
	[smem:$0x7E8] =	sst s21  }
0x2e: {  	s2 =	sshll.u32 s2, $0x5;
	s23 =	sadd.s32 $0x9800, s14;
	[smem:$0x7E9] =	sst s22  }
0x2f: {  	s1 =	sadd.s32 s2, s1;
	s2 =	sadd.s32 $0x1800, s14;
	[smem:$0x7EA] =	sst s23  }
0x30: {  	s26 =	sadd.s32 $0xA000, s14;
	[dreg:$0x17] =	wrdreg s2  }
0x31: {  	s6 =	sadd.s32 $0xB000, s14;
	[smem:$0x7EB] =	sst s26  }
0x32: {  	s7 =	sadd.s32 $0xB800, s14;
	[smem:$0x7ED] =	sst s6  }
0x33: {  	s8 =	sadd.s32 $0xC000, s14;
	[smem:$0x7EE] =	sst s7  }
0x34: {  	s9 =	sadd.s32 $0xC800, s14;
	[smem:$0x7EF] =	sst s8  }
0x35: {  	s10 =	sadd.s32 $0xD000, s14;
	[smem:$0x7F0] =	sst s9  }
0x36: {  	s11 =	sadd.s32 $0xD800, s14;
	[smem:$0x7F1] =	sst s10  }
0x37: {  	s12 =	sadd.s32 $0xE000, s14;
	[smem:$0x7F2] =	sst s11  }
0x38: {  	s13 =	sadd.s32 $0xE800, s14;
	[smem:$0x7F3] =	sst s12  }
0x39: {  	s16 =	sadd.s32 $0xF000, s14;
	[smem:$0x7F4] =	sst s13  }
0x3a: {  	s17 =	sadd.s32 $0xF800, s14;
	[smem:$0x7F5] =	sst s16  }
0x3b: {  	s28 =	simm.s32 $0x200;
	s18 =	sadd.s32 $0x10000, s14;
	[smem:$0x7F6] =	sst s17  }
0x3c: {  	s29 =	simm.s32 $0x1C380;
	s19 =	sadd.s32 $0x10800, s14;
	[smem:$0x7F7] =	sst s18  }
0x3d: {  	s30 =	simm.s32 $0x2;
	s20 =	sadd.s32 $0x11000, s14;
	[smem:$0x7F8] =	sst s19  }
0x3e: {  	s31 =	simm.s32 $0x3;
	s21 =	sadd.s32 $0x11800, s14;
	[smem:$0x7F9] =	sst s20  }
0x3f: {  	s22 =	sadd.s32 $0x12000, s14;
	s23 =	sadd.s32 $0x12800, s14;
	[smem:$0x7FA] =	sst s21  }
0x40: {  	s24 =	sadd.s32 $0x60, s1;
	s25 =	sadd.s32 $0x40, s1;
	[smem:$0x7FB] =	sst s22  }
0x41: {  	s2 =	sadd.s32 $0xA800, s14;
	[smem:$0x7FC] =	sst s23;
	s26 =	sadd.s32 $0x13000, s14  }
0x42: {  	s6 =	sadd.s32 $0x13800, s14;
	s13 =	simm.s32 $0x8;
	s16 =	simm.s32 $0x80  }
.Ltmp0:
0x43: {  	s17 =	simm.s32 $0x300;
	s18 =	simm.s32 $0x100;
	(pc) =	sbr.rel .LBB2_1-.Ltmp0, $4  }
0x44: {  	s19 =	simm.s32 $0x8300;
	s20 =	simm.s32 $0x7;
	s21 =	simm.s32 $0x1C400  }
0x45: {  	s22 =	simm.s32 $0x1;
	s23 =	simm.s32 $0x6;
	s1 =	simm.s32 $0x280  }
0x46: {  	s7 =	simm.s32 $0x5;
	s8 =	simm.s32 $0x0;
	[smem:$0x7EC] =	sst s2  }
0x47: {  	v0 =	vimm.f32 $0.0e+00;
	v1 =	vimm.f32 $1.000000000e+00;
	[smem:$0x7FD] =	sst s26;
	s26 =	simm.s32 $0x4300;
	s2 =	simm.s32 $0x4  }
.LBB2_8:
0x48: {  	[spmem:s3] =	stream.indirect.scatter.add.f32 [tilespmem:s26], [sflag:$0x4], $0x80, s1, s16, $0xb8;
	[tilespmem:$0x1C8F8] =	vst v63  }
0x49: {  	_ = 	snop  }
0x4a: {  	[spmem:s4] =	stream.indirect.scatter.add.f32 [tilespmem:s29], [sflag:$0x4], $0x1, s1, s16, $0xb8;
	[tilespmem:$0x1C8F8] =	vst v63  }
0x4b: {  	_ =	swait.ge [sflag:s2], $0x4000  }
0x4c: {  	[sflag:s2] =	ssyncset.done $0x0  }
0x4d: {  	[sflag:s2] =	ssyncadd.s32 $0xFFFFC000  }
0x4e: {  	_ =	swait.ge [sflag:s2], $0x80  }
0x4f: {  	[sflag:s2] =	ssyncset.done $0x0  }
0x50: {  	s9 =	simm.s32 @!p0 $0x0;
	s10 =	rddreg [dreg:$0xf];
	[sflag:s2] =	ssyncadd.s32 $0xFFFFFF80  }
0x51: {  	[tilespmem:s9], [sflag:$0x8] =	stream.linear.gather @!p0 [hbm4b:s10+s9], $0x100, $0x38;
	[tilespmem:$0x1C8F8] =	vst v63  }
0x52: {  	s10 =	simm.s32 @!p0 $0x8  }
0x53: {  	_ =	swait.ge @!p0 [sflag:s10], $0x100  }
0x54: {  	[sflag:s10] =	ssyncset.done @!p0 $0x0  }
0x55: {  	[sflag:s10] =	ssyncadd.s32 @!p0 $0xFFFFFF00  }
0x56: {  	v2 =	vld @!p0 [tilespmem:$0x80]  }
0x57: {  	v3 =	vld @!p0 [tilespmem:$0x90]  }
0x58: {  	v4 =	vld @!p0 [tilespmem:$0xA0]  }
0x59: {  	v5 =	vld @!p0 [tilespmem:$0xB0]  }
0x5a: {  	v6 =	vld @!p0 [tilespmem:$0xC0]  }
0x5b: {  	[tilespmem:$0x200] =	vst @!p0 v2;
	v2 =	vld @!p0 [tilespmem:$0xD0]  }
0x5c: {  	[tilespmem:$0x210] =	vst @!p0 v3;
	v3 =	vld @!p0 [tilespmem:$0xE0]  }
0x5d: {  	[tilespmem:$0x220] =	vst @!p0 v4;
	v4 =	vld @!p0 [tilespmem:$0xF0]  }
0x5e: {  	[tilespmem:$0x230] =	vst @!p0 v5  }
0x5f: {  	[tilespmem:$0x240] =	vst @!p0 v6  }
0x60: {  	[tilespmem:$0x250] =	vst @!p0 v2  }
0x61: {  	[tilespmem:$0x260] =	vst @!p0 v3  }
0x62: {  	s11 =	simm.s32 @!p0 $0x80;
	s12 =	simm.s32 @!p0 $0x300;
	[tilespmem:$0x270] =	vst @!p0 v4  }
0x63: {  	[tilespmem:s12], [sflag:$0x1] =	stream.indirect.gather @!p0 [hbm4b:s0+s11], $0x80, s9, s11, $0xb8;
	[tilespmem:$0x1C8F8] =	vst v63  }
0x64: {  	s9 =	simm.s32 @!p0 $0x1  }
0x65: {  	_ =	swait.ge @!p0 [sflag:s9], $0x4000  }
0x66: {  	[sflag:s9] =	ssyncset.done @!p0 $0x0  }
0x67: {  	[sflag:s9] =	ssyncadd.s32 @!p0 $0xFFFFC000;
	s9 =	simm.s32 @!p0 $0x200  }
0x68: {  	[spmem:s3] =	stream.indirect.scatter.add.f32 @!p0 [tilespmem:s12], [sflag:$0x8], $0x80, s9, s11, $0xb8;
	[tilespmem:$0x1C8F8] =	vst v63  }
0x69: {  	_ =	swait.ge @!p0 [sflag:s10], $0x4000  }
0x6a: {  	[sflag:s10] =	ssyncset.done @!p0 $0x0  }
0x6b: {  	s12 =	simm.s32 @!p0 $0x1C380;
	[sflag:s10] =	ssyncadd.s32 @!p0 $0xFFFFC000  }
0x6c: {  	[spmem:s4] =	stream.indirect.scatter.add.f32 @!p0 [tilespmem:s12], [sflag:$0x8], $0x1, s9, s11, $0xb8;
	[tilespmem:$0x1C8F8] =	vst v63  }
0x6d: {  	_ =	swait.ge @!p0 [sflag:s10], $0x80  }
0x6e: {  	[sflag:s10] =	ssyncset.done @!p0 $0x0  }
0x6f: {  	[sflag:s10] =	ssyncadd.s32 @!p0 $0xFFFFFF80  }
0x70: {  	[bflag:$0x0] =	sbarrier.arrive $0xFFFF  }
0x71: {  	[tilespmem:s17], [sflag:$0x8] =	stream.linear.gather [spmem:s14], $0x4000, $0x38;
	[tilespmem:$0x1C8F8] =	vst v63  }
0x72: {  	_ =	swait.ge [sflag:s13], $0x4000  }
0x73: {  	[sflag:s13] =	ssyncset.done $0x0  }
0x74: {  	s11 =	rddreg [dreg:$0x8];
	[sflag:s13] =	ssyncadd.s32 $0xFFFFC000  }
0x75: {  	[hbm4b:s11+s5] =	stream.linear.scatter [tilespmem:s17], [sflag:$0x1], $0x4000, $0x38;
	[tilespmem:$0x1C8F8] =	vst v63  }
0x76: {  	s12 =	rddreg [dreg:$0x10]  }
0x77: {  	[tilespmem:s26], [sflag:$0x8] =	stream.linear.gather [spmem:s12], $0x4000, $0x38;
	[tilespmem:$0x1C8F8] =	vst v63  }
0x78: {  	_ =	swait.ge [sflag:s13], $0x4000  }
0x79: {  	[sflag:s13] =	ssyncset.done $0x0  }
0x7a: {  	s10 =	rddreg [dreg:$0x9];
	[sflag:s13] =	ssyncadd.s32 $0xFFFFC000  }
0x7b: {  	[hbm4b:s10+s5] =	stream.linear.scatter [tilespmem:s26], [sflag:$0x2], $0x4000, $0x38;
	[tilespmem:$0x1C8F8] =	vst v63  }
0x7c: {  	_ =	swait.ge [sflag:s22], $0x4000  }
0x7d: {  	[sflag:s22] =	ssyncset.done $0x0  }
0x7e: {  	s11 =	rddreg [dreg:$0x11];
	[sflag:s22] =	ssyncadd.s32 $0xFFFFC000  }
0x7f: {  	[tilespmem:s17], [sflag:$0x8] =	stream.linear.gather [spmem:s11], $0x4000, $0x38;
	[tilespmem:$0x1C8F8] =	vst v63  }
0x80: {  	_ =	swait.ge [sflag:s13], $0x4000  }
0x81: {  	[sflag:s13] =	ssyncset.done $0x0  }
0x82: {  	s12 =	rddreg [dreg:$0xa];
	[sflag:s13] =	ssyncadd.s32 $0xFFFFC000  }
0x83: {  	[hbm4b:s12+s5] =	stream.linear.scatter [tilespmem:s17], [sflag:$0x1], $0x4000, $0x38;
	[tilespmem:$0x1C8F8] =	vst v63  }
0x84: {  	_ =	swait.ge [sflag:s30], $0x4000  }
0x85: {  	[sflag:s30] =	ssyncset.done $0x0  }
0x86: {  	s10 =	rddreg [dreg:$0x12];
	[sflag:s30] =	ssyncadd.s32 $0xFFFFC000  }
0x87: {  	[tilespmem:s26], [sflag:$0x8] =	stream.linear.gather [spmem:s10], $0x4000, $0x38;
	[tilespmem:$0x1C8F8] =	vst v63  }
0x88: {  	_ =	swait.ge [sflag:s13], $0x4000  }
0x89: {  	[sflag:s13] =	ssyncset.done $0x0  }
0x8a: {  	s11 =	rddreg [dreg:$0xb];
	[sflag:s13] =	ssyncadd.s32 $0xFFFFC000  }
0x8b: {  	[hbm4b:s11+s5] =	stream.linear.scatter [tilespmem:s26], [sflag:$0x2], $0x4000, $0x38;
	[tilespmem:$0x1C8F8] =	vst v63  }
0x8c: {  	_ =	swait.ge [sflag:s22], $0x4000  }
0x8d: {  	[sflag:s22] =	ssyncset.done $0x0  }
0x8e: {  	s12 =	rddreg [dreg:$0x13];
	[sflag:s22] =	ssyncadd.s32 $0xFFFFC000  }
0x8f: {  	[tilespmem:s17], [sflag:$0x8] =	stream.linear.gather [spmem:s12], $0x4000, $0x38;
	[tilespmem:$0x1C8F8] =	vst v63  }
0x90: {  	_ =	swait.ge [sflag:s13], $0x4000  }
0x91: {  	[sflag:s13] =	ssyncset.done $0x0  }
0x92: {  	s10 =	rddreg [dreg:$0xc];
	[sflag:s13] =	ssyncadd.s32 $0xFFFFC000  }
0x93: {  	[hbm4b:s10+s5] =	stream.linear.scatter [tilespmem:s17], [sflag:$0x1], $0x4000, $0x38;
	[tilespmem:$0x1C8F8] =	vst v63  }
0x94: {  	_ =	swait.ge [sflag:s30], $0x4000  }
0x95: {  	[sflag:s30] =	ssyncset.done $0x0  }
0x96: {  	[sflag:s30] =	ssyncadd.s32 $0xFFFFC000  }
0x97: {  	_ =	swait.ge [sflag:s22], $0x4000  }
0x98: {  	[sflag:s22] =	ssyncset.done $0x0  }
0x99: {  	[sflag:s22] =	ssyncadd.s32 $0xFFFFC000  }
0x9a: {  	[tilespmem:s21], [sflag:$0x8] =	stream.linear.gather [spmem:s15], $0x280, $0x38;
	[tilespmem:$0x1C8F8] =	vst v63  }
0x9b: {  	_ =	swait.ge [sflag:s13], $0x280  }
0x9c: {  	[sflag:s13] =	ssyncset.done $0x0  }
0x9d: {  	s11 =	rddreg [dreg:$0xd];
	[sflag:s13] =	ssyncadd.s32 $0xFFFFFD80  }
0x9e: {  	[hbm4b:s11+s5] =	stream.linear.scatter [tilespmem:s21], [sflag:$0x8], $0x280, $0x38;
	[tilespmem:$0x1C8F8] =	vst v63  }
0x9f: {  	_ =	swait.ge [sflag:s13], $0x280  }
0xa0: {  	s8 =	sadd.s32 $0x1, s8;
	s12 =	rddreg [dreg:$0x14]  }
0xa1: {  	p1 =	sne.s32 s8, s12  }
.Ltmp1:
0xa2: {  	_ = 	snop;
	(pc) =	sbr.rel @!p1 .LBB2_9-.Ltmp1, $3  }
0xa3: {  	_ =	sdelay $0x1  }
0xa4: {  	[sflag:s13] =	ssyncset.done $0x0  }
0xa5: {  	[sflag:s13] =	ssyncadd.s32 $0xFFFFFD80  }
.LBB2_1:
0xa6: {  	s9 =	rddreg [dreg:$0x7]  }
0xa7: {  	[tilespmem:s5], [sflag:$0x8] =	stream.linear.gather [hbm4b:s9+s5], $0x100, $0x38;
	[tilespmem:$0x1C8F8] =	vst v63  }
0xa8: {  	_ =	swait.ge [sflag:s13], $0x100  }
0xa9: {  	[sflag:s13] =	ssyncset.done $0x0  }
0xaa: {  	[sflag:s13] =	ssyncadd.s32 $0xFFFFFF00  }
0xab: {  	v2 =	vld [tilespmem:$0x80]  }
0xac: {  	v3 =	vld [tilespmem:$0x90]  }
0xad: {  	v4 =	vld [tilespmem:$0xA0]  }
0xae: {  	v5 =	vld [tilespmem:$0xB0]  }
0xaf: {  	v6 =	vld [tilespmem:$0xC0]  }
0xb0: {  	v63 =	vld [tilespmem:$0xF0];
	[tilespmem:$0x200] =	vst v2  }
0xb1: {  	v2 =	vld [tilespmem:$0xD0];
	[tilespmem:$0x210] =	vst v3  }
0xb2: {  	v3 =	vld [tilespmem:$0xE0];
	[tilespmem:$0x220] =	vst v4  }
0xb3: {  	[tilespmem:$0x230] =	vst v5  }
0xb4: {  	[tilespmem:$0x240] =	vst v6  }
0xb5: {  	[tilespmem:$0x270] =	vst v63  }
0xb6: {  	[tilespmem:$0x250] =	vst v2  }
0xb7: {  	[tilespmem:$0x260] =	vst v3  }
0xb8: {  	[tilespmem:s17], [sflag:$0x1] =	stream.indirect.gather [hbm4b:s0+s16], $0x80, s5, s16, $0xb8;
	[tilespmem:$0x1C8F8] =	vst v63  }
0xb9: {  	s10 =	simm.s32 $0x200;
	s9 =	simm.s32 $0x0;
	s12 =	rddreg [dreg:$0xe]  }
0xba: {  	[tilespmem:s18], [sflag:$0x6] =	stream.linear.gather [hbm4b:s12+s5], $0x100, $0x38;
	[tilespmem:$0x1C8F8] =	vst v63  }
.LBB2_2:
0xbb: {  	p1 =	sne.s32 s10, $0x1E00;
	[tilespmem:s9+$0x8370] =	vst v0  }
0xbc: {  	[tilespmem:s9+$0x8300] =	vst v0  }
0xbd: {  	[tilespmem:s9+$0x8310] =	vst v0  }
.Ltmp2:
0xbe: {  	[tilespmem:s9+$0x8320] =	vst v0;
	(pc) =	sbr.rel @p1 .LBB2_2-.Ltmp2, $4  }
0xbf: {  	[tilespmem:s9+$0x8330] =	vst v0  }
0xc0: {  	[tilespmem:s9+$0x8340] =	vst v0  }
0xc1: {  	[tilespmem:s9+$0x8350] =	vst v0  }
0xc2: {  	[tilespmem:s9+$0x8360] =	vst v0;
	s9 =	sshra.s32 s10, $0x2;
	s10 =	sadd.s32 $0x200, s10  }
0xc3: {  	[tilespmem:s9+$0x8370] =	vst v0  }
0xc4: {  	[tilespmem:s9+$0x8300] =	vst v0  }
0xc5: {  	[tilespmem:s9+$0x8310] =	vst v0  }
0xc6: {  	[tilespmem:s9+$0x8320] =	vst v0  }
0xc7: {  	[tilespmem:s9+$0x8330] =	vst v0  }
0xc8: {  	[tilespmem:s9+$0x8340] =	vst v0  }
0xc9: {  	[tilespmem:s9+$0x8350] =	vst v0  }
0xca: {  	[tilespmem:s9+$0x8360] =	vst v0;
	s11 =	rddreg [dreg:$0x15]  }
0xcb: {  	[spmem:s14] =	stream.linear.scatter [tilespmem:s19], [sflag:$0x7], $0x800, $0x38;
	[tilespmem:$0x1C8F8] =	vst v63  }
0xcc: {  	s12 =	rddreg [dreg:$0x16]  }
0xcd: {  	[spmem:s11] =	stream.linear.scatter [tilespmem:s19], [sflag:$0x7], $0x800, $0x38;
	[tilespmem:$0x1C8F8] =	vst v63  }
0xce: {  	s10 =	rddreg [dreg:$0x17]  }
0xcf: {  	[spmem:s12] =	stream.linear.scatter [tilespmem:s19], [sflag:$0x7], $0x800, $0x38;
	[tilespmem:$0x1C8F8] =	vst v63  }
0xd0: {  	s11 =	rddreg [dreg:$0x18]  }
0xd1: {  	[spmem:s10] =	stream.linear.scatter [tilespmem:s19], [sflag:$0x7], $0x800, $0x38;
	[tilespmem:$0x1C8F8] =	vst v63  }
0xd2: {  	s12 =	rddreg [dreg:$0x19]  }
0xd3: {  	[spmem:s11] =	stream.linear.scatter [tilespmem:s19], [sflag:$0x7], $0x800, $0x38;
	[tilespmem:$0x1C8F8] =	vst v63  }
0xd4: {  	s10 =	rddreg [dreg:$0x1a]  }
0xd5: {  	[spmem:s12] =	stream.linear.scatter [tilespmem:s19], [sflag:$0x7], $0x800, $0x38;
	[tilespmem:$0x1C8F8] =	vst v63  }
0xd6: {  	s11 =	rddreg [dreg:$0x1b]  }
0xd7: {  	[spmem:s10] =	stream.linear.scatter [tilespmem:s19], [sflag:$0x7], $0x800, $0x38;
	[tilespmem:$0x1C8F8] =	vst v63  }
0xd8: {  	s12 =	rddreg [dreg:$0x1c]  }
0xd9: {  	[spmem:s11] =	stream.linear.scatter [tilespmem:s19], [sflag:$0x7], $0x800, $0x38;
	[tilespmem:$0x1C8F8] =	vst v63  }
0xda: {  	s10 =	rddreg [dreg:$0x1d]  }
0xdb: {  	[spmem:s12] =	stream.linear.scatter [tilespmem:s19], [sflag:$0x7], $0x800, $0x38;
	[tilespmem:$0x1C8F8] =	vst v63  }
0xdc: {  	s11 =	rddreg [dreg:$0x1e]  }
0xdd: {  	[spmem:s10] =	stream.linear.scatter [tilespmem:s19], [sflag:$0x7], $0x800, $0x38;
	[tilespmem:$0x1C8F8] =	vst v63  }
0xde: {  	s12 =	rddreg [dreg:$0x1f]  }
0xdf: {  	[spmem:s11] =	stream.linear.scatter [tilespmem:s19], [sflag:$0x7], $0x800, $0x38;
	[tilespmem:$0x1C8F8] =	vst v63  }
0xe0: {  	s10 =	sld [smem:$0x7E3]  }
0xe1: {  	[spmem:s12] =	stream.linear.scatter [tilespmem:s19], [sflag:$0x7], $0x800, $0x38;
	[tilespmem:$0x1C8F8] =	vst v63  }
0xe2: {  	s11 =	sld [smem:$0x7E4]  }
0xe3: {  	[spmem:s10] =	stream.linear.scatter [tilespmem:s19], [sflag:$0x7], $0x800, $0x38;
	[tilespmem:$0x1C8F8] =	vst v63  }
0xe4: {  	s12 =	sld [smem:$0x7E5]  }
0xe5: {  	[spmem:s11] =	stream.linear.scatter [tilespmem:s19], [sflag:$0x7], $0x800, $0x38;
	[tilespmem:$0x1C8F8] =	vst v63  }
0xe6: {  	s10 =	sld [smem:$0x7E6]  }
0xe7: {  	[spmem:s12] =	stream.linear.scatter [tilespmem:s19], [sflag:$0x7], $0x800, $0x38;
	[tilespmem:$0x1C8F8] =	vst v63  }
0xe8: {  	s11 =	sld [smem:$0x7E7]  }
0xe9: {  	[spmem:s10] =	stream.linear.scatter [tilespmem:s19], [sflag:$0x7], $0x800, $0x38;
	[tilespmem:$0x1C8F8] =	vst v63  }
0xea: {  	s12 =	sld [smem:$0x7E8]  }
0xeb: {  	[spmem:s11] =	stream.linear.scatter [tilespmem:s19], [sflag:$0x7], $0x800, $0x38;
	[tilespmem:$0x1C8F8] =	vst v63  }
0xec: {  	s10 =	sld [smem:$0x7E9]  }
0xed: {  	[spmem:s12] =	stream.linear.scatter [tilespmem:s19], [sflag:$0x7], $0x800, $0x38;
	[tilespmem:$0x1C8F8] =	vst v63  }
0xee: {  	s11 =	sld [smem:$0x7EA]  }
0xef: {  	[spmem:s10] =	stream.linear.scatter [tilespmem:s19], [sflag:$0x7], $0x800, $0x38;
	[tilespmem:$0x1C8F8] =	vst v63  }
0xf0: {  	s12 =	sld [smem:$0x7EB]  }
0xf1: {  	[spmem:s11] =	stream.linear.scatter [tilespmem:s19], [sflag:$0x7], $0x800, $0x38;
	[tilespmem:$0x1C8F8] =	vst v63  }
0xf2: {  	s10 =	sld [smem:$0x7EC]  }
0xf3: {  	[spmem:s12] =	stream.linear.scatter [tilespmem:s19], [sflag:$0x7], $0x800, $0x38;
	[tilespmem:$0x1C8F8] =	vst v63  }
0xf4: {  	s11 =	sld [smem:$0x7ED]  }
0xf5: {  	[spmem:s10] =	stream.linear.scatter [tilespmem:s19], [sflag:$0x7], $0x800, $0x38;
	[tilespmem:$0x1C8F8] =	vst v63  }
0xf6: {  	s12 =	sld [smem:$0x7EE]  }
0xf7: {  	[spmem:s11] =	stream.linear.scatter [tilespmem:s19], [sflag:$0x7], $0x800, $0x38;
	[tilespmem:$0x1C8F8] =	vst v63  }
0xf8: {  	s10 =	sld [smem:$0x7EF]  }
0xf9: {  	[spmem:s12] =	stream.linear.scatter [tilespmem:s19], [sflag:$0x7], $0x800, $0x38;
	[tilespmem:$0x1C8F8] =	vst v63  }
0xfa: {  	s11 =	sld [smem:$0x7F0]  }
0xfb: {  	[spmem:s10] =	stream.linear.scatter [tilespmem:s19], [sflag:$0x7], $0x800, $0x38;
	[tilespmem:$0x1C8F8] =	vst v63  }
0xfc: {  	s12 =	sld [smem:$0x7F1]  }
0xfd: {  	[spmem:s11] =	stream.linear.scatter [tilespmem:s19], [sflag:$0x7], $0x800, $0x38;
	[tilespmem:$0x1C8F8] =	vst v63  }
0xfe: {  	s10 =	sld [smem:$0x7F2]  }
0xff: {  	[spmem:s12] =	stream.linear.scatter [tilespmem:s19], [sflag:$0x7], $0x800, $0x38;
	[tilespmem:$0x1C8F8] =	vst v63  }
0x100: {  	s11 =	sld [smem:$0x7F3]  }
0x101: {  	[spmem:s10] =	stream.linear.scatter [tilespmem:s19], [sflag:$0x7], $0x800, $0x38;
	[tilespmem:$0x1C8F8] =	vst v63  }
0x102: {  	s12 =	sld [smem:$0x7F4]  }
0x103: {  	[spmem:s11] =	stream.linear.scatter [tilespmem:s19], [sflag:$0x7], $0x800, $0x38;
	[tilespmem:$0x1C8F8] =	vst v63  }
0x104: {  	s10 =	sld [smem:$0x7F5]  }
0x105: {  	[spmem:s12] =	stream.linear.scatter [tilespmem:s19], [sflag:$0x7], $0x800, $0x38;
	[tilespmem:$0x1C8F8] =	vst v63  }
0x106: {  	s11 =	sld [smem:$0x7F6]  }
0x107: {  	[spmem:s10] =	stream.linear.scatter [tilespmem:s19], [sflag:$0x7], $0x800, $0x38;
	[tilespmem:$0x1C8F8] =	vst v63  }
0x108: {  	s12 =	sld [smem:$0x7F7]  }
0x109: {  	[spmem:s11] =	stream.linear.scatter [tilespmem:s19], [sflag:$0x7], $0x800, $0x38;
	[tilespmem:$0x1C8F8] =	vst v63  }
0x10a: {  	s10 =	sld [smem:$0x7F8]  }
0x10b: {  	[spmem:s12] =	stream.linear.scatter [tilespmem:s19], [sflag:$0x7], $0x800, $0x38;
	[tilespmem:$0x1C8F8] =	vst v63  }
0x10c: {  	s11 =	sld [smem:$0x7F9]  }
0x10d: {  	[spmem:s10] =	stream.linear.scatter [tilespmem:s19], [sflag:$0x7], $0x800, $0x38;
	[tilespmem:$0x1C8F8] =	vst v63  }
0x10e: {  	s12 =	sld [smem:$0x7FA]  }
0x10f: {  	[spmem:s11] =	stream.linear.scatter [tilespmem:s19], [sflag:$0x7], $0x800, $0x38;
	[tilespmem:$0x1C8F8] =	vst v63  }
0x110: {  	s10 =	sld [smem:$0x7FB]  }
0x111: {  	[spmem:s12] =	stream.linear.scatter [tilespmem:s19], [sflag:$0x7], $0x800, $0x38;
	[tilespmem:$0x1C8F8] =	vst v63  }
0x112: {  	s11 =	sld [smem:$0x7FC]  }
0x113: {  	[spmem:s10] =	stream.linear.scatter [tilespmem:s19], [sflag:$0x7], $0x800, $0x38;
	[tilespmem:$0x1C8F8] =	vst v63  }
0x114: {  	s12 =	sld [smem:$0x7FD]  }
0x115: {  	[spmem:s11] =	stream.linear.scatter [tilespmem:s19], [sflag:$0x7], $0x800, $0x38;
	[tilespmem:$0x1C8F8] =	vst v63  }
0x116: {  	_ = 	snop  }
0x117: {  	[spmem:s12] =	stream.linear.scatter [tilespmem:s19], [sflag:$0x7], $0x800, $0x38;
	[tilespmem:$0x1C8F8] =	vst v63  }
0x118: {  	_ = 	snop  }
0x119: {  	[spmem:s6] =	stream.linear.scatter [tilespmem:s19], [sflag:$0x7], $0x800, $0x38;
	[tilespmem:$0x1C8F8] =	vst v63  }
0x11a: {  	_ =	swait.ge [sflag:s20], $0x800  }
0x11b: {  	s9 =	simm.s32 $0x27;
	[sflag:s20] =	ssyncset.done $0x0  }
.LBB2_4:
0x11c: {  	p1 =	sne.s32 s9, $0x1;
	s9 =	sadd.s32 $0xFFFFFFFF, s9;
	[sflag:s20] =	ssyncadd.s32 $0xFFFFF800  }
.Ltmp3:
0x11d: {  	(pc) =	sbr.rel @p1 .LBB2_4-.Ltmp3, $3  }
0x11e: {  	_ =	sdelay $0x1  }
0x11f: {  	_ =	swait.ge [sflag:s20], $0x800  }
0x120: {  	[sflag:s20] =	ssyncset.done $0x0  }
0x121: {  	[sflag:s20] =	ssyncadd.s32 $0xFFFFF800  }
0x122: {  	[tilespmem:$0x1C400] =	vst v0  }
0x123: {  	[tilespmem:$0x1C410] =	vst v0  }
0x124: {  	[tilespmem:$0x1C420] =	vst v0  }
0x125: {  	[tilespmem:$0x1C430] =	vst v0  }
0x126: {  	[tilespmem:$0x1C440] =	vst v0  }
0x127: {  	[tilespmem:$0x1C450] =	vst v0  }
0x128: {  	[tilespmem:$0x1C460] =	vst v0  }
0x129: {  	[tilespmem:$0x1C470] =	vst v0  }
0x12a: {  	[tilespmem:$0x1C480] =	vst v0  }
0x12b: {  	[tilespmem:$0x1C490] =	vst v0  }
0x12c: {  	[tilespmem:$0x1C4A0] =	vst v0  }
0x12d: {  	[tilespmem:$0x1C4B0] =	vst v0  }
0x12e: {  	[tilespmem:$0x1C4C0] =	vst v0  }
0x12f: {  	[tilespmem:$0x1C4D0] =	vst v0  }
0x130: {  	[tilespmem:$0x1C4E0] =	vst v0  }
0x131: {  	[tilespmem:$0x1C4F0] =	vst v0  }
0x132: {  	[tilespmem:$0x1C500] =	vst v0  }
0x133: {  	[tilespmem:$0x1C510] =	vst v0  }
0x134: {  	[tilespmem:$0x1C520] =	vst v0  }
0x135: {  	[tilespmem:$0x1C530] =	vst v0  }
0x136: {  	[tilespmem:$0x1C540] =	vst v0  }
0x137: {  	[tilespmem:$0x1C550] =	vst v0  }
0x138: {  	[tilespmem:$0x1C560] =	vst v0  }
0x139: {  	[tilespmem:$0x1C570] =	vst v0  }
0x13a: {  	[tilespmem:$0x1C580] =	vst v0  }
0x13b: {  	[tilespmem:$0x1C590] =	vst v0  }
0x13c: {  	[tilespmem:$0x1C5A0] =	vst v0  }
0x13d: {  	[tilespmem:$0x1C5B0] =	vst v0  }
0x13e: {  	[tilespmem:$0x1C5C0] =	vst v0  }
0x13f: {  	[tilespmem:$0x1C5D0] =	vst v0  }
0x140: {  	[tilespmem:$0x1C5E0] =	vst v0  }
0x141: {  	[tilespmem:$0x1C5F0] =	vst v0  }
0x142: {  	[tilespmem:$0x1C600] =	vst v0  }
0x143: {  	[tilespmem:$0x1C610] =	vst v0  }
0x144: {  	[tilespmem:$0x1C620] =	vst v0  }
0x145: {  	[tilespmem:$0x1C630] =	vst v0  }
0x146: {  	[tilespmem:$0x1C640] =	vst v0  }
0x147: {  	[tilespmem:$0x1C650] =	vst v0  }
0x148: {  	[tilespmem:$0x1C660] =	vst v0  }
0x149: {  	[tilespmem:$0x1C670] =	vst v0  }
0x14a: {  	[tilespmem:$0x1C380] =	vst v1  }
0x14b: {  	[tilespmem:$0x1C390] =	vst v1  }
0x14c: {  	[tilespmem:$0x1C3A0] =	vst v1  }
0x14d: {  	[tilespmem:$0x1C3B0] =	vst v1  }
0x14e: {  	[tilespmem:$0x1C3C0] =	vst v1  }
0x14f: {  	[tilespmem:$0x1C3D0] =	vst v1  }
0x150: {  	[tilespmem:$0x1C3E0] =	vst v1  }
0x151: {  	[tilespmem:$0x1C3F0] =	vst v1  }
0x152: {  	[spmem:s15] =	stream.linear.scatter [tilespmem:s21], [sflag:$0x8], $0x280, $0x38;
	[tilespmem:$0x1C8F8] =	vst v63  }
0x153: {  	_ =	swait.ge [sflag:s13], $0x280  }
0x154: {  	[sflag:s13] =	ssyncset.done $0x0  }
0x155: {  	[sflag:s13] =	ssyncadd.s32 $0xFFFFFD80  }
0x156: {  	s9 =	simm.s32 $0x0;
	[bflag:$0x0] =	sbarrier.arrive $0xFFFF  }
.LBB2_6:
0x157: {  	_ =	swait.ge [sflag:s22], $0x4000  }
0x158: {  	p1 =	seq.s32 s9, $0x0;
	[sflag:s22] =	ssyncset.done $0x0  }
0x159: {  	s10 =	simm.s32 @!p1 $0x4;
	[sflag:s22] =	ssyncadd.s32 $0xFFFFC000  }
0x15a: {  	_ =	swait.ge @!p1 [sflag:s10], $0x4000  }
0x15b: {  	[sflag:s10] =	ssyncset.done @!p1 $0x0  }
0x15c: {  	[sflag:s10] =	ssyncadd.s32 @!p1 $0xFFFFC000  }
0x15d: {  	_ =	swait.ge @!p1 [sflag:s10], $0x80  }
0x15e: {  	[sflag:s10] =	ssyncset.done @!p1 $0x0  }
0x15f: {  	[sflag:s10] =	ssyncadd.s32 @!p1 $0xFFFFFF80  }
0x160: {  	_ =	swait.ge [sflag:s23], $0x100  }
0x161: {  	[sflag:s23] =	ssyncset.done $0x0  }
0x162: {  	[sflag:s23] =	ssyncadd.s32 $0xFFFFFF00  }
0x163: {  	v2 =	vld [tilespmem:$0x180]  }
0x164: {  	v3 =	vld [tilespmem:$0x190]  }
0x165: {  	v4 =	vld [tilespmem:$0x1A0]  }
0x166: {  	v5 =	vld [tilespmem:$0x1B0]  }
0x167: {  	v6 =	vld [tilespmem:$0x1C0]  }
0x168: {  	v63 =	vld [tilespmem:$0x1F0];
	[tilespmem:$0x280] =	vst v2  }
0x169: {  	v2 =	vld [tilespmem:$0x1D0];
	[tilespmem:$0x290] =	vst v3  }
0x16a: {  	v3 =	vld [tilespmem:$0x1E0];
	[tilespmem:$0x2A0] =	vst v4  }
0x16b: {  	[tilespmem:$0x2B0] =	vst v5  }
0x16c: {  	[tilespmem:$0x2C0] =	vst v6  }
0x16d: {  	[tilespmem:$0x2F0] =	vst v63  }
0x16e: {  	[tilespmem:$0x2D0] =	vst v2  }
0x16f: {  	p1 =	seq.s32 s9, $0x980;
	[tilespmem:$0x2E0] =	vst v3  }
0x170: {  	[tilespmem:s26], [sflag:$0x2] =	stream.indirect.gather [hbm4b:s0+s16], $0x80, s18, s16, $0xb8;
	[tilespmem:$0x1C8F8] =	vst v63  }
0x171: {  	s10 =	sadd.s32 @!p1 s9, s25;
	s11 =	simm.s32 @!p1 $0x0  }
0x172: {  	[tilespmem:s11], [sflag:$0x5] =	stream.linear.gather @!p1 [hbm4b:s10+s11], $0x100, $0x38;
	[tilespmem:$0x1C8F8] =	vst v63  }
0x173: {  	_ = 	snop  }
0x174: {  	[spmem:s3] =	stream.indirect.scatter.add.f32 [tilespmem:s17], [sflag:$0x3], $0x80, s28, s16, $0xb8;
	[tilespmem:$0x1C8F8] =	vst v63  }
0x175: {  	_ = 	snop  }
0x176: {  	[spmem:s4] =	stream.indirect.scatter.add.f32 [tilespmem:s29], [sflag:$0x3], $0x1, s28, s16, $0xb8;
	[tilespmem:$0x1C8F8] =	vst v63  }
0x177: {  	_ =	swait.ge [sflag:s30], $0x4000  }
0x178: {  	[sflag:s30] =	ssyncset.done $0x0  }
0x179: {  	[sflag:s30] =	ssyncadd.s32 $0xFFFFC000  }
0x17a: {  	_ =	swait.ge [sflag:s31], $0x4000  }
.Ltmp4:
0x17b: {  	[sflag:s31] =	ssyncset.done $0x0;
	(pc) =	sbr.rel @p1 .LBB2_8-.Ltmp4, $4  }
0x17c: {  	[sflag:s31] =	ssyncadd.s32 $0xFFFFC000  }
0x17d: {  	_ =	swait.ge [sflag:s31], $0x80  }
0x17e: {  	[sflag:s31] =	ssyncset.done $0x0  }
0x17f: {  	[sflag:s31] =	ssyncadd.s32 $0xFFFFFF80  }
0x180: {  	_ =	swait.ge [sflag:s7], $0x100  }
0x181: {  	[sflag:s7] =	ssyncset.done $0x0  }
0x182: {  	[sflag:s7] =	ssyncadd.s32 $0xFFFFFF00  }
0x183: {  	v2 =	vld [tilespmem:$0x80]  }
0x184: {  	v3 =	vld [tilespmem:$0x90]  }
0x185: {  	v4 =	vld [tilespmem:$0xA0]  }
0x186: {  	v5 =	vld [tilespmem:$0xB0]  }
0x187: {  	v6 =	vld [tilespmem:$0xC0]  }
0x188: {  	v63 =	vld [tilespmem:$0xF0];
	[tilespmem:$0x200] =	vst v2  }
0x189: {  	v2 =	vld [tilespmem:$0xD0];
	[tilespmem:$0x210] =	vst v3  }
0x18a: {  	v3 =	vld [tilespmem:$0xE0];
	[tilespmem:$0x220] =	vst v4  }
0x18b: {  	[tilespmem:$0x230] =	vst v5  }
0x18c: {  	[tilespmem:$0x240] =	vst v6  }
0x18d: {  	[tilespmem:$0x270] =	vst v63  }
0x18e: {  	[tilespmem:$0x250] =	vst v2  }
0x18f: {  	[tilespmem:$0x260] =	vst v3  }
0x190: {  	[tilespmem:s17], [sflag:$0x1] =	stream.indirect.gather [hbm4b:s0+s16], $0x80, s5, s16, $0xb8;
	[tilespmem:$0x1C8F8] =	vst v63  }
0x191: {  	s10 =	sadd.s32 s9, s24  }
0x192: {  	[tilespmem:s18], [sflag:$0x6] =	stream.linear.gather [hbm4b:s10+s5], $0x100, $0x38;
	[tilespmem:$0x1C8F8] =	vst v63  }
.Ltmp5:
0x193: {  	_ = 	snop;
	(pc) =	sbr.rel .LBB2_6-.Ltmp5, $4  }
0x194: {  	_ = 	snop  }
0x195: {  	[spmem:s3] =	stream.indirect.scatter.add.f32 [tilespmem:s26], [sflag:$0x4], $0x80, s1, s16, $0xb8;
	[tilespmem:$0x1C8F8] =	vst v63  }
0x196: {  	s9 =	sadd.s32 $0x40, s9  }
0x197: {  	[spmem:s4] =	stream.indirect.scatter.add.f32 [tilespmem:s29], [sflag:$0x4], $0x1, s1, s16, $0xb8;
	[tilespmem:$0x1C8F8] =	vst v63  }
.LBB2_9:
0x198: {  	_ =	sfence.sel $0x180000  }
0x199: {  	[bflag:$0x0] =	sbarrier.arrive $0xFFFF  }
0x19a: {  	_ =	strace $0x90000047  }
0x19b: {  	s0 =	stileid.u32;
	[bflag:$0x2] =	sbarrier.arrive $0xFFFF  }
0x19c: {  	p0 =	sne.s32 s0, $0x0;
	s0 =	rddreg [dreg:$0x6]  }
0x19d: {  	s0 =	sadd.s32 @!p0 $0x100000, s0  }
0x19e: {  	[sflag:s0] =	ssyncadd.tile.s32 @!p0 $0x1;
	_ =	shalt  }
.Lfunc_end2:
_tile_overlayer_lowered:
.L_overlay_start_2:
0x19f: {  	(tag) =	ssettag $0x2  }
0x1a0: {  	s0 =	rddreg [dreg:$0x0];
	s2 =	stileid.u32  }
0x1a1: {  	s1 =	rddreg [dreg:$0x1];
	p0 =	sne.s32 s2, $0x0  }
0x1a2: {  	s3 =	rddreg [dreg:$0x2];
	[bflag:$0x3] =	sbarrier.arrive $0xFFFF;
	s2 =	simm.s32 @!p0 $0x1C08  }
0x1a3: {  	[timem:s3], [sflag:s2] =	dma.local @!p0 [hbm:s0], s1  }
0x1a4: {  	s0 =	simm.s32 @!p0 $0x8  }
0x1a5: {  	_ =	swait.ge @!p0 [sflag:s0], s1  }
0x1a6: {  	s1 =	ssub.s32 @!p0 $0x0, s1;
	[sflag:s0] =	ssyncset.done @!p0 $0x0  }
0x1a7: {  	[sflag:s0] =	ssyncadd.s32 @!p0 s1  }
0x1a8: {  	[bflag:$0x3] =	sbarrier.arrive $0xFFFF  }
0x1a9: {  	_ =	shalt  }

// kernel: kernel.9.cloned.1.call-start
scs
__scs_entry_jumppad:
0x0: {  	(pc) =	sbr.rel $0x88, $3  }
0x1: {  	(tag) =	ssettag $0x0;
	lr =	simm.s32 $0x1  }
0x2: {  	[smem:$0x3F95] =	sst lr;
	_ =	strace $0xD0000000  }
0x3: {  	_ = 	snop  }
0x4: {  	_ = 	snop  }
0x5: {  	_ = 	snop  }
0x6: {  	_ = 	snop  }
0x7: {  	_ = 	snop  }
__scs_overlays_trampoline_lowered:
0x8: {  	[smem:$0x3FA4] =	sst s0  }
0x9: {  	[smem:$0x3FA5] =	sst s1  }
0xa: {  	[smem:$0x3FA6] =	sst s2  }
0xb: {  	[smem:$0x3FA7] =	sst s3  }
0xc: {  	[smem:$0x3FA8] =	sst s4  }
0xd: {  	[smem:$0x3FA9] =	sst s5  }
0xe: {  	[smem:$0x3FAA] =	sst s6  }
0xf: {  	[smem:$0x3FAB] =	sst s7  }
0x10: {  	[smem:$0x3FAC] =	sst s8  }
0x11: {  	[smem:$0x3FAD] =	sst s9;
	s0 =	simm.s32 @!p0 $0x0  }
0x12: {  	s1 =	sld [smem:$0x3F93];
	s0 =	simm.s32 @p0 $0x1  }
0x13: {  	[smem:$0x3FAE] =	sst s0;
	s0 =	simm.s32 @!p1 $0x0  }
0x14: {  	s2 =	sld [smem:$0x3F92];
	s0 =	simm.s32 @p1 $0x1  }
0x15: {  	[smem:$0x3FAF] =	sst s0;
	s0 =	simm.s32 @!p2 $0x0  }
0x16: {  	s3 =	sld [smem:$0x3FDB];
	s0 =	simm.s32 @p2 $0x1  }
0x17: {  	s4 =	simm.s32 $0x1BF5;
	[smem:$0x3FB1] =	sst s0  }
0x18: {  	s0 =	sld [smem:$0x3F94];
	_ =	swait.ge [sflag:s4], $0x0  }
0x19: {  	s7 =	sld [smem:$0x3F95]  }
0x1a: {  	s8 =	sadd.s32 $0xFFFFE003, lr  }
0x1b: {  	s9 =	sadd.s32 $0xFFFFFEF7, lr;
	s5 =	simm.s32 $0xFFFFFFFF;
	p2 =	slt.u32 s8, $0xFFFFF086  }
0x1c: {  	p1 =	slt.u32 s9, $0xF7A;
	s5 =	simm.s32 @!p2 $0x0  }
0x1d: {  	s5 =	simm.s32 @p1 $0x1;
	p0 =	seq.s32 s7, s2  }
0x1e: {  	s7 =	smul.u32 @!p0 $0xF7A, s2;
	p2 =	seq.s32 @!p0 s5, $0x0  }
0x1f: {  	s9 =	smul.u32 $0xF7A, s1;
	s8 =	simm.s32 @!p0 $0x1BF5;
	p2 =	por !p2, p0  }
0x20: {  	[sflag:s8] =	ssyncset.s32 @!p0 $0xFFFFF086;
	s6 =	sadd.s32 @!p0 s3, s7;
	s7 =	simm.s32 @!p0 $0x108  }
0x21: {  	s3 =	sadd.s32 s3, s9;
	s6 =	sadd.s32 @!p0 $0x88, s6;
	s7 =	simm.s32 @p2 $0x1082  }
0x22: {  	[simem:s7], [sflag:s8] =	dma.local @!p0 [hbm:s6], $0xF7A  }
0x23: {  	s9 =	sor.u32 $0xD0000000, s2;
	s6 =	simm.s32 $0x108;
	_ =	swait.ge @!p0 [sflag:s8], $0x0  }
0x24: {  	s3 =	sadd.s32 $0x88, s3;
	s6 =	simm.s32 @!p1 $0x1082;
	[sflag:s4] =	ssyncset.s32 $0xFFFFF086  }
0x25: {  	[simem:s6], [sflag:s4] =	dma.local [hbm:s3], $0xF7A  }
0x26: {  	[smem:$0x3F95] =	sst s1;
	(tag) =	ssettag s2;
	_ =	strace s9  }
0x27: {  	s1 =	sld [smem:$0x3FA5]  }
0x28: {  	s2 =	sld [smem:$0x3FA6]  }
0x29: {  	s4 =	sld [smem:$0x3FA8]  }
0x2a: {  	p0 =	seq.s32 s5, $0x0;
	s5 =	sld [smem:$0x3FA9]  }
0x2b: {  	s6 =	sld [smem:$0x3FAA]  }
0x2c: {  	s7 =	sld [smem:$0x3FAB]  }
0x2d: {  	s3 =	simm.s32 $0x108;
	s8 =	sld [smem:$0x3FAC]  }
0x2e: {  	s3 =	simm.s32 @!p0 $0x1082;
	s9 =	sld [smem:$0x3FAD]  }
0x2f: {  	lr =	sadd.s32 s0, s3;
	s0 =	sld [smem:$0x3FA4]  }
0x30: {  	s3 =	sld [smem:$0x3FA7]  }
0x31: {  	[smem:$0x3FB0] =	sst s10  }
0x32: {  	s10 =	sld [smem:$0x3FAE];
	_ =	sdelay $0x3  }
0x33: {  	p0 =	seq.s32 s10, $0x1;
	s10 =	sld [smem:$0x3FB0];
	_ =	sdelay $0x3  }
0x34: {  	[smem:$0x3FB0] =	sst s10  }
0x35: {  	s10 =	sld [smem:$0x3FAF];
	_ =	sdelay $0x3  }
0x36: {  	p1 =	seq.s32 s10, $0x1;
	s10 =	sld [smem:$0x3FB0];
	_ =	sdelay $0x3  }
0x37: {  	[smem:$0x3FB0] =	sst s10  }
0x38: {  	s10 =	sld [smem:$0x3FB1]  }
0x39: {  	_ = 	snop;
	(pc) =	sbr.ind lr, $3  }
0x3a: {  	_ = 	snop  }
0x3b: {  	_ = 	snop  }
0x3c: {  	p2 =	seq.s32 s10, $0x1;
	s10 =	sld [smem:$0x3FB0]  }
0x3d: {  	_ =	shalt  }
0x3e: {  	_ =	shalt  }
0x3f: {  	_ =	shalt  }
0x40: {  	_ =	shalt  }
0x41: {  	_ =	shalt  }
0x42: {  	_ =	shalt  }
0x43: {  	_ =	shalt  }
0x44: {  	_ =	shalt  }
0x45: {  	_ =	shalt  }
0x46: {  	_ =	shalt  }
0x47: {  	_ =	shalt  }
0x48: {  	_ =	shalt  }
0x49: {  	_ =	shalt  }
0x4a: {  	_ =	shalt  }
0x4b: {  	_ =	shalt  }
0x4c: {  	_ =	shalt  }
0x4d: {  	_ =	shalt  }
0x4e: {  	_ =	shalt  }
0x4f: {  	_ =	shalt  }
0x50: {  	_ =	shalt  }
0x51: {  	_ =	shalt  }
0x52: {  	_ =	shalt  }
0x53: {  	_ =	shalt  }
0x54: {  	_ =	shalt  }
0x55: {  	_ =	shalt  }
0x56: {  	_ =	shalt  }
0x57: {  	_ =	shalt  }
0x58: {  	_ =	shalt  }
0x59: {  	_ =	shalt  }
0x5a: {  	_ =	shalt  }
0x5b: {  	_ =	shalt  }
0x5c: {  	_ =	shalt  }
0x5d: {  	_ =	shalt  }
0x5e: {  	_ =	shalt  }
0x5f: {  	_ =	shalt  }
0x60: {  	_ =	shalt  }
0x61: {  	_ =	shalt  }
0x62: {  	_ =	shalt  }
0x63: {  	_ =	shalt  }
0x64: {  	_ =	shalt  }
0x65: {  	_ =	shalt  }
0x66: {  	_ =	shalt  }
0x67: {  	_ =	shalt  }
0x68: {  	_ =	shalt  }
0x69: {  	_ =	shalt  }
0x6a: {  	_ =	shalt  }
0x6b: {  	_ =	shalt  }
0x6c: {  	_ =	shalt  }
0x6d: {  	_ =	shalt  }
0x6e: {  	_ =	shalt  }
0x6f: {  	_ =	shalt  }
0x70: {  	_ =	shalt  }
0x71: {  	_ =	shalt  }
0x72: {  	_ =	shalt  }
0x73: {  	_ =	shalt  }
0x74: {  	_ =	shalt  }
0x75: {  	_ =	shalt  }
0x76: {  	_ =	shalt  }
0x77: {  	_ =	shalt  }
0x78: {  	_ =	shalt  }
0x79: {  	_ =	shalt  }
0x7a: {  	_ =	shalt  }
0x7b: {  	_ =	shalt  }
0x7c: {  	_ =	shalt  }
0x7d: {  	_ =	shalt  }
0x7e: {  	_ =	shalt  }
0x7f: {  	_ =	shalt  }
0x80: {  	_ =	shalt  }
0x81: {  	_ =	shalt  }
0x82: {  	_ =	shalt  }
0x83: {  	_ =	shalt  }
0x84: {  	_ =	shalt  }
0x85: {  	_ =	shalt  }
0x86: {  	_ =	shalt  }
0x87: {  	_ =	shalt  }
.Lfunc_end0:
.L_simem_size_0:
called_computation.1_lowered:
.L_overlay_start_0:
0x88: {  	s2 =	sld [smem:$0x3FD9]  }
0x89: {  	s3 =	sld [smem:$0x3FFE];
	_ =	sdelay $0x1  }
0x8a: {  	s1 =	srdreg.scid  }
0x8b: {  	s0 =	sand.u32 $0x1, s1  }
0x8c: {  	s17 =	sshll.u32 s0, $0xA;
	s2 =	sadd.s32 s3, s2  }
0x8d: {  	s2 =	sadd.s32 s2, s17  }
0x8e: {  	[smem:$0x3FBC] =	sst s2  }
0x8f: {  	_ = 	snop  }
0x90: {  	s2 =	sld [smem:$0x3FC8]  }
0x91: {  	s18 =	sld [smem:$0x3FD0];
	(tm) =	ssettm $0x1  }
0x92: {  	s4 =	sld [smem:$0x3FFB];
	_ =	sdelay $0x3  }
0x93: {  	_ =	strace s4  }
0x94: {  	s4 =	sld [smem:$0x3FFC];
	_ =	sdelay $0x3  }
0x95: {  	_ =	strace s4  }
0x96: {  	s4 =	sld [smem:$0x3FFD];
	_ =	sdelay $0x3  }
0x97: {  	_ =	strace s4  }
0x98: {  	_ =	strace $0x8FFFFFFF  }
0x99: {  	s19 =	sld [smem:$0x3FDB];
	_ =	sdelay $0x1  }
0x9a: {  	s5 =	simm.s32 $_scs_section_size  }
0x9b: {  	s6 =	simm.s32 $_size__tile_overlayer_lowered;
	s7 =	simm.s32 $_tile_overlayer_lowered  }
0x9c: {  	s22 =	simm.s32 $0x1BFF;
	s21 =	sshll.u32 s7, $0x1;
	s4 =	sadd.s32 s5, s19  }
0x9d: {  	s8 =	simm.s32 $0x0;
	s20 =	sshll.u32 s6, $0x1;
	s6 =	sadd.s32 s21, s4  }
0x9e: {  	[timem:s8], [sflag:s22] =	dma.local [hbm:s6], s20  }
0x9f: {  	_ =	swait.ge [sflag:s22], s20  }
0xa0: {  	s5 =	ssub.s32 $0x0, s20;
	[sflag:s22] =	ssyncset.done $0x0  }
0xa1: {  	[sflag:s22] =	ssyncadd.s32 s5;
	_ =	sdelay $0x1  }
0xa2: {  	s23 =	simm.s32 $0x1B8B  }
0xa3: {  	_ =	swait.ge [sflag:s23], $0x1  }
0xa4: {  	[sflag:s23] =	ssyncset.done $0x0  }
0xa5: {  	s25 =	simm.s32 $0x1B8E;
	s24 =	sld [smem:$0x3FFE];
	[sflag:s23] =	ssyncadd.s32 $0xFFFFFFFF  }
0xa6: {  	s26 =	simm.s32 $execute0_lowered;
	[smem:$0x3FD2] =	sst s25  }
0xa7: {  	s6 =	sshll.u32 s26, $0x1;
	_ =	strace $0x80000049;
	[dreg:$0x1] =	wrdreg $0xFFFFFFFF  }
0xa8: {  	s28 =	simm.s32 $_size_execute0_lowered;
	s4 =	sadd.s32 s4, s6;
	[dreg:$0x0] =	wrdreg $0x0  }
0xa9: {  	s6 =	sshll.u32 s28, $0x1;
	[dreg:$0x2] =	wrdreg s4  }
0xaa: {  	[dreg:$0x3] =	wrdreg s6  }
0xab: {  	[dreg:$0x4] =	wrdreg $0xC0  }
0xac: {  	_ =	task [dreg:s8], $0x5FFFF  }
0xad: {  	[dreg:$0x1] =	wrdreg $0xFFFFFFFF  }
0xae: {  	[dreg:$0x0] =	wrdreg $0x60  }
0xaf: {  	[dreg:$0x2] =	wrdreg s18  }
0xb0: {  	[dreg:$0x3] =	wrdreg s2  }
0xb1: {  	[dreg:$0x4] =	wrdreg s24  }
0xb2: {  	[dreg:$0x5] =	wrdreg $0x8B000  }
0xb3: {  	[dreg:$0x6] =	wrdreg $0x9  }
0xb4: {  	_ =	task.clear_ibuf [dreg:s8], $0x7FFFF;
	_ =	strace $0x90000049  }
0xb5: {  	s29 =	simm.s32 $0x9;
	_ =	strace $0x8000004B  }
0xb6: {  	_ =	swait.ge [sflag:s29], $0x1  }
0xb7: {  	[sflag:s29] =	ssyncadd.s32 $0xFFFFFFFF  }
0xb8: {  	_ =	strace $0x9000004B  }
0xb9: {  	_ =	sfence  }
0xba: {  	s30 =	sld [smem:$0x0];
	_ =	sdelay $0x2  }
0xbb: {  	s31 =	sshll.u32 s1, $0xD;
	s1 =	sshrl.u32 s1, $0x2  }
0xbc: {  	s3 =	sand.u32 $0x4000, s31;
	s1 =	sadd.s32 s1, s30  }
0xbd: {  	s0 =	sor.u32 s3, s0;
	s1 =	sshll.u32 s1, $0x11  }
0xbe: {  	s0 =	sor.u32 s1, s0  }
0xbf: {  	s0 =	sadd.s32 $0x8F2B, s0  }
0xc0: {  	[sflag:s0] =	ssyncadd.remote.s32 $0x1  }
0xc1: {  	_ =	sfence.sel $0xFFFF  }
0xc2: {  	[dreg:$0x0] =	wrdreg $0xFFFFFFFF;
	(pc) =	sbr.abs _section_cstart, $3  }
0xc3: {  	[dreg:$0x1] =	wrdreg $0xFFFFFFFF  }
0xc4: {  	_ =	task.clear_ibuf [dreg:s8], $0x2FFFF;
	_ =	strace $0x9FFFFFFF  }
0xc5: {  	(tm) =	ssettm $0x7FFFFFFF  }
tec
execute0_lowered:
.L_overlay_start_1:
0x0: {  	(tag) =	ssettag $0x1  }
0x1: {  	s0 =	rddreg [dreg:$0x0]  }
0x2: {  	s1 =	rddreg [dreg:$0x1];
	s2 =	srdreg.scid  }
0x3: {  	s5 =	rddreg [dreg:$0x2];
	s15 =	stileid.u32  }
0x4: {  	s3 =	rddreg [dreg:$0x3];
	s9 =	smul.u32 $0x4E000, s15  }
0x5: {  	s4 =	simm.s32 $0x0;
	s2 =	sand.u32 $0x1, s2;
	s13 =	smul.u32 $0x13800, s15  }
0x6: {  	[smem:$0x7FF] =	sst s4;
	s5 =	sadd.s32 $0x2A00, s5;
	s30 =	smul.u32 $0x4E, s15  }
0x7: {  	s6 =	sshll.u32 s2, $0x4;
	_ =	strace $0x8000004A;
	s10 =	ssub.s32 $0x2, s2  }
0x8: {  	s11 =	smul.u32 $0x138800, s2;
	s6 =	sor.u32 s15, s6;
	s12 =	sshrl.u32 s10, $0x1  }
0x9: {  	s19 =	sshrl.u32 s9, $0x2;
	s21 =	sadd.s32 $0x4000, s13;
	s24 =	sadd.s32 $0x8000, s13  }
0xa: {  	s28 =	sadd.s32 $0xC000, s13;
	s7 =	smul.u32 $0x4E, s6;
	s8 =	smin.u32 s6, $0x4  }
0xb: {  	s10 =	ssub.s32 s10, s12;
	s20 =	sadd.s32 s13, s11;
	s12 =	sadd.s32 s21, s3  }
0xc: {  	s22 =	sadd.s32 s11, s21;
	s26 =	sadd.s32 s24, s3;
	[dreg:$0x9] =	wrdreg s12  }
0xd: {  	s13 =	sadd.s32 $0x10000, s13;
	[dreg:$0xb] =	wrdreg s26;
	s12 =	sadd.s32 s28, s3  }
0xe: {  	s9 =	sshrl.u32 s20, $0x3;
	s15 =	sadd.s32 s13, s3;
	[dreg:$0xd] =	wrdreg s12  }
0xf: {  	s23 =	sshrl.u32 s22, $0x3;
	s16 =	smax.u32 s10, $0x1;
	[dreg:$0xf] =	wrdreg s15  }
0x10: {  	s7 =	sadd.s32 s8, s7;
	s9 =	sadd.s32 s5, s9;
	[dreg:$0x11] =	wrdreg s16  }
0x11: {  	s7 =	sshll.u32 s7, $0x5;
	[dreg:$0x8] =	wrdreg s9;
	s9 =	sadd.s32 s5, s23  }
0x12: {  	s25 =	sadd.s32 s11, s24;
	s14 =	sadd.s32 s1, s7;
	[dreg:$0xa] =	wrdreg s9  }
0x13: {  	s9 =	sshrl.u32 s25, $0x3;
	s7 =	sadd.s32 $0x20, s14;
	[dreg:$0x5] =	wrdreg s14  }
0x14: {  	s29 =	sadd.s32 s11, s28;
	s9 =	sadd.s32 s5, s9;
	[dreg:$0x6] =	wrdreg s7  }
0x15: {  	s14 =	sadd.s32 $0x9C0, s14;
	[dreg:$0xc] =	wrdreg s9;
	s9 =	sshrl.u32 s29, $0x3  }
0x16: {  	s7 =	sadd.s32 s19, s3;
	[dreg:$0x7] =	wrdreg s14;
	s9 =	sadd.s32 s5, s9  }
0x17: {  	s17 =	sadd.s32 $0x800, s7;
	[dreg:$0xe] =	wrdreg s9  }
0x18: {  	s18 =	sadd.s32 $0x1000, s7;
	[dreg:$0x12] =	wrdreg s17  }
0x19: {  	s19 =	sadd.s32 $0x1800, s7;
	[dreg:$0x13] =	wrdreg s18  }
0x1a: {  	s20 =	sadd.s32 $0x2000, s7;
	[dreg:$0x14] =	wrdreg s19  }
0x1b: {  	s21 =	sadd.s32 $0x2800, s7;
	[dreg:$0x15] =	wrdreg s20  }
0x1c: {  	s22 =	sadd.s32 $0x3000, s7;
	[dreg:$0x16] =	wrdreg s21  }
0x1d: {  	s2 =	smul.u32 $0x4E0, s2;
	s23 =	sadd.s32 $0x3800, s7;
	[dreg:$0x17] =	wrdreg s22  }
0x1e: {  	s26 =	sadd.s32 $0x4000, s7;
	[dreg:$0x18] =	wrdreg s23  }
0x1f: {  	s2 =	sadd.s32 s30, s2;
	s28 =	sadd.s32 $0x4800, s7;
	[dreg:$0x19] =	wrdreg s26  }
0x20: {  	s2 =	sadd.s32 s8, s2;
	s29 =	sadd.s32 $0x5000, s7;
	[dreg:$0x1a] =	wrdreg s28  }
0x21: {  	s2 =	sshll.u32 s2, $0x5;
	s30 =	sadd.s32 $0x5800, s7;
	[dreg:$0x1b] =	wrdreg s29  }
0x22: {  	s1 =	sadd.s32 s2, s1;
	s2 =	sadd.s32 $0x6000, s7;
	[dreg:$0x1c] =	wrdreg s30  }
0x23: {  	p0 =	sgt.u32 s6, $0x3;
	s6 =	sadd.s32 $0x7000, s7;
	[dreg:$0x1d] =	wrdreg s2  }
0x24: {  	s8 =	sadd.s32 $0x7800, s7;
	[dreg:$0x1f] =	wrdreg s6  }
0x25: {  	s10 =	sadd.s32 $0x8800, s7;
	[smem:$0x7EA] =	sst s8  }
0x26: {  	s12 =	sadd.s32 s11, s13;
	s11 =	sadd.s32 $0x9000, s7;
	[smem:$0x7EC] =	sst s10  }
0x27: {  	s13 =	sadd.s32 $0xA000, s7;
	[smem:$0x7ED] =	sst s11  }
0x28: {  	s14 =	sadd.s32 $0xA800, s7;
	[smem:$0x7EF] =	sst s13  }
0x29: {  	s24 =	sadd.s32 $0x60, s1;
	s15 =	sadd.s32 $0xB000, s7;
	[smem:$0x7F0] =	sst s14  }
0x2a: {  	s25 =	sadd.s32 $0x40, s1;
	s16 =	sadd.s32 $0xB800, s7;
	[smem:$0x7F1] =	sst s15  }
0x2b: {  	s9 =	sshrl.u32 s12, $0x3;
	s12 =	sadd.s32 $0x9800, s7;
	[smem:$0x7F2] =	sst s16  }
0x2c: {  	s31 =	sadd.s32 $0x11800, s7;
	s17 =	sadd.s32 $0xC000, s7;
	[smem:$0x7EE] =	sst s12  }
0x2d: {  	s1 =	sadd.s32 $0x12000, s7;
	s18 =	sadd.s32 $0xC800, s7;
	[smem:$0x7F3] =	sst s17  }
0x2e: {  	s19 =	sadd.s32 $0xD000, s7;
	s20 =	sadd.s32 $0xD800, s7;
	[smem:$0x7F4] =	sst s18  }
0x2f: {  	s21 =	sadd.s32 $0xE000, s7;
	s22 =	sadd.s32 $0xE800, s7;
	[smem:$0x7F5] =	sst s19  }
0x30: {  	s23 =	sadd.s32 $0xF000, s7;
	s26 =	sadd.s32 $0xF800, s7;
	[smem:$0x7F6] =	sst s20  }
0x31: {  	s28 =	sadd.s32 $0x10000, s7;
	s29 =	sadd.s32 $0x10800, s7;
	[smem:$0x7F7] =	sst s21  }
0x32: {  	s30 =	sadd.s32 $0x11000, s7;
	s2 =	sadd.s32 $0x12800, s7;
	[smem:$0x7F8] =	sst s22  }
0x33: {  	s6 =	sadd.s32 $0x13000, s7;
	s8 =	sadd.s32 $0x13800, s7;
	[smem:$0x7F9] =	sst s23  }
0x34: {  	s10 =	simm.s32 $0x80;
	s11 =	simm.s32 $0x300;
	[smem:$0x7FA] =	sst s26  }
0x35: {  	s13 =	simm.s32 $0x8300;
	s14 =	simm.s32 $0x1;
	[smem:$0x7FB] =	sst s28  }
0x36: {  	s15 =	simm.s32 $0x6;
	s16 =	simm.s32 $0x4300;
	[smem:$0x7FC] =	sst s29  }
0x37: {  	s5 =	sadd.s32 s5, s9;
	s9 =	sadd.s32 $0x8000, s7;
	[smem:$0x7FD] =	sst s30  }
.Ltmp0:
0x38: {  	s12 =	simm.s32 $0x100;
	s17 =	simm.s32 $0x200;
	(pc) =	sbr.rel .LBB2_1-.Ltmp0, $4  }
0x39: {  	s18 =	simm.s32 $0x2;
	s19 =	simm.s32 $0x3;
	s20 =	simm.s32 $0x280  }
0x3a: {  	s21 =	simm.s32 $0x4;
	s22 =	simm.s32 $0x5;
	[dreg:$0x10] =	wrdreg s5  }
0x3b: {  	s23 =	simm.s32 $0x0;
	s5 =	sadd.s32 $0x6800, s7;
	[smem:$0x7EB] =	sst s9  }
0x3c: {  	v0 =	vimm.f32 $0.0e+00;
	s9 =	simm.s32 $0x8;
	[dreg:$0x1e] =	wrdreg s5;
	s5 =	simm.s32 $0x7  }
.LBB2_8:
0x3d: {  	[spmem:s3] =	stream.indirect.scatter.add.f32 [tilespmem:s11], [sflag:$0x3], $0x80, s17, s10, $0xb8;
	[tilespmem:$0x1C380] =	vst v63  }
0x3e: {  	_ =	swait.ge [sflag:s18], $0x4000  }
0x3f: {  	[sflag:s18] =	ssyncset.done $0x0  }
0x40: {  	[sflag:s18] =	ssyncadd.s32 $0xFFFFC000  }
0x41: {  	_ =	swait.ge [sflag:s19], $0x4000  }
0x42: {  	[sflag:s19] =	ssyncset.done $0x0  }
0x43: {  	[sflag:s19] =	ssyncadd.s32 $0xFFFFC000  }
0x44: {  	[spmem:s3] =	stream.indirect.scatter.add.f32 [tilespmem:s16], [sflag:$0x4], $0x80, s20, s10, $0xb8;
	[tilespmem:$0x1C380] =	vst v63  }
0x45: {  	_ =	swait.ge [sflag:s21], $0x4000  }
0x46: {  	[sflag:s21] =	ssyncset.done $0x0  }
0x47: {  	s26 =	simm.s32 @!p0 $0x0;
	s28 =	rddreg [dreg:$0x7];
	[sflag:s21] =	ssyncadd.s32 $0xFFFFC000  }
0x48: {  	[tilespmem:s26], [sflag:$0x8] =	stream.linear.gather @!p0 [hbm4b:s28+s26], $0x100, $0x38;
	[tilespmem:$0x1C380] =	vst v63  }
0x49: {  	s28 =	simm.s32 @!p0 $0x8  }
0x4a: {  	_ =	swait.ge @!p0 [sflag:s28], $0x100  }
0x4b: {  	[sflag:s28] =	ssyncset.done @!p0 $0x0  }
0x4c: {  	[sflag:s28] =	ssyncadd.s32 @!p0 $0xFFFFFF00  }
0x4d: {  	v1 =	vld @!p0 [tilespmem:$0x80]  }
0x4e: {  	v2 =	vld @!p0 [tilespmem:$0x90]  }
0x4f: {  	v3 =	vld @!p0 [tilespmem:$0xA0]  }
0x50: {  	v4 =	vld @!p0 [tilespmem:$0xB0]  }
0x51: {  	v5 =	vld @!p0 [tilespmem:$0xC0]  }
0x52: {  	[tilespmem:$0x200] =	vst @!p0 v1;
	v1 =	vld @!p0 [tilespmem:$0xD0]  }
0x53: {  	[tilespmem:$0x210] =	vst @!p0 v2;
	v2 =	vld @!p0 [tilespmem:$0xE0]  }
0x54: {  	[tilespmem:$0x220] =	vst @!p0 v3;
	v3 =	vld @!p0 [tilespmem:$0xF0]  }
0x55: {  	[tilespmem:$0x230] =	vst @!p0 v4  }
0x56: {  	[tilespmem:$0x240] =	vst @!p0 v5  }
0x57: {  	[tilespmem:$0x250] =	vst @!p0 v1  }
0x58: {  	[tilespmem:$0x260] =	vst @!p0 v2  }
0x59: {  	s29 =	simm.s32 @!p0 $0x80;
	s30 =	simm.s32 @!p0 $0x300;
	[tilespmem:$0x270] =	vst @!p0 v3  }
0x5a: {  	[tilespmem:s30], [sflag:$0x1] =	stream.indirect.gather @!p0 [hbm4b:s0+s29], $0x80, s26, s29, $0xb8;
	[tilespmem:$0x1C380] =	vst v63  }
0x5b: {  	s26 =	simm.s32 @!p0 $0x1  }
0x5c: {  	_ =	swait.ge @!p0 [sflag:s26], $0x4000  }
0x5d: {  	[sflag:s26] =	ssyncset.done @!p0 $0x0  }
0x5e: {  	[sflag:s26] =	ssyncadd.s32 @!p0 $0xFFFFC000;
	s26 =	simm.s32 @!p0 $0x200  }
0x5f: {  	[spmem:s3] =	stream.indirect.scatter.add.f32 @!p0 [tilespmem:s30], [sflag:$0x8], $0x80, s26, s29, $0xb8;
	[tilespmem:$0x1C380] =	vst v63  }
0x60: {  	_ =	swait.ge @!p0 [sflag:s28], $0x4000  }
0x61: {  	[sflag:s28] =	ssyncset.done @!p0 $0x0  }
0x62: {  	[sflag:s28] =	ssyncadd.s32 @!p0 $0xFFFFC000  }
0x63: {  	[bflag:$0x0] =	sbarrier.arrive $0xFFFF  }
0x64: {  	[tilespmem:s11], [sflag:$0x8] =	stream.linear.gather [spmem:s7], $0x4000, $0x38;
	[tilespmem:$0x1C380] =	vst v63  }
0x65: {  	_ =	swait.ge [sflag:s9], $0x4000  }
0x66: {  	[sflag:s9] =	ssyncset.done $0x0  }
0x67: {  	s30 =	rddreg [dreg:$0x8];
	[sflag:s9] =	ssyncadd.s32 $0xFFFFC000  }
0x68: {  	[hbm4b:s30+s4] =	stream.linear.scatter [tilespmem:s11], [sflag:$0x1], $0x4000, $0x38;
	[tilespmem:$0x1C380] =	vst v63  }
0x69: {  	s28 =	rddreg [dreg:$0x9]  }
0x6a: {  	[tilespmem:s16], [sflag:$0x8] =	stream.linear.gather [spmem:s28], $0x4000, $0x38;
	[tilespmem:$0x1C380] =	vst v63  }
0x6b: {  	_ =	swait.ge [sflag:s9], $0x4000  }
0x6c: {  	[sflag:s9] =	ssyncset.done $0x0  }
0x6d: {  	s29 =	rddreg [dreg:$0xa];
	[sflag:s9] =	ssyncadd.s32 $0xFFFFC000  }
0x6e: {  	[hbm4b:s29+s4] =	stream.linear.scatter [tilespmem:s16], [sflag:$0x2], $0x4000, $0x38;
	[tilespmem:$0x1C380] =	vst v63  }
0x6f: {  	_ =	swait.ge [sflag:s14], $0x4000  }
0x70: {  	[sflag:s14] =	ssyncset.done $0x0  }
0x71: {  	s30 =	rddreg [dreg:$0xb];
	[sflag:s14] =	ssyncadd.s32 $0xFFFFC000  }
0x72: {  	[tilespmem:s11], [sflag:$0x8] =	stream.linear.gather [spmem:s30], $0x4000, $0x38;
	[tilespmem:$0x1C380] =	vst v63  }
0x73: {  	_ =	swait.ge [sflag:s9], $0x4000  }
0x74: {  	[sflag:s9] =	ssyncset.done $0x0  }
0x75: {  	s28 =	rddreg [dreg:$0xc];
	[sflag:s9] =	ssyncadd.s32 $0xFFFFC000  }
0x76: {  	[hbm4b:s28+s4] =	stream.linear.scatter [tilespmem:s11], [sflag:$0x1], $0x4000, $0x38;
	[tilespmem:$0x1C380] =	vst v63  }
0x77: {  	_ =	swait.ge [sflag:s18], $0x4000  }
0x78: {  	[sflag:s18] =	ssyncset.done $0x0  }
0x79: {  	s29 =	rddreg [dreg:$0xd];
	[sflag:s18] =	ssyncadd.s32 $0xFFFFC000  }
0x7a: {  	[tilespmem:s16], [sflag:$0x8] =	stream.linear.gather [spmem:s29], $0x4000, $0x38;
	[tilespmem:$0x1C380] =	vst v63  }
0x7b: {  	_ =	swait.ge [sflag:s9], $0x4000  }
0x7c: {  	[sflag:s9] =	ssyncset.done $0x0  }
0x7d: {  	s30 =	rddreg [dreg:$0xe];
	[sflag:s9] =	ssyncadd.s32 $0xFFFFC000  }
0x7e: {  	[hbm4b:s30+s4] =	stream.linear.scatter [tilespmem:s16], [sflag:$0x2], $0x4000, $0x38;
	[tilespmem:$0x1C380] =	vst v63  }
0x7f: {  	_ =	swait.ge [sflag:s14], $0x4000  }
0x80: {  	[sflag:s14] =	ssyncset.done $0x0  }
0x81: {  	s28 =	rddreg [dreg:$0xf];
	[sflag:s14] =	ssyncadd.s32 $0xFFFFC000  }
0x82: {  	[tilespmem:s11], [sflag:$0x8] =	stream.linear.gather [spmem:s28], $0x4000, $0x38;
	[tilespmem:$0x1C380] =	vst v63  }
0x83: {  	_ =	swait.ge [sflag:s9], $0x4000  }
0x84: {  	[sflag:s9] =	ssyncset.done $0x0  }
0x85: {  	s29 =	rddreg [dreg:$0x10];
	[sflag:s9] =	ssyncadd.s32 $0xFFFFC000  }
0x86: {  	[hbm4b:s29+s4] =	stream.linear.scatter [tilespmem:s11], [sflag:$0x1], $0x4000, $0x38;
	[tilespmem:$0x1C380] =	vst v63  }
0x87: {  	_ =	swait.ge [sflag:s18], $0x4000  }
0x88: {  	[sflag:s18] =	ssyncset.done $0x0  }
0x89: {  	[sflag:s18] =	ssyncadd.s32 $0xFFFFC000  }
0x8a: {  	_ =	swait.ge [sflag:s14], $0x4000  }
0x8b: {  	s23 =	sadd.s32 $0x1, s23;
	s30 =	rddreg [dreg:$0x11]  }
0x8c: {  	p1 =	sne.s32 s23, s30  }
.Ltmp1:
0x8d: {  	_ = 	snop;
	(pc) =	sbr.rel @!p1 .LBB2_9-.Ltmp1, $3  }
0x8e: {  	_ =	sdelay $0x1  }
0x8f: {  	[sflag:s14] =	ssyncset.done $0x0  }
0x90: {  	[sflag:s14] =	ssyncadd.s32 $0xFFFFC000  }
.LBB2_1:
0x91: {  	s26 =	rddreg [dreg:$0x5]  }
0x92: {  	[tilespmem:s4], [sflag:$0x8] =	stream.linear.gather [hbm4b:s26+s4], $0x100, $0x38;
	[tilespmem:$0x1C380] =	vst v63  }
0x93: {  	_ =	swait.ge [sflag:s9], $0x100  }
0x94: {  	[sflag:s9] =	ssyncset.done $0x0  }
0x95: {  	[sflag:s9] =	ssyncadd.s32 $0xFFFFFF00  }
0x96: {  	v1 =	vld [tilespmem:$0x80]  }
0x97: {  	v2 =	vld [tilespmem:$0x90]  }
0x98: {  	v3 =	vld [tilespmem:$0xA0]  }
0x99: {  	v4 =	vld [tilespmem:$0xB0]  }
0x9a: {  	v5 =	vld [tilespmem:$0xC0]  }
0x9b: {  	[tilespmem:$0x200] =	vst v1;
	v1 =	vld [tilespmem:$0xD0]  }
0x9c: {  	[tilespmem:$0x210] =	vst v2;
	v2 =	vld [tilespmem:$0xE0]  }
0x9d: {  	[tilespmem:$0x220] =	vst v3;
	v3 =	vld [tilespmem:$0xF0]  }
0x9e: {  	[tilespmem:$0x230] =	vst v4  }
0x9f: {  	[tilespmem:$0x240] =	vst v5  }
0xa0: {  	[tilespmem:$0x250] =	vst v1  }
0xa1: {  	[tilespmem:$0x260] =	vst v2  }
0xa2: {  	[tilespmem:$0x270] =	vst v3  }
0xa3: {  	[tilespmem:s11], [sflag:$0x1] =	stream.indirect.gather [hbm4b:s0+s10], $0x80, s4, s10, $0xb8;
	[tilespmem:$0x1C380] =	vst v63  }
0xa4: {  	s28 =	simm.s32 $0x200;
	s26 =	simm.s32 $0x0;
	s30 =	rddreg [dreg:$0x6]  }
0xa5: {  	[tilespmem:s12], [sflag:$0x6] =	stream.linear.gather [hbm4b:s30+s4], $0x100, $0x38;
	[tilespmem:$0x1C380] =	vst v63  }
.LBB2_2:
0xa6: {  	p1 =	sne.s32 s28, $0x1E00;
	[tilespmem:s26+$0x8370] =	vst v0  }
0xa7: {  	[tilespmem:s26+$0x8300] =	vst v0  }
0xa8: {  	[tilespmem:s26+$0x8310] =	vst v0  }
.Ltmp2:
0xa9: {  	[tilespmem:s26+$0x8320] =	vst v0;
	(pc) =	sbr.rel @p1 .LBB2_2-.Ltmp2, $4  }
0xaa: {  	[tilespmem:s26+$0x8330] =	vst v0  }
0xab: {  	[tilespmem:s26+$0x8340] =	vst v0  }
0xac: {  	[tilespmem:s26+$0x8350] =	vst v0  }
0xad: {  	[tilespmem:s26+$0x8360] =	vst v0;
	s26 =	sshra.s32 s28, $0x2;
	s28 =	sadd.s32 $0x200, s28  }
0xae: {  	[tilespmem:s26+$0x8370] =	vst v0  }
0xaf: {  	[tilespmem:s26+$0x8300] =	vst v0  }
0xb0: {  	[tilespmem:s26+$0x8310] =	vst v0  }
0xb1: {  	[tilespmem:s26+$0x8320] =	vst v0  }
0xb2: {  	[tilespmem:s26+$0x8330] =	vst v0  }
0xb3: {  	[tilespmem:s26+$0x8340] =	vst v0  }
0xb4: {  	[tilespmem:s26+$0x8350] =	vst v0  }
0xb5: {  	[tilespmem:s26+$0x8360] =	vst v0;
	s30 =	rddreg [dreg:$0x12]  }
0xb6: {  	[spmem:s7] =	stream.linear.scatter [tilespmem:s13], [sflag:$0x7], $0x800, $0x38;
	[tilespmem:$0x1C380] =	vst v63  }
0xb7: {  	s28 =	rddreg [dreg:$0x13]  }
0xb8: {  	[spmem:s30] =	stream.linear.scatter [tilespmem:s13], [sflag:$0x7], $0x800, $0x38;
	[tilespmem:$0x1C380] =	vst v63  }
0xb9: {  	s29 =	rddreg [dreg:$0x14]  }
0xba: {  	[spmem:s28] =	stream.linear.scatter [tilespmem:s13], [sflag:$0x7], $0x800, $0x38;
	[tilespmem:$0x1C380] =	vst v63  }
0xbb: {  	s30 =	rddreg [dreg:$0x15]  }
0xbc: {  	[spmem:s29] =	stream.linear.scatter [tilespmem:s13], [sflag:$0x7], $0x800, $0x38;
	[tilespmem:$0x1C380] =	vst v63  }
0xbd: {  	s28 =	rddreg [dreg:$0x16]  }
0xbe: {  	[spmem:s30] =	stream.linear.scatter [tilespmem:s13], [sflag:$0x7], $0x800, $0x38;
	[tilespmem:$0x1C380] =	vst v63  }
0xbf: {  	s29 =	rddreg [dreg:$0x17]  }
0xc0: {  	[spmem:s28] =	stream.linear.scatter [tilespmem:s13], [sflag:$0x7], $0x800, $0x38;
	[tilespmem:$0x1C380] =	vst v63  }
0xc1: {  	s30 =	rddreg [dreg:$0x18]  }
0xc2: {  	[spmem:s29] =	stream.linear.scatter [tilespmem:s13], [sflag:$0x7], $0x800, $0x38;
	[tilespmem:$0x1C380] =	vst v63  }
0xc3: {  	s28 =	rddreg [dreg:$0x19]  }
0xc4: {  	[spmem:s30] =	stream.linear.scatter [tilespmem:s13], [sflag:$0x7], $0x800, $0x38;
	[tilespmem:$0x1C380] =	vst v63  }
0xc5: {  	s29 =	rddreg [dreg:$0x1a]  }
0xc6: {  	[spmem:s28] =	stream.linear.scatter [tilespmem:s13], [sflag:$0x7], $0x800, $0x38;
	[tilespmem:$0x1C380] =	vst v63  }
0xc7: {  	s30 =	rddreg [dreg:$0x1b]  }
0xc8: {  	[spmem:s29] =	stream.linear.scatter [tilespmem:s13], [sflag:$0x7], $0x800, $0x38;
	[tilespmem:$0x1C380] =	vst v63  }
0xc9: {  	s28 =	rddreg [dreg:$0x1c]  }
0xca: {  	[spmem:s30] =	stream.linear.scatter [tilespmem:s13], [sflag:$0x7], $0x800, $0x38;
	[tilespmem:$0x1C380] =	vst v63  }
0xcb: {  	s29 =	rddreg [dreg:$0x1d]  }
0xcc: {  	[spmem:s28] =	stream.linear.scatter [tilespmem:s13], [sflag:$0x7], $0x800, $0x38;
	[tilespmem:$0x1C380] =	vst v63  }
0xcd: {  	s30 =	rddreg [dreg:$0x1e]  }
0xce: {  	[spmem:s29] =	stream.linear.scatter [tilespmem:s13], [sflag:$0x7], $0x800, $0x38;
	[tilespmem:$0x1C380] =	vst v63  }
0xcf: {  	s28 =	rddreg [dreg:$0x1f]  }
0xd0: {  	[spmem:s30] =	stream.linear.scatter [tilespmem:s13], [sflag:$0x7], $0x800, $0x38;
	[tilespmem:$0x1C380] =	vst v63  }
0xd1: {  	s29 =	sld [smem:$0x7EA]  }
0xd2: {  	[spmem:s28] =	stream.linear.scatter [tilespmem:s13], [sflag:$0x7], $0x800, $0x38;
	[tilespmem:$0x1C380] =	vst v63  }
0xd3: {  	s30 =	sld [smem:$0x7EB]  }
0xd4: {  	[spmem:s29] =	stream.linear.scatter [tilespmem:s13], [sflag:$0x7], $0x800, $0x38;
	[tilespmem:$0x1C380] =	vst v63  }
0xd5: {  	s28 =	sld [smem:$0x7EC]  }
0xd6: {  	[spmem:s30] =	stream.linear.scatter [tilespmem:s13], [sflag:$0x7], $0x800, $0x38;
	[tilespmem:$0x1C380] =	vst v63  }
0xd7: {  	s29 =	sld [smem:$0x7ED]  }
0xd8: {  	[spmem:s28] =	stream.linear.scatter [tilespmem:s13], [sflag:$0x7], $0x800, $0x38;
	[tilespmem:$0x1C380] =	vst v63  }
0xd9: {  	s30 =	sld [smem:$0x7EE]  }
0xda: {  	[spmem:s29] =	stream.linear.scatter [tilespmem:s13], [sflag:$0x7], $0x800, $0x38;
	[tilespmem:$0x1C380] =	vst v63  }
0xdb: {  	s28 =	sld [smem:$0x7EF]  }
0xdc: {  	[spmem:s30] =	stream.linear.scatter [tilespmem:s13], [sflag:$0x7], $0x800, $0x38;
	[tilespmem:$0x1C380] =	vst v63  }
0xdd: {  	s29 =	sld [smem:$0x7F0]  }
0xde: {  	[spmem:s28] =	stream.linear.scatter [tilespmem:s13], [sflag:$0x7], $0x800, $0x38;
	[tilespmem:$0x1C380] =	vst v63  }
0xdf: {  	s30 =	sld [smem:$0x7F1]  }
0xe0: {  	[spmem:s29] =	stream.linear.scatter [tilespmem:s13], [sflag:$0x7], $0x800, $0x38;
	[tilespmem:$0x1C380] =	vst v63  }
0xe1: {  	s28 =	sld [smem:$0x7F2]  }
0xe2: {  	[spmem:s30] =	stream.linear.scatter [tilespmem:s13], [sflag:$0x7], $0x800, $0x38;
	[tilespmem:$0x1C380] =	vst v63  }
0xe3: {  	s29 =	sld [smem:$0x7F3]  }
0xe4: {  	[spmem:s28] =	stream.linear.scatter [tilespmem:s13], [sflag:$0x7], $0x800, $0x38;
	[tilespmem:$0x1C380] =	vst v63  }
0xe5: {  	s30 =	sld [smem:$0x7F4]  }
0xe6: {  	[spmem:s29] =	stream.linear.scatter [tilespmem:s13], [sflag:$0x7], $0x800, $0x38;
	[tilespmem:$0x1C380] =	vst v63  }
0xe7: {  	s28 =	sld [smem:$0x7F5]  }
0xe8: {  	[spmem:s30] =	stream.linear.scatter [tilespmem:s13], [sflag:$0x7], $0x800, $0x38;
	[tilespmem:$0x1C380] =	vst v63  }
0xe9: {  	s29 =	sld [smem:$0x7F6]  }
0xea: {  	[spmem:s28] =	stream.linear.scatter [tilespmem:s13], [sflag:$0x7], $0x800, $0x38;
	[tilespmem:$0x1C380] =	vst v63  }
0xeb: {  	s30 =	sld [smem:$0x7F7]  }
0xec: {  	[spmem:s29] =	stream.linear.scatter [tilespmem:s13], [sflag:$0x7], $0x800, $0x38;
	[tilespmem:$0x1C380] =	vst v63  }
0xed: {  	s28 =	sld [smem:$0x7F8]  }
0xee: {  	[spmem:s30] =	stream.linear.scatter [tilespmem:s13], [sflag:$0x7], $0x800, $0x38;
	[tilespmem:$0x1C380] =	vst v63  }
0xef: {  	s29 =	sld [smem:$0x7F9]  }
0xf0: {  	[spmem:s28] =	stream.linear.scatter [tilespmem:s13], [sflag:$0x7], $0x800, $0x38;
	[tilespmem:$0x1C380] =	vst v63  }
0xf1: {  	s30 =	sld [smem:$0x7FA]  }
0xf2: {  	[spmem:s29] =	stream.linear.scatter [tilespmem:s13], [sflag:$0x7], $0x800, $0x38;
	[tilespmem:$0x1C380] =	vst v63  }
0xf3: {  	s28 =	sld [smem:$0x7FB]  }
0xf4: {  	[spmem:s30] =	stream.linear.scatter [tilespmem:s13], [sflag:$0x7], $0x800, $0x38;
	[tilespmem:$0x1C380] =	vst v63  }
0xf5: {  	s29 =	sld [smem:$0x7FC]  }
0xf6: {  	[spmem:s28] =	stream.linear.scatter [tilespmem:s13], [sflag:$0x7], $0x800, $0x38;
	[tilespmem:$0x1C380] =	vst v63  }
0xf7: {  	s30 =	sld [smem:$0x7FD]  }
0xf8: {  	[spmem:s29] =	stream.linear.scatter [tilespmem:s13], [sflag:$0x7], $0x800, $0x38;
	[tilespmem:$0x1C380] =	vst v63  }
0xf9: {  	_ = 	snop  }
0xfa: {  	[spmem:s30] =	stream.linear.scatter [tilespmem:s13], [sflag:$0x7], $0x800, $0x38;
	[tilespmem:$0x1C380] =	vst v63  }
0xfb: {  	_ = 	snop  }
0xfc: {  	[spmem:s31] =	stream.linear.scatter [tilespmem:s13], [sflag:$0x7], $0x800, $0x38;
	[tilespmem:$0x1C380] =	vst v63  }
0xfd: {  	_ = 	snop  }
0xfe: {  	[spmem:s1] =	stream.linear.scatter [tilespmem:s13], [sflag:$0x7], $0x800, $0x38;
	[tilespmem:$0x1C380] =	vst v63  }
0xff: {  	_ = 	snop  }
0x100: {  	[spmem:s2] =	stream.linear.scatter [tilespmem:s13], [sflag:$0x7], $0x800, $0x38;
	[tilespmem:$0x1C380] =	vst v63  }
0x101: {  	_ = 	snop  }
0x102: {  	[spmem:s6] =	stream.linear.scatter [tilespmem:s13], [sflag:$0x7], $0x800, $0x38;
	[tilespmem:$0x1C380] =	vst v63  }
0x103: {  	_ = 	snop  }
0x104: {  	[spmem:s8] =	stream.linear.scatter [tilespmem:s13], [sflag:$0x7], $0x800, $0x38;
	[tilespmem:$0x1C380] =	vst v63  }
0x105: {  	_ =	swait.ge [sflag:s5], $0x800  }
0x106: {  	s26 =	simm.s32 $0x27;
	[sflag:s5] =	ssyncset.done $0x0  }
.LBB2_4:
0x107: {  	p1 =	sne.s32 s26, $0x1;
	s26 =	sadd.s32 $0xFFFFFFFF, s26;
	[sflag:s5] =	ssyncadd.s32 $0xFFFFF800  }
.Ltmp3:
0x108: {  	(pc) =	sbr.rel @p1 .LBB2_4-.Ltmp3, $3  }
0x109: {  	_ =	sdelay $0x1  }
0x10a: {  	_ =	swait.ge [sflag:s5], $0x800  }
0x10b: {  	[sflag:s5] =	ssyncset.done $0x0  }
0x10c: {  	[sflag:s5] =	ssyncadd.s32 $0xFFFFF800  }
0x10d: {  	s26 =	simm.s32 $0x0;
	[bflag:$0x0] =	sbarrier.arrive $0xFFFF  }
.LBB2_6:
0x10e: {  	_ =	swait.ge [sflag:s14], $0x4000  }
0x10f: {  	p1 =	seq.s32 s26, $0x0;
	[sflag:s14] =	ssyncset.done $0x0  }
0x110: {  	s28 =	simm.s32 @!p1 $0x4;
	[sflag:s14] =	ssyncadd.s32 $0xFFFFC000  }
0x111: {  	_ =	swait.ge @!p1 [sflag:s28], $0x4000  }
0x112: {  	[sflag:s28] =	ssyncset.done @!p1 $0x0  }
0x113: {  	[sflag:s28] =	ssyncadd.s32 @!p1 $0xFFFFC000  }
0x114: {  	_ =	swait.ge [sflag:s15], $0x100  }
0x115: {  	[sflag:s15] =	ssyncset.done $0x0  }
0x116: {  	[sflag:s15] =	ssyncadd.s32 $0xFFFFFF00  }
0x117: {  	v1 =	vld [tilespmem:$0x180]  }
0x118: {  	v2 =	vld [tilespmem:$0x190]  }
0x119: {  	v3 =	vld [tilespmem:$0x1A0]  }
0x11a: {  	v4 =	vld [tilespmem:$0x1B0]  }
0x11b: {  	v5 =	vld [tilespmem:$0x1C0]  }
0x11c: {  	[tilespmem:$0x280] =	vst v1;
	v1 =	vld [tilespmem:$0x1D0]  }
0x11d: {  	[tilespmem:$0x290] =	vst v2;
	v2 =	vld [tilespmem:$0x1E0]  }
0x11e: {  	[tilespmem:$0x2A0] =	vst v3;
	v3 =	vld [tilespmem:$0x1F0]  }
0x11f: {  	p1 =	seq.s32 s26, $0x980;
	[tilespmem:$0x2B0] =	vst v4  }
.Ltmp4:
0x120: {  	[tilespmem:$0x2C0] =	vst v5;
	(pc) =	sbr.rel @p1 .LBB2_8-.Ltmp4, $4  }
0x121: {  	[tilespmem:$0x2D0] =	vst v1  }
0x122: {  	[tilespmem:$0x2E0] =	vst v2  }
0x123: {  	[tilespmem:$0x2F0] =	vst v3  }
0x124: {  	[tilespmem:s16], [sflag:$0x2] =	stream.indirect.gather [hbm4b:s0+s10], $0x80, s12, s10, $0xb8;
	[tilespmem:$0x1C380] =	vst v63  }
0x125: {  	s28 =	sadd.s32 s26, s25  }
0x126: {  	[tilespmem:s4], [sflag:$0x5] =	stream.linear.gather [hbm4b:s28+s4], $0x100, $0x38;
	[tilespmem:$0x1C380] =	vst v63  }
0x127: {  	_ = 	snop  }
0x128: {  	[spmem:s3] =	stream.indirect.scatter.add.f32 [tilespmem:s11], [sflag:$0x3], $0x80, s17, s10, $0xb8;
	[tilespmem:$0x1C380] =	vst v63  }
0x129: {  	_ =	swait.ge [sflag:s18], $0x4000  }
0x12a: {  	[sflag:s18] =	ssyncset.done $0x0  }
0x12b: {  	[sflag:s18] =	ssyncadd.s32 $0xFFFFC000  }
0x12c: {  	_ =	swait.ge [sflag:s19], $0x4000  }
0x12d: {  	[sflag:s19] =	ssyncset.done $0x0  }
0x12e: {  	[sflag:s19] =	ssyncadd.s32 $0xFFFFC000  }
0x12f: {  	_ =	swait.ge [sflag:s22], $0x100  }
0x130: {  	[sflag:s22] =	ssyncset.done $0x0  }
0x131: {  	[sflag:s22] =	ssyncadd.s32 $0xFFFFFF00  }
0x132: {  	v1 =	vld [tilespmem:$0x80]  }
0x133: {  	v2 =	vld [tilespmem:$0x90]  }
0x134: {  	v3 =	vld [tilespmem:$0xA0]  }
0x135: {  	v4 =	vld [tilespmem:$0xB0]  }
0x136: {  	v5 =	vld [tilespmem:$0xC0]  }
0x137: {  	[tilespmem:$0x200] =	vst v1;
	v1 =	vld [tilespmem:$0xD0]  }
0x138: {  	[tilespmem:$0x210] =	vst v2;
	v2 =	vld [tilespmem:$0xE0]  }
0x139: {  	[tilespmem:$0x220] =	vst v3;
	v3 =	vld [tilespmem:$0xF0]  }
0x13a: {  	[tilespmem:$0x230] =	vst v4  }
0x13b: {  	[tilespmem:$0x240] =	vst v5  }
0x13c: {  	[tilespmem:$0x250] =	vst v1  }
0x13d: {  	[tilespmem:$0x260] =	vst v2  }
0x13e: {  	[tilespmem:$0x270] =	vst v3  }
0x13f: {  	[tilespmem:s11], [sflag:$0x1] =	stream.indirect.gather [hbm4b:s0+s10], $0x80, s4, s10, $0xb8;
	[tilespmem:$0x1C380] =	vst v63  }
.Ltmp5:
0x140: {  	_ = 	snop;
	(pc) =	sbr.rel .LBB2_6-.Ltmp5, $4  }
0x141: {  	s30 =	sadd.s32 s26, s24  }
0x142: {  	[tilespmem:s12], [sflag:$0x6] =	stream.linear.gather [hbm4b:s30+s4], $0x100, $0x38;
	[tilespmem:$0x1C380] =	vst v63  }
0x143: {  	s26 =	sadd.s32 $0x40, s26  }
0x144: {  	[spmem:s3] =	stream.indirect.scatter.add.f32 [tilespmem:s16], [sflag:$0x4], $0x80, s20, s10, $0xb8;
	[tilespmem:$0x1C380] =	vst v63  }
.LBB2_9:
0x145: {  	_ =	sfence.sel $0x180000  }
0x146: {  	[bflag:$0x0] =	sbarrier.arrive $0xFFFF  }
0x147: {  	_ =	strace $0x9000004A  }
0x148: {  	s0 =	stileid.u32;
	[bflag:$0x2] =	sbarrier.arrive $0xFFFF  }
0x149: {  	p0 =	sne.s32 s0, $0x0;
	s0 =	rddreg [dreg:$0x4]  }
0x14a: {  	s0 =	sadd.s32 @!p0 $0x100000, s0  }
0x14b: {  	[sflag:s0] =	ssyncadd.tile.s32 @!p0 $0x1;
	_ =	shalt  }
.Lfunc_end2:
_tile_overlayer_lowered:
.L_overlay_start_2:
0x14c: {  	(tag) =	ssettag $0x2  }
0x14d: {  	s0 =	rddreg [dreg:$0x0];
	s2 =	stileid.u32  }
0x14e: {  	s1 =	rddreg [dreg:$0x1];
	p0 =	sne.s32 s2, $0x0  }
0x14f: {  	s3 =	rddreg [dreg:$0x2];
	[bflag:$0x3] =	sbarrier.arrive $0xFFFF;
	s2 =	simm.s32 @!p0 $0x1C08  }
0x150: {  	[timem:s3], [sflag:s2] =	dma.local @!p0 [hbm:s0], s1  }
0x151: {  	s0 =	simm.s32 @!p0 $0x8  }
0x152: {  	_ =	swait.ge @!p0 [sflag:s0], s1  }
0x153: {  	s1 =	ssub.s32 @!p0 $0x0, s1;
	[sflag:s0] =	ssyncset.done @!p0 $0x0  }
0x154: {  	[sflag:s0] =	ssyncadd.s32 @!p0 s1  }
0x155: {  	[bflag:$0x3] =	sbarrier.arrive $0xFFFF  }
0x156: {  	_ =	shalt  }

</sc_bundles>
